<compile_context>
chip_gen: v7x
topology: tpu7x:2x2x1
jax: 0.10.2.dev20260603
libtpu: 0.0.44.dev20260713+nightly
codegen_flags: <defaults>
</compile_context>

<pallas_src>
import jax
import jax.numpy as jnp
from jax.experimental import pallas as pl
from jax.experimental.pallas import tpu as pltpu
from jax.experimental.pallas import tpu_sc as plsc

B = 64
D_OBS = 768
MOD = 32
HID = 2048
L = 64
CD = 32
K = 8192
BL = B * L

KBLK = 512
NBLK = K // KBLK


def _enc_body(obs_ref, act_ref, w1_ref, b1_ref, w2_ref, b2_ref, z_ref):
    x = jnp.concatenate([obs_ref[...], act_ref[...]], axis=1)
    h = jnp.maximum(jnp.dot(x, w1_ref[...]) + b1_ref[...], 0.0)
    z_ref[...] = jnp.dot(h, w2_ref[...]) + b2_ref[...]


def _vq_body(zrt_ref, cb3_ref, codes_ref):
    zrt = zrt_ref[...]
    ze_sq = jnp.sum(zrt * zrt, axis=0, keepdims=True)

    ii8 = jax.lax.broadcasted_iota(jnp.int32, (8, 1), 0).astype(jnp.float32)

    def dots_blk(blk):
        cb = cb3_ref[blk] * -2.0
        cb_sq = 0.25 * jnp.sum(cb * cb, axis=1, keepdims=True)
        dots2 = jax.lax.dot_general(
            cb, zrt, dimension_numbers=(((1,), (0,)), ((), ())))
        return dots2, cb_sq

    def argmin_blk(blk, dots2, cb_sq, best_d, best_i):
        cur_d = (ze_sq + dots2[0:8, :]) + cb_sq[0:8, :]
        cur_i = jnp.broadcast_to(ii8, (8, BL))
        for r in range(1, KBLK // 8):
            d2r = (ze_sq + dots2[r * 8:(r + 1) * 8, :]) + cb_sq[r * 8:(r + 1) * 8, :]
            takeb = d2r < cur_d
            cur_d = jnp.minimum(cur_d, d2r)
            cur_i = jnp.where(takeb, ii8 + float(r * 8), cur_i)
        for h in (4, 2, 1):
            da, db = cur_d[:h, :], cur_d[h:2 * h, :]
            ia, ib = cur_i[:h, :], cur_i[h:2 * h, :]
            takeb = (db < da) | ((db == da) & (ib < ia))
            cur_d = jnp.where(takeb, db, da)
            cur_i = jnp.where(takeb, ib, ia)
        m = cur_d
        li = cur_i + (blk * KBLK).astype(jnp.float32)
        upd = m < best_d
        return (jnp.where(upd, m, best_d), jnp.where(upd, li, best_i))

    def step(i2, carry):
        best_d, best_i = carry
        b0 = i2 * 2
        b1 = b0 + 1
        dots0, csq0 = dots_blk(b0)
        dots1, csq1 = dots_blk(b1)
        best_d, best_i = argmin_blk(b0, dots0, csq0, best_d, best_i)
        best_d, best_i = argmin_blk(b1, dots1, csq1, best_d, best_i)
        return (best_d, best_i)

    best_d = jnp.full((1, BL), jnp.inf, jnp.float32)
    best_i = jnp.zeros((1, BL), jnp.float32)
    _, best_i = jax.lax.fori_loop(0, NBLK // 2, step, (best_d, best_i))
    codes_ref[...] = best_i.astype(jnp.int32)


def _dec_body(ze_ref, zq_ref, w1_ref, b1_ref, w2_ref, b2_ref,
              recon_ref, loss_ref):
    ze = ze_ref[...]
    zq = zq_ref[...]
    diff = ze - zq
    l0 = jnp.sum(diff * diff) / float(BL * CD)
    loss_ref[...] = jnp.reshape(l0 + 0.25 * l0, (1, 1))
    zst = ze + (zq - ze)
    h2 = jnp.maximum(jnp.dot(zst, w1_ref[...]) + b1_ref[...], 0.0)
    recon_ref[...] = jnp.dot(h2, w2_ref[...]) + b2_ref[...]


def _sc_gather(cb_pad, codes_row):
    window = 128
    mesh = plsc.VectorSubcoreMesh(core_axis_name="c", subcore_axis_name="s")

    @pl.kernel(out_type=jax.ShapeDtypeStruct((BL, 128), cb_pad.dtype),
               mesh=mesh)
    def kern(cb_hbm, i_hbm, o_hbm):
        def body(i_vmem, o_vmem):
            pltpu.sync_copy(cb_hbm.at[i_vmem.at[0]], o_vmem)

        pltpu.emit_pipeline(
            body,
            grid=(BL // window,),
            in_specs=[pl.BlockSpec((1, window), index_map=lambda i: (0, i))],
            out_specs=[pl.BlockSpec((window, 128), index_map=lambda i: (i, 0))],
            core_axis_name=("c", "s"),
            dimension_semantics=(pltpu.PARALLEL,),
        )(i_hbm, o_hbm)

    return kern(cb_pad, codes_row)


def kernel(obs, action, W_enc1, b_enc1, W_enc2, b_enc2, codebook,
           W_dec1, b_dec1, W_dec2, b_dec2):
    f32 = jnp.float32
    z_e = pl.pallas_call(
        _enc_body,
        out_shape=jax.ShapeDtypeStruct((B, HID), f32),
    )(obs, action, W_enc1, b_enc1.reshape(1, HID), W_enc2,
      b_enc2.reshape(1, L * CD))

    zr = z_e.reshape(BL, CD)
    cb3 = codebook.reshape(NBLK, KBLK, CD)
    codes = pl.pallas_call(
        _vq_body,
        out_shape=jax.ShapeDtypeStruct((1, BL), jnp.int32),
    )(zr.T, cb3)

    cb_pad = jnp.pad(codebook, ((0, 0), (0, 128 - CD)))
    z_q = _sc_gather(cb_pad, codes)[:, :CD]

    recon, loss = pl.pallas_call(
        _dec_body,
        out_shape=[jax.ShapeDtypeStruct((B, D_OBS), f32),
                   jax.ShapeDtypeStruct((1, 1), f32)],
    )(z_e, z_q.reshape(B, L * CD), W_dec1, b_dec1.reshape(1, HID),
      W_dec2, b_dec2.reshape(1, D_OBS))

    return recon, loss.reshape(())

# --- scband reference (transcript-rebuilt; emitter-appended) ---
"""Pipeline reference for scband-vqvaeforward-module-19902878449737 (READ-ONLY COPY).

The authoritative reference and input builder live on the scoring server;
editing this copy changes nothing except your own understanding.
"""

import jax, jax.numpy as jnp
import numpy as np

B = 64
D_OBS = 768
MOD = 32
HID = 2048
L = 64
CD = 32
K = 8192


def setup_inputs(seed: int = 0) -> dict:
    key = jax.random.key(seed)
    ks = jax.random.split(key, 10)
    inp = {
        "obs": jax.random.normal(ks[0], (B, D_OBS), dtype=jnp.float32),
        "action": jax.random.normal(ks[1], (B, MOD), dtype=jnp.float32),
        "W_enc1": jax.random.normal(ks[2], (D_OBS + MOD, HID), dtype=jnp.float32) * 0.02,
        "b_enc1": jnp.zeros((HID,), dtype=jnp.float32),
        "W_enc2": jax.random.normal(ks[3], (HID, L * CD), dtype=jnp.float32) * 0.02,
        "b_enc2": jnp.zeros((L * CD,), dtype=jnp.float32),
        "codebook": jax.random.normal(ks[4], (K, CD), dtype=jnp.float32) * 0.05,
        "W_dec1": jax.random.normal(ks[5], (L * CD, HID), dtype=jnp.float32) * 0.02,
        "b_dec1": jnp.zeros((HID,), dtype=jnp.float32),
        "W_dec2": jax.random.normal(ks[6], (HID, D_OBS), dtype=jnp.float32) * 0.02,
        "b_dec2": jnp.zeros((D_OBS,), dtype=jnp.float32),
    }
    return inp


def reference(obs, action, W_enc1, b_enc1, W_enc2, b_enc2, codebook, W_dec1, b_dec1, W_dec2, b_dec2):
    # --- Encoder: multimodal fusion of obs + action (mod) ---
    x = jnp.concatenate([obs, action], axis=-1)              # [B, D_OBS+MOD]
    h = jax.nn.relu(jnp.dot(x, W_enc1) + b_enc1)             # [B, HID]
    z_e = (jnp.dot(h, W_enc2) + b_enc2).reshape(B, L, CD)    # [B, L, CD]

    # --- Vector quantization against codebook [K, CD] ---
    ze_sq = jnp.sum(z_e * z_e, axis=-1, keepdims=True)       # [B, L, 1]
    cb_sq = jnp.sum(codebook * codebook, axis=-1)            # [K]
    dots = jnp.einsum('blc,kc->blk', z_e, codebook)          # [B, L, K] -- compute heavy
    d2 = ze_sq - 2.0 * dots + cb_sq[None, None, :]           # [B, L, K]
    codes = jnp.argmin(d2, axis=-1)                          # [B, L]
    z_q = jnp.take(codebook, codes, axis=0)                  # [B, L, CD] gather

    # --- VQ losses (codebook + commitment) ---
    codebook_loss = jnp.mean((jax.lax.stop_gradient(z_e) - z_q) ** 2)
    commit_loss = jnp.mean((z_e - jax.lax.stop_gradient(z_q)) ** 2)
    vq_loss = codebook_loss + 0.25 * commit_loss

    # --- Straight-through estimator ---
    z_st = z_e + jax.lax.stop_gradient(z_q - z_e)            # [B, L, CD]

    # --- Decoder: predict observation ---
    h2 = jax.nn.relu(jnp.dot(z_st.reshape(B, L * CD), W_dec1) + b_dec1)
    recon = jnp.dot(h2, W_dec2) + b_dec2                     # [B, D_OBS]

    return recon, vq_loss

if __name__ == "__main__":
    import jax
    _d = setup_inputs()
    print(jax.jit(kernel)(*tuple(_d.values())))

</pallas_src>

<mosaic_0001>
#map = affine_map<(d0, d1) -> (0, 0)>
module attributes {stable_mosaic.version = 14 : i64} {
  func.func @kern(%arg0: i32, %arg1: i32, %arg2: memref<8192x128xf32, #tpu.memory_space<hbm>>, %arg3: memref<1x4096xi32, #tpu.memory_space<hbm>>, %arg4: memref<4096x128xf32, #tpu.memory_space<hbm>>) attributes {dimension_semantics = [#tpu.dimension_semantics<core_parallel>, #tpu.dimension_semantics<subcore_parallel>], iteration_bounds = array<i64: 2, 16>, scalar_prefetch = 0 : i64, scratch_operands = 0 : i64, tpu.core_type = #tpu.core_type<sc_vector_subcore>, window_params = [{transform_indices = #map}, {transform_indices = #map}, {transform_indices = #map}]} {
    %mul3A = arith.constant 1 : i32
    %mul3A_0 = arith.muli %arg1, %mul3A : i32
    %add3A = arith.constant 0 : i32
    %add3A_1 = arith.addi %add3A, %mul3A_0 : i32
    %mul3A_2 = arith.constant 16 : i32
    %mul3A_3 = arith.muli %arg0, %mul3A_2 : i32
    %add3A_4 = arith.addi %add3A_1, %mul3A_3 : i32
    %mul3A_5 = arith.constant 1 : i32
    %mul3A_6 = arith.muli %add3A_4, %mul3A_5 : i32
    "tpu.region"() ({
      %run_scoped3A = memref.alloca() : memref<2x1x128xi32, #tpu.memory_space<vmem>>
      %run_scoped3A_7 = tpu.sem_alloc : memref<2x!tpu.dma_semaphore, #tpu.memory_space<semaphore_mem>>
      %run_scoped3A_8 = memref.alloca() : memref<2x128x128xf32, #tpu.memory_space<vmem>>
      %run_scoped3A_9 = tpu.sem_alloc : memref<2x!tpu.dma_semaphore, #tpu.memory_space<semaphore_mem>>
      %add3A_10 = arith.constant 0 : i32
      %add3A_11 = arith.addi %add3A_10, %mul3A_6 : i32
      %select_n3A = arith.constant true
      %select_n3A_12 = arith.constant 0 : i32
      %select_n3A_13 = arith.constant -1 : i32
      %select_n3A_14 = arith.select %select_n3A, %select_n3A_13, %select_n3A_12 : i32
      %eq3A = arith.constant -1 : i32
      %eq3A_15 = arith.cmpi eq, %select_n3A_14, %eq3A : i32
      %select_n3A_16 = arith.constant 0 : i32
      %select_n3A_17 = arith.select %eq3A_15, %select_n3A_16, %select_n3A_14 : i32
      %add3A_18 = arith.constant 0 : i32
      %add3A_19 = arith.addi %add3A_18, %mul3A_6 : i32
      %select_n3A_20 = arith.constant true
      %select_n3A_21 = arith.constant 0 : i32
      %select_n3A_22 = arith.constant 1 : i32
      %select_n3A_23 = arith.select %select_n3A_20, %select_n3A_22, %select_n3A_21 : i32
      %eq3A_24 = arith.constant 1 : i32
      %eq3A_25 = arith.cmpi eq, %select_n3A_23, %eq3A_24 : i32
      %select_n3A_26 = arith.constant 0 : i32
      %select_n3A_27 = arith.select %eq3A_25, %select_n3A_26, %select_n3A_23 : i32
      %add3A_28 = arith.constant 0 : i32
      %add3A_29 = arith.addi %add3A_28, %mul3A_6 : i32
      %select_n3A_30 = arith.constant true
      %select_n3A_31 = arith.constant 0 : i32
      %select_n3A_32 = arith.constant 1 : i32
      %select_n3A_33 = arith.select %select_n3A_30, %select_n3A_32, %select_n3A_31 : i32
      %eq3A_34 = arith.constant 1 : i32
      %eq3A_35 = arith.cmpi eq, %select_n3A_33, %eq3A_34 : i32
      %select_n3A_36 = arith.constant 0 : i32
      %select_n3A_37 = arith.select %eq3A_35, %select_n3A_36, %select_n3A_33 : i32
      %add3A_38 = arith.constant 0 : i32
      %add3A_39 = arith.addi %add3A_38, %mul3A_6 : i32
      "tpu.trace_start"() <{level = 10 : i32, message = "ep_initialize_0"}> : () -> ()
      %rem3A = arith.constant 0 : i32
      %rem3A_40 = arith.constant 2 : i32
      %rem3A_41 = arith.remui %rem3A, %rem3A_40 : i32
      %mul3A_42 = arith.constant 128 : i32
      %mul3A_43 = arith.muli %mul3A_42, %add3A_11 : i32
      %dma_start3A = arith.constant 0 : i32
      %dma_start3A_44 = arith.constant 0 : i32
      %dma_start3A_45 = tpu.memref_slice %run_scoped3A[%rem3A_41, %dma_start3A, %dma_start3A_44] : memref<2x1x128xi32, #tpu.memory_space<vmem>> -> memref<1x1x128xi32, #tpu.memory_space<vmem>>
      %dma_start3A_46 = tpu.memref_squeeze %dma_start3A_45 : memref<1x1x128xi32, #tpu.memory_space<vmem>> -> memref<1x128xi32, #tpu.memory_space<vmem>>
      %dma_start3A_47 = arith.constant 0 : i32
      %dma_start3A_48 = tpu.memref_slice %arg3[%dma_start3A_47, %mul3A_43] : memref<1x4096xi32, #tpu.memory_space<hbm>> -> memref<1x128xi32, #tpu.memory_space<hbm>>
      %dma_start3A_49 = tpu.memref_slice %run_scoped3A_7[%rem3A_41] : memref<2x!tpu.dma_semaphore, #tpu.memory_space<semaphore_mem>> -> memref<1x!tpu.dma_semaphore, #tpu.memory_space<semaphore_mem>>
      %dma_start3A_50 = tpu.memref_squeeze %dma_start3A_49 : memref<1x!tpu.dma_semaphore, #tpu.memory_space<semaphore_mem>> -> memref<!tpu.dma_semaphore, #tpu.memory_space<semaphore_mem>>
      %dma_start3A_51 = arith.constant 0 : i32
      %dma_start3A_52 = arith.constant 0 : i32
      %dma_start3A_53 = tpu.memref_slice %run_scoped3A[%rem3A_41, %dma_start3A_51, %dma_start3A_52] : memref<2x1x128xi32, #tpu.memory_space<vmem>> -> memref<1x1x128xi32, #tpu.memory_space<vmem>>
      %dma_start3A_54 = tpu.memref_squeeze %dma_start3A_53 : memref<1x1x128xi32, #tpu.memory_space<vmem>> -> memref<1x128xi32, #tpu.memory_space<vmem>>
      %dma_start3A_55 = arith.constant 0 : i32
      %dma_start3A_56 = tpu.memref_slice %arg3[%dma_start3A_55, %mul3A_43] : memref<1x4096xi32, #tpu.memory_space<hbm>> -> memref<1x128xi32, #tpu.memory_space<hbm>>
      tpu.enqueue_dma source(%dma_start3A_56 : memref<1x128xi32, #tpu.memory_space<hbm>>) target(%dma_start3A_54 : memref<1x128xi32, #tpu.memory_space<vmem>>) target_semaphore(%dma_start3A_50 : memref<!tpu.dma_semaphore, #tpu.memory_space<semaphore_mem>>)
      %add3A_57 = arith.constant 0 : i32
      %add3A_58 = arith.constant 1 : i32
      %add3A_59 = arith.addi %add3A_57, %add3A_58 : i32
      %select_n3A_60 = arith.constant true
      %select_n3A_61 = arith.constant 0 : i32
      %select_n3A_62 = arith.select %select_n3A_60, %add3A_59, %select_n3A_61 : i32
      "tpu.trace_stop"() : () -> ()
      %scan3A = arith.constant 0 : i32
      %scan3A_63 = arith.constant 0 : i32
      %scan3A_64 = arith.constant 0 : i32
      %scan3A_65 = arith.constant 0 : i32
      %scan3A_66 = arith.constant 0 : i32
      %eq3A_67 = arith.constant 0 : i32
      %eq3A_68 = arith.cmpi eq, %scan3A_66, %eq3A_67 : i32
      %eq3A_69 = arith.constant 0 : i32
      %eq3A_70 = arith.cmpi eq, %scan3A_66, %eq3A_69 : i32
      %add3A_71 = arith.constant 0 : i32
      %add3A_72 = arith.addi %add3A_71, %mul3A_6 : i32
      %select_n3A_73 = arith.constant true
      %select_n3A_74 = arith.constant 0 : i32
      %select_n3A_75 = arith.constant -1 : i32
      %select_n3A_76 = arith.select %select_n3A_73, %select_n3A_75, %select_n3A_74 : i32
      %eq3A_77 = arith.constant -1 : i32
      %eq3A_78 = arith.cmpi eq, %select_n3A_76, %eq3A_77 : i32
      %select_n3A_79 = arith.constant 0 : i32
      %select_n3A_80 = arith.select %eq3A_78, %select_n3A_79, %select_n3A_76 : i32
      %add3A_81 = arith.constant 0 : i32
      %add3A_82 = arith.addi %add3A_81, %mul3A_6 : i32
      %select_n3A_83 = arith.constant true
      %select_n3A_84 = arith.constant 0 : i32
      %select_n3A_85 = arith.constant 1 : i32
      %select_n3A_86 = arith.select %select_n3A_83, %select_n3A_85, %select_n3A_84 : i32
      %eq3A_87 = arith.constant 1 : i32
      %eq3A_88 = arith.cmpi eq, %select_n3A_86, %eq3A_87 : i32
      %select_n3A_89 = arith.constant 0 : i32
      %select_n3A_90 = arith.select %eq3A_88, %select_n3A_89, %select_n3A_86 : i32
      %add3A_91 = arith.constant 0 : i32
      %add3A_92 = arith.addi %add3A_91, %mul3A_6 : i32
      %select_n3A_93 = arith.constant true
      %select_n3A_94 = arith.constant 0 : i32
      %select_n3A_95 = arith.constant 1 : i32
      %select_n3A_96 = arith.select %select_n3A_93, %select_n3A_95, %select_n3A_94 : i32
      %eq3A_97 = arith.constant 1 : i32
      %eq3A_98 = arith.cmpi eq, %select_n3A_96, %eq3A_97 : i32
      %select_n3A_99 = arith.constant 0 : i32
      %select_n3A_100 = arith.select %eq3A_98, %select_n3A_99, %select_n3A_96 : i32
      %add3A_101 = arith.constant 0 : i32
      %add3A_102 = arith.addi %add3A_101, %mul3A_6 : i32
      %ne3A = arith.cmpi ne, %add3A_72, %add3A_92 : i32
      %or3A = arith.constant false
      %or3A_103 = arith.ori %or3A, %ne3A : i1
      %ge3A = arith.constant 0 : i32
      %ge3A_104 = arith.cmpi sge, %scan3A_66, %ge3A : i32
      %not3A = arith.constant true
      %not3A_105 = arith.xori %ge3A_104, %not3A : i1
      %and3A = arith.andi %or3A_103, %not3A_105 : i1
      %convert_element_type3A = arith.extui %and3A : i1 to i32
      %cond3A = arith.constant 0 : i32
      %cond3A_106 = arith.cmpi ne, %convert_element_type3A, %cond3A : i32
      scf.if %cond3A_106 {
        "tpu.trace_start"() <{level = 10 : i32, message = "ep_copy_in"}> : () -> ()
        %rem3A_266 = arith.constant 2 : i32
        %rem3A_267 = arith.remui %select_n3A_62, %rem3A_266 : i32
        %mul3A_268 = arith.constant 128 : i32
        %mul3A_269 = arith.muli %mul3A_268, %add3A_92 : i32
        %dma_start3A_270 = arith.constant 0 : i32
        %dma_start3A_271 = arith.constant 0 : i32
        %dma_start3A_272 = tpu.memref_slice %run_scoped3A[%rem3A_267, %dma_start3A_270, %dma_start3A_271] : memref<2x1x128xi32, #tpu.memory_space<vmem>> -> memref<1x1x128xi32, #tpu.memory_space<vmem>>
        %dma_start3A_273 = tpu.memref_squeeze %dma_start3A_272 : memref<1x1x128xi32, #tpu.memory_space<vmem>> -> memref<1x128xi32, #tpu.memory_space<vmem>>
        %dma_start3A_274 = arith.constant 0 : i32
        %dma_start3A_275 = tpu.memref_slice %arg3[%dma_start3A_274, %mul3A_269] : memref<1x4096xi32, #tpu.memory_space<hbm>> -> memref<1x128xi32, #tpu.memory_space<hbm>>
        %dma_start3A_276 = tpu.memref_slice %run_scoped3A_7[%rem3A_267] : memref<2x!tpu.dma_semaphore, #tpu.memory_space<semaphore_mem>> -> memref<1x!tpu.dma_semaphore, #tpu.memory_space<semaphore_mem>>
        %dma_start3A_277 = tpu.memref_squeeze %dma_start3A_276 : memref<1x!tpu.dma_semaphore, #tpu.memory_space<semaphore_mem>> -> memref<!tpu.dma_semaphore, #tpu.memory_space<semaphore_mem>>
        %dma_start3A_278 = arith.constant 0 : i32
        %dma_start3A_279 = arith.constant 0 : i32
        %dma_start3A_280 = tpu.memref_slice %run_scoped3A[%rem3A_267, %dma_start3A_278, %dma_start3A_279] : memref<2x1x128xi32, #tpu.memory_space<vmem>> -> memref<1x1x128xi32, #tpu.memory_space<vmem>>
        %dma_start3A_281 = tpu.memref_squeeze %dma_start3A_280 : memref<1x1x128xi32, #tpu.memory_space<vmem>> -> memref<1x128xi32, #tpu.memory_space<vmem>>
        %dma_start3A_282 = arith.constant 0 : i32
        %dma_start3A_283 = tpu.memref_slice %arg3[%dma_start3A_282, %mul3A_269] : memref<1x4096xi32, #tpu.memory_space<hbm>> -> memref<1x128xi32, #tpu.memory_space<hbm>>
        tpu.enqueue_dma source(%dma_start3A_283 : memref<1x128xi32, #tpu.memory_space<hbm>>) target(%dma_start3A_281 : memref<1x128xi32, #tpu.memory_space<vmem>>) target_semaphore(%dma_start3A_277 : memref<!tpu.dma_semaphore, #tpu.memory_space<semaphore_mem>>)
        "tpu.trace_stop"() : () -> ()
      } else {
      }
      %and3A_107 = arith.constant true
      %and3A_108 = arith.andi %and3A, %and3A_107 : i1
      %add3A_109 = arith.constant 1 : i32
      %add3A_110 = arith.addi %select_n3A_62, %add3A_109 : i32
      %select_n3A_111 = arith.select %and3A_108, %add3A_110, %select_n3A_62 : i32
      %ne3A_112 = arith.cmpi ne, %add3A_72, %add3A_92 : i32
      %or3A_113 = arith.constant false
      %or3A_114 = arith.ori %or3A_113, %ne3A_112 : i1
      %or3A_115 = arith.constant false
      %or3A_116 = arith.ori %or3A_114, %or3A_115 : i1
      %ge3A_117 = arith.constant 0 : i32
      %ge3A_118 = arith.cmpi sge, %scan3A_66, %ge3A_117 : i32
      %not3A_119 = arith.constant true
      %not3A_120 = arith.xori %ge3A_118, %not3A_119 : i1
      %and3A_121 = arith.andi %or3A_116, %not3A_120 : i1
      %ne3A_122 = arith.cmpi ne, %add3A_72, %add3A_82 : i32
      %or3A_123 = arith.constant false
      %or3A_124 = arith.ori %or3A_123, %ne3A_122 : i1
      %or3A_125 = arith.ori %or3A_124, %eq3A_68 : i1
      %convert_element_type3A_126 = arith.extui %or3A_125 : i1 to i32
      %cond3A_127 = arith.constant 0 : i32
      %cond3A_128 = arith.cmpi ne, %convert_element_type3A_126, %cond3A_127 : i32
      scf.if %cond3A_128 {
        "tpu.trace_start"() <{level = 10 : i32, message = "ep_wait_in"}> : () -> ()
        %mul3A_266 = arith.constant 128 : i32
        %mul3A_267 = arith.muli %mul3A_266, %add3A_72 : i32
        %rem3A_268 = arith.constant 2 : i32
        %rem3A_269 = arith.remui %scan3A, %rem3A_268 : i32
        %dma_wait3A_270 = arith.constant 0 : i32
        %dma_wait3A_271 = arith.constant 0 : i32
        %dma_wait3A_272 = tpu.memref_slice %run_scoped3A[%rem3A_269, %dma_wait3A_270, %dma_wait3A_271] : memref<2x1x128xi32, #tpu.memory_space<vmem>> -> memref<1x1x128xi32, #tpu.memory_space<vmem>>
        %dma_wait3A_273 = tpu.memref_squeeze %dma_wait3A_272 : memref<1x1x128xi32, #tpu.memory_space<vmem>> -> memref<1x128xi32, #tpu.memory_space<vmem>>
        %dma_wait3A_274 = arith.constant 0 : i32
        %dma_wait3A_275 = tpu.memref_slice %arg3[%dma_wait3A_274, %mul3A_267] : memref<1x4096xi32, #tpu.memory_space<hbm>> -> memref<1x128xi32, #tpu.memory_space<hbm>>
        %dma_wait3A_276 = tpu.memref_slice %run_scoped3A_7[%rem3A_269] : memref<2x!tpu.dma_semaphore, #tpu.memory_space<semaphore_mem>> -> memref<1x!tpu.dma_semaphore, #tpu.memory_space<semaphore_mem>>
        %dma_wait3A_277 = tpu.memref_squeeze %dma_wait3A_276 : memref<1x!tpu.dma_semaphore, #tpu.memory_space<semaphore_mem>> -> memref<!tpu.dma_semaphore, #tpu.memory_space<semaphore_mem>>
        %dma_wait3A_278 = arith.constant 0 : i32
        %dma_wait3A_279 = arith.constant 0 : i32
        %dma_wait3A_280 = tpu.memref_slice %run_scoped3A[%rem3A_269, %dma_wait3A_278, %dma_wait3A_279] : memref<2x1x128xi32, #tpu.memory_space<vmem>> -> memref<1x1x128xi32, #tpu.memory_space<vmem>>
        %dma_wait3A_281 = tpu.memref_squeeze %dma_wait3A_280 : memref<1x1x128xi32, #tpu.memory_space<vmem>> -> memref<1x128xi32, #tpu.memory_space<vmem>>
        %dma_wait3A_282 = arith.constant 0 : i32
        %dma_wait3A_283 = tpu.memref_slice %arg3[%dma_wait3A_282, %mul3A_267] : memref<1x4096xi32, #tpu.memory_space<hbm>> -> memref<1x128xi32, #tpu.memory_space<hbm>>
        tpu.wait_dma2 semaphore(%dma_wait3A_277 : memref<!tpu.dma_semaphore, #tpu.memory_space<semaphore_mem>>) src(%dma_wait3A_283 : memref<1x128xi32, #tpu.memory_space<hbm>>) dst(%dma_wait3A_281 : memref<1x128xi32, #tpu.memory_space<vmem>>)
        "tpu.trace_stop"() : () -> ()
      } else {
      }
      %ne3A_129 = arith.cmpi ne, %add3A_72, %add3A_82 : i32
      %or3A_130 = arith.constant false
      %or3A_131 = arith.ori %or3A_130, %ne3A_129 : i1
      %or3A_132 = arith.constant false
      %or3A_133 = arith.ori %or3A_131, %or3A_132 : i1
      %or3A_134 = arith.ori %or3A_133, %eq3A_68 : i1
      %convert_element_type3A_135 = arith.extui %or3A_134 : i1 to i32
      %cond3A_136 = arith.constant 0 : i32
      %cond3A_137 = arith.cmpi ne, %convert_element_type3A_135, %cond3A_136 : i32
      scf.if %cond3A_137 {
      } else {
      }
      %rem3A_138 = arith.constant 2 : i32
      %rem3A_139 = arith.remui %scan3A, %rem3A_138 : i32
      %rem3A_140 = arith.constant 2 : i32
      %rem3A_141 = arith.remui %scan3A_63, %rem3A_140 : i32
      %run_scoped3A_142 = arith.constant 0 : i32
      "tpu.trace_start"() <{level = 10 : i32, message = "ep_run_kernel"}> : () -> ()
      "tpu.region"() ({
        %run_scoped3A_266 = tpu.sem_alloc : memref<!tpu.dma_semaphore, #tpu.memory_space<semaphore_mem>>
        %dma_start3A_267 = arith.constant 0 : i32
        %dma_start3A_268 = arith.constant 0 : i32
        %dma_start3A_269 = tpu.memref_slice %run_scoped3A_8[%rem3A_141, %dma_start3A_267, %dma_start3A_268] : memref<2x128x128xf32, #tpu.memory_space<vmem>> -> memref<1x128x128xf32, #tpu.memory_space<vmem>>
        %dma_start3A_270 = tpu.memref_squeeze %dma_start3A_269 : memref<1x128x128xf32, #tpu.memory_space<vmem>> -> memref<128x128xf32, #tpu.memory_space<vmem>>
        %dma_start3A_271 = arith.constant 0 : i32
        %dma_start3A_272 = arith.constant 0 : i32
        %dma_start3A_273 = tpu.memref_slice %run_scoped3A[%rem3A_139, %dma_start3A_271, %dma_start3A_272] : memref<2x1x128xi32, #tpu.memory_space<vmem>> -> memref<1x1x128xi32, #tpu.memory_space<vmem>>
        %dma_start3A_274 = tpu.memref_squeeze %dma_start3A_273 : memref<1x1x128xi32, #tpu.memory_space<vmem>> -> memref<1x128xi32, #tpu.memory_space<vmem>>
        %dma_start3A_275 = arith.constant 0 : i32
        %dma_start3A_276 = tpu.memref_slice %dma_start3A_274[%run_scoped3A_142, %dma_start3A_275] : memref<1x128xi32, #tpu.memory_space<vmem>> -> memref<1x128xi32, #tpu.memory_space<vmem>>
        %dma_start3A_277 = tpu.memref_squeeze %dma_start3A_276 : memref<1x128xi32, #tpu.memory_space<vmem>> -> memref<128xi32, #tpu.memory_space<vmem>>
        %dma_start3A_278 = arith.constant 0 : i32
        %dma_start3A_279 = arith.constant 0 : i32
        %dma_start3A_280 = tpu.memref_slice %arg2[%dma_start3A_278, %dma_start3A_279] : memref<8192x128xf32, #tpu.memory_space<hbm>> -> memref<8192x128xf32, #tpu.memory_space<hbm>>
        tpu.enqueue_indirect_dma source(%dma_start3A_280 : memref<8192x128xf32, #tpu.memory_space<hbm>>) target(%dma_start3A_270 : memref<128x128xf32, #tpu.memory_space<vmem>>) offsets(%dma_start3A_277 : memref<128xi32, #tpu.memory_space<vmem>>) semaphore(%run_scoped3A_266 : memref<!tpu.dma_semaphore, #tpu.memory_space<semaphore_mem>>)
        %dma_wait3A_281 = arith.constant 0 : i32
        %dma_wait3A_282 = arith.constant 0 : i32
        %dma_wait3A_283 = tpu.memref_slice %run_scoped3A_8[%rem3A_141, %dma_wait3A_281, %dma_wait3A_282] : memref<2x128x128xf32, #tpu.memory_space<vmem>> -> memref<1x128x128xf32, #tpu.memory_space<vmem>>
        %dma_wait3A_284 = tpu.memref_squeeze %dma_wait3A_283 : memref<1x128x128xf32, #tpu.memory_space<vmem>> -> memref<128x128xf32, #tpu.memory_space<vmem>>
        %dma_wait3A_285 = arith.constant 0 : i32
        %dma_wait3A_286 = arith.constant 0 : i32
        %dma_wait3A_287 = tpu.memref_slice %run_scoped3A[%rem3A_139, %dma_wait3A_285, %dma_wait3A_286] : memref<2x1x128xi32, #tpu.memory_space<vmem>> -> memref<1x1x128xi32, #tpu.memory_space<vmem>>
        %dma_wait3A_288 = tpu.memref_squeeze %dma_wait3A_287 : memref<1x1x128xi32, #tpu.memory_space<vmem>> -> memref<1x128xi32, #tpu.memory_space<vmem>>
        %dma_wait3A_289 = arith.constant 0 : i32
        %dma_wait3A_290 = tpu.memref_slice %dma_wait3A_288[%run_scoped3A_142, %dma_wait3A_289] : memref<1x128xi32, #tpu.memory_space<vmem>> -> memref<1x128xi32, #tpu.memory_space<vmem>>
        %dma_wait3A_291 = tpu.memref_squeeze %dma_wait3A_290 : memref<1x128xi32, #tpu.memory_space<vmem>> -> memref<128xi32, #tpu.memory_space<vmem>>
        %dma_wait3A_292 = arith.constant 0 : i32
        %dma_wait3A_293 = arith.constant 0 : i32
        %dma_wait3A_294 = tpu.memref_slice %arg2[%dma_wait3A_292, %dma_wait3A_293] : memref<8192x128xf32, #tpu.memory_space<hbm>> -> memref<8192x128xf32, #tpu.memory_space<hbm>>
        tpu.wait_indirect_dma semaphore(%run_scoped3A_266 : memref<!tpu.dma_semaphore, #tpu.memory_space<semaphore_mem>>) src(%dma_wait3A_294 : memref<8192x128xf32, #tpu.memory_space<hbm>>) dst(%dma_wait3A_284 : memref<128x128xf32, #tpu.memory_space<vmem>>)
        tpu.yield
      }) : () -> ()
      "tpu.trace_stop"() : () -> ()
      %ne3A_143 = arith.cmpi ne, %add3A_72, %add3A_92 : i32
      %or3A_144 = arith.constant false
      %or3A_145 = arith.ori %or3A_144, %ne3A_143 : i1
      %or3A_146 = arith.ori %or3A_145, %eq3A_70 : i1
      %convert_element_type3A_147 = arith.extui %or3A_146 : i1 to i32
      %cond3A_148 = arith.constant 0 : i32
      %cond3A_149 = arith.cmpi ne, %convert_element_type3A_147, %cond3A_148 : i32
      scf.if %cond3A_149 {
      } else {
      }
      %and3A_150 = arith.constant false
      %and3A_151 = arith.andi %or3A_146, %and3A_150 : i1
      %ne3A_152 = arith.cmpi ne, %add3A_72, %add3A_92 : i32
      %or3A_153 = arith.constant false
      %or3A_154 = arith.ori %or3A_153, %ne3A_152 : i1
      %or3A_155 = arith.constant false
      %or3A_156 = arith.ori %or3A_154, %or3A_155 : i1
      %or3A_157 = arith.ori %or3A_156, %eq3A_70 : i1
      %convert_element_type3A_158 = arith.extui %or3A_157 : i1 to i32
      %cond3A_159 = arith.constant 0 : i32
      %cond3A_160 = arith.cmpi ne, %convert_element_type3A_158, %cond3A_159 : i32
      scf.if %cond3A_160 {
        "tpu.trace_start"() <{level = 10 : i32, message = "ep_copy_out"}> : () -> ()
        %rem3A_266 = arith.constant 2 : i32
        %rem3A_267 = arith.remui %scan3A_63, %rem3A_266 : i32
        %mul3A_268 = arith.constant 128 : i32
        %mul3A_269 = arith.muli %mul3A_268, %add3A_72 : i32
        %dma_start3A_270 = arith.constant 0 : i32
        %dma_start3A_271 = arith.constant 0 : i32
        %dma_start3A_272 = tpu.memref_slice %run_scoped3A_8[%rem3A_267, %dma_start3A_270, %dma_start3A_271] : memref<2x128x128xf32, #tpu.memory_space<vmem>> -> memref<1x128x128xf32, #tpu.memory_space<vmem>>
        %dma_start3A_273 = tpu.memref_squeeze %dma_start3A_272 : memref<1x128x128xf32, #tpu.memory_space<vmem>> -> memref<128x128xf32, #tpu.memory_space<vmem>>
        %dma_start3A_274 = arith.constant 0 : i32
        %dma_start3A_275 = tpu.memref_slice %arg4[%mul3A_269, %dma_start3A_274] : memref<4096x128xf32, #tpu.memory_space<hbm>> -> memref<128x128xf32, #tpu.memory_space<hbm>>
        %dma_start3A_276 = tpu.memref_slice %run_scoped3A_9[%rem3A_267] : memref<2x!tpu.dma_semaphore, #tpu.memory_space<semaphore_mem>> -> memref<1x!tpu.dma_semaphore, #tpu.memory_space<semaphore_mem>>
        %dma_start3A_277 = tpu.memref_squeeze %dma_start3A_276 : memref<1x!tpu.dma_semaphore, #tpu.memory_space<semaphore_mem>> -> memref<!tpu.dma_semaphore, #tpu.memory_space<semaphore_mem>>
        %dma_start3A_278 = arith.constant 0 : i32
        %dma_start3A_279 = tpu.memref_slice %arg4[%mul3A_269, %dma_start3A_278] : memref<4096x128xf32, #tpu.memory_space<hbm>> -> memref<128x128xf32, #tpu.memory_space<hbm>>
        %dma_start3A_280 = arith.constant 0 : i32
        %dma_start3A_281 = arith.constant 0 : i32
        %dma_start3A_282 = tpu.memref_slice %run_scoped3A_8[%rem3A_267, %dma_start3A_280, %dma_start3A_281] : memref<2x128x128xf32, #tpu.memory_space<vmem>> -> memref<1x128x128xf32, #tpu.memory_space<vmem>>
        %dma_start3A_283 = tpu.memref_squeeze %dma_start3A_282 : memref<1x128x128xf32, #tpu.memory_space<vmem>> -> memref<128x128xf32, #tpu.memory_space<vmem>>
        tpu.enqueue_dma source(%dma_start3A_283 : memref<128x128xf32, #tpu.memory_space<vmem>>) target(%dma_start3A_279 : memref<128x128xf32, #tpu.memory_space<hbm>>) target_semaphore(%dma_start3A_277 : memref<!tpu.dma_semaphore, #tpu.memory_space<semaphore_mem>>)
        "tpu.trace_stop"() : () -> ()
      } else {
      }
      %and3A_161 = arith.constant true
      %and3A_162 = arith.andi %or3A_157, %and3A_161 : i1
      %add3A_163 = arith.constant 1 : i32
      %add3A_164 = arith.addi %scan3A_63, %add3A_163 : i32
      %select_n3A_165 = arith.select %and3A_162, %add3A_164, %scan3A_63 : i32
      %ne3A_166 = arith.cmpi ne, %add3A_72, %add3A_82 : i32
      %or3A_167 = arith.constant false
      %or3A_168 = arith.ori %or3A_167, %ne3A_166 : i1
      %not3A_169 = arith.constant true
      %not3A_170 = arith.xori %eq3A_68, %not3A_169 : i1
      %and3A_171 = arith.andi %or3A_168, %not3A_170 : i1
      %convert_element_type3A_172 = arith.extui %and3A_171 : i1 to i32
      %cond3A_173 = arith.constant 0 : i32
      %cond3A_174 = arith.cmpi ne, %convert_element_type3A_172, %cond3A_173 : i32
      scf.if %cond3A_174 {
      } else {
      }
      %and3A_175 = arith.constant false
      %and3A_176 = arith.andi %and3A_171, %and3A_175 : i1
      %ne3A_177 = arith.cmpi ne, %add3A_72, %add3A_82 : i32
      %or3A_178 = arith.constant false
      %or3A_179 = arith.ori %or3A_178, %ne3A_177 : i1
      %or3A_180 = arith.constant false
      %or3A_181 = arith.ori %or3A_179, %or3A_180 : i1
      %not3A_182 = arith.constant true
      %not3A_183 = arith.xori %eq3A_68, %not3A_182 : i1
      %and3A_184 = arith.andi %or3A_181, %not3A_183 : i1
      %convert_element_type3A_185 = arith.extui %and3A_184 : i1 to i32
      %cond3A_186 = arith.constant 0 : i32
      %cond3A_187 = arith.cmpi ne, %convert_element_type3A_185, %cond3A_186 : i32
      scf.if %cond3A_187 {
        "tpu.trace_start"() <{level = 10 : i32, message = "ep_wait_out"}> : () -> ()
        %rem3A_266 = arith.constant 2 : i32
        %rem3A_267 = arith.remui %scan3A_64, %rem3A_266 : i32
        %mul3A_268 = arith.constant 128 : i32
        %mul3A_269 = arith.muli %mul3A_268, %add3A_82 : i32
        %dma_wait3A_270 = arith.constant 0 : i32
        %dma_wait3A_271 = arith.constant 0 : i32
        %dma_wait3A_272 = tpu.memref_slice %run_scoped3A_8[%rem3A_267, %dma_wait3A_270, %dma_wait3A_271] : memref<2x128x128xf32, #tpu.memory_space<vmem>> -> memref<1x128x128xf32, #tpu.memory_space<vmem>>
        %dma_wait3A_273 = tpu.memref_squeeze %dma_wait3A_272 : memref<1x128x128xf32, #tpu.memory_space<vmem>> -> memref<128x128xf32, #tpu.memory_space<vmem>>
        %dma_wait3A_274 = arith.constant 0 : i32
        %dma_wait3A_275 = tpu.memref_slice %arg4[%mul3A_269, %dma_wait3A_274] : memref<4096x128xf32, #tpu.memory_space<hbm>> -> memref<128x128xf32, #tpu.memory_space<hbm>>
        %dma_wait3A_276 = tpu.memref_slice %run_scoped3A_9[%rem3A_267] : memref<2x!tpu.dma_semaphore, #tpu.memory_space<semaphore_mem>> -> memref<1x!tpu.dma_semaphore, #tpu.memory_space<semaphore_mem>>
        %dma_wait3A_277 = tpu.memref_squeeze %dma_wait3A_276 : memref<1x!tpu.dma_semaphore, #tpu.memory_space<semaphore_mem>> -> memref<!tpu.dma_semaphore, #tpu.memory_space<semaphore_mem>>
        %dma_wait3A_278 = arith.constant 0 : i32
        %dma_wait3A_279 = tpu.memref_slice %arg4[%mul3A_269, %dma_wait3A_278] : memref<4096x128xf32, #tpu.memory_space<hbm>> -> memref<128x128xf32, #tpu.memory_space<hbm>>
        %dma_wait3A_280 = arith.constant 0 : i32
        %dma_wait3A_281 = arith.constant 0 : i32
        %dma_wait3A_282 = tpu.memref_slice %run_scoped3A_8[%rem3A_267, %dma_wait3A_280, %dma_wait3A_281] : memref<2x128x128xf32, #tpu.memory_space<vmem>> -> memref<1x128x128xf32, #tpu.memory_space<vmem>>
        %dma_wait3A_283 = tpu.memref_squeeze %dma_wait3A_282 : memref<1x128x128xf32, #tpu.memory_space<vmem>> -> memref<128x128xf32, #tpu.memory_space<vmem>>
        tpu.wait_dma2 semaphore(%dma_wait3A_277 : memref<!tpu.dma_semaphore, #tpu.memory_space<semaphore_mem>>) src(%dma_wait3A_283 : memref<128x128xf32, #tpu.memory_space<vmem>>) dst(%dma_wait3A_279 : memref<128x128xf32, #tpu.memory_space<hbm>>)
        "tpu.trace_stop"() : () -> ()
      } else {
      }
      %and3A_188 = arith.constant true
      %and3A_189 = arith.andi %and3A_184, %and3A_188 : i1
      %add3A_190 = arith.constant 1 : i32
      %add3A_191 = arith.addi %scan3A_64, %add3A_190 : i32
      %select_n3A_192 = arith.select %and3A_189, %add3A_191, %scan3A_64 : i32
      %ne3A_193 = arith.cmpi ne, %add3A_72, %add3A_92 : i32
      %or3A_194 = arith.constant false
      %or3A_195 = arith.ori %or3A_194, %ne3A_193 : i1
      %or3A_196 = arith.ori %or3A_195, %eq3A_70 : i1
      %add3A_197 = arith.constant 1 : i32
      %add3A_198 = arith.addi %scan3A, %add3A_197 : i32
      %select_n3A_199 = arith.select %or3A_196, %add3A_198, %scan3A : i32
      %select_n3A_200 = arith.constant true
      %select_n3A_201 = arith.constant 0 : i32
      %select_n3A_202 = arith.constant 1 : i32
      %select_n3A_203 = arith.select %select_n3A_200, %select_n3A_202, %select_n3A_201 : i32
      %eq3A_204 = arith.constant 1 : i32
      %eq3A_205 = arith.cmpi eq, %select_n3A_203, %eq3A_204 : i32
      %select_n3A_206 = arith.constant 0 : i32
      %select_n3A_207 = arith.select %eq3A_205, %select_n3A_206, %select_n3A_203 : i32
      %scan3A_208 = arith.constant 0 : i32
      %scan3A_209 = arith.constant 1 : i32
      %sub3A = arith.constant 1 : i32
      %sub3A_210 = arith.subi %scan3A_208, %sub3A : i32
      %select_n3A_211 = arith.constant true
      %select_n3A_212 = arith.select %select_n3A_211, %sub3A_210, %scan3A_208 : i32
      %eq3A_213 = arith.constant -1 : i32
      %eq3A_214 = arith.cmpi eq, %select_n3A_212, %eq3A_213 : i32
      %select_n3A_215 = arith.constant 0 : i32
      %select_n3A_216 = arith.select %eq3A_214, %select_n3A_215, %select_n3A_212 : i32
      %add3A_217 = arith.constant 0 : i32
      %add3A_218 = arith.addi %add3A_217, %mul3A_6 : i32
      %select_n3A_219 = arith.constant true
      %select_n3A_220 = arith.constant 0 : i32
      %select_n3A_221 = arith.constant -1 : i32
      %select_n3A_222 = arith.select %select_n3A_219, %select_n3A_221, %select_n3A_220 : i32
      %eq3A_223 = arith.constant -1 : i32
      %eq3A_224 = arith.cmpi eq, %select_n3A_222, %eq3A_223 : i32
      %select_n3A_225 = arith.constant 0 : i32
      %select_n3A_226 = arith.select %eq3A_224, %select_n3A_225, %select_n3A_222 : i32
      %add3A_227 = arith.constant 0 : i32
      %add3A_228 = arith.addi %add3A_227, %mul3A_6 : i32
      %select_n3A_229 = arith.constant true
      %select_n3A_230 = arith.constant 0 : i32
      %select_n3A_231 = arith.constant 1 : i32
      %select_n3A_232 = arith.select %select_n3A_229, %select_n3A_231, %select_n3A_230 : i32
      %eq3A_233 = arith.constant 1 : i32
      %eq3A_234 = arith.cmpi eq, %select_n3A_232, %eq3A_233 : i32
      %select_n3A_235 = arith.constant 0 : i32
      %select_n3A_236 = arith.select %eq3A_234, %select_n3A_235, %select_n3A_232 : i32
      %add3A_237 = arith.constant 0 : i32
      %add3A_238 = arith.addi %add3A_237, %mul3A_6 : i32
      %select_n3A_239 = arith.constant true
      %select_n3A_240 = arith.constant 0 : i32
      %select_n3A_241 = arith.constant 1 : i32
      %select_n3A_242 = arith.select %select_n3A_239, %select_n3A_241, %select_n3A_240 : i32
      %eq3A_243 = arith.constant 1 : i32
      %eq3A_244 = arith.cmpi eq, %select_n3A_242, %eq3A_243 : i32
      %select_n3A_245 = arith.constant 0 : i32
      %select_n3A_246 = arith.select %eq3A_244, %select_n3A_245, %select_n3A_242 : i32
      %add3A_247 = arith.constant 0 : i32
      %add3A_248 = arith.addi %add3A_247, %mul3A_6 : i32
      "tpu.trace_start"() <{level = 10 : i32, message = "ep_finalize"}> : () -> ()
      %rem3A_249 = arith.constant 2 : i32
      %rem3A_250 = arith.remui %select_n3A_192, %rem3A_249 : i32
      %mul3A_251 = arith.constant 128 : i32
      %mul3A_252 = arith.muli %mul3A_251, %add3A_218 : i32
      %dma_wait3A = arith.constant 0 : i32
      %dma_wait3A_253 = arith.constant 0 : i32
      %dma_wait3A_254 = tpu.memref_slice %run_scoped3A_8[%rem3A_250, %dma_wait3A, %dma_wait3A_253] : memref<2x128x128xf32, #tpu.memory_space<vmem>> -> memref<1x128x128xf32, #tpu.memory_space<vmem>>
      %dma_wait3A_255 = tpu.memref_squeeze %dma_wait3A_254 : memref<1x128x128xf32, #tpu.memory_space<vmem>> -> memref<128x128xf32, #tpu.memory_space<vmem>>
      %dma_wait3A_256 = arith.constant 0 : i32
      %dma_wait3A_257 = tpu.memref_slice %arg4[%mul3A_252, %dma_wait3A_256] : memref<4096x128xf32, #tpu.memory_space<hbm>> -> memref<128x128xf32, #tpu.memory_space<hbm>>
      %dma_wait3A_258 = tpu.memref_slice %run_scoped3A_9[%rem3A_250] : memref<2x!tpu.dma_semaphore, #tpu.memory_space<semaphore_mem>> -> memref<1x!tpu.dma_semaphore, #tpu.memory_space<semaphore_mem>>
      %dma_wait3A_259 = tpu.memref_squeeze %dma_wait3A_258 : memref<1x!tpu.dma_semaphore, #tpu.memory_space<semaphore_mem>> -> memref<!tpu.dma_semaphore, #tpu.memory_space<semaphore_mem>>
      %dma_wait3A_260 = arith.constant 0 : i32
      %dma_wait3A_261 = tpu.memref_slice %arg4[%mul3A_252, %dma_wait3A_260] : memref<4096x128xf32, #tpu.memory_space<hbm>> -> memref<128x128xf32, #tpu.memory_space<hbm>>
      %dma_wait3A_262 = arith.constant 0 : i32
      %dma_wait3A_263 = arith.constant 0 : i32
      %dma_wait3A_264 = tpu.memref_slice %run_scoped3A_8[%rem3A_250, %dma_wait3A_262, %dma_wait3A_263] : memref<2x128x128xf32, #tpu.memory_space<vmem>> -> memref<1x128x128xf32, #tpu.memory_space<vmem>>
      %dma_wait3A_265 = tpu.memref_squeeze %dma_wait3A_264 : memref<1x128x128xf32, #tpu.memory_space<vmem>> -> memref<128x128xf32, #tpu.memory_space<vmem>>
      tpu.wait_dma2 semaphore(%dma_wait3A_259 : memref<!tpu.dma_semaphore, #tpu.memory_space<semaphore_mem>>) src(%dma_wait3A_265 : memref<128x128xf32, #tpu.memory_space<vmem>>) dst(%dma_wait3A_261 : memref<128x128xf32, #tpu.memory_space<hbm>>)
      "tpu.trace_stop"() : () -> ()
      tpu.yield
    }) : () -> ()
    return
  }
}

module attributes {stable_mosaic.version = 14 : i64} {
  func.func @_enc_body(%arg0: memref<64x768xf32, #tpu.memory_space<vmem>>, %arg1: memref<64x32xf32, #tpu.memory_space<vmem>>, %arg2: memref<800x2048xf32, #tpu.memory_space<vmem>>, %arg3: memref<1x2048xf32, #tpu.memory_space<vmem>>, %arg4: memref<2048x2048xf32, #tpu.memory_space<vmem>>, %arg5: memref<1x2048xf32, #tpu.memory_space<vmem>>, %arg6: memref<64x2048xf32, #tpu.memory_space<vmem>>) attributes {dimension_semantics = [], scalar_prefetch = 0 : i64, scratch_operands = 0 : i64, tpu.core_type = #tpu.core_type<tc>} {
    %get3A = arith.constant 0 : index
    %get3A_0 = arith.constant 0 : index
    %get3A_1 = vector.load %arg0[%get3A, %get3A_0] : memref<64x768xf32, #tpu.memory_space<vmem>>, vector<64x768xf32>
    %get3A_2 = arith.constant 0 : index
    %get3A_3 = arith.constant 0 : index
    %get3A_4 = vector.load %arg1[%get3A_2, %get3A_3] : memref<64x32xf32, #tpu.memory_space<vmem>>, vector<64x32xf32>
    %concatenate3A = tpu.concatenate %get3A_1, %get3A_4 in 1 : vector<64x768xf32>, vector<64x32xf32> -> vector<64x800xf32>
    %get3A_5 = arith.constant 0 : index
    %get3A_6 = arith.constant 0 : index
    %get3A_7 = vector.load %arg2[%get3A_5, %get3A_6] : memref<800x2048xf32, #tpu.memory_space<vmem>>, vector<800x2048xf32>
    %dot_general3A = arith.constant dense<0.000000e+00> : vector<64x2048xf32>
    %dot_general3A_8 = tpu.matmul %concatenate3A, %get3A_7, %dot_general3A {dimension_numbers = #tpu.dot_dimension_numbers<[1], [0], [0], [1], [0, 0, 1, 1], [], []>, transpose_lhs_hint = false} : vector<64x800xf32>, vector<800x2048xf32>, vector<64x2048xf32> -> vector<64x2048xf32>
    %get3A_9 = arith.constant 0 : index
    %get3A_10 = arith.constant 0 : index
    %get3A_11 = vector.load %arg3[%get3A_9, %get3A_10] : memref<1x2048xf32, #tpu.memory_space<vmem>>, vector<1x2048xf32>
    %add3A = vector.broadcast %get3A_11 : vector<1x2048xf32> to vector<64x2048xf32>
    %add3A_12 = arith.addf %dot_general3A_8, %add3A : vector<64x2048xf32>
    %max3A = arith.constant 0.000000e+00 : f32
    %max3A_13 = vector.broadcast %max3A : f32 to vector<64x2048xf32>
    %max3A_14 = arith.maximumf %add3A_12, %max3A_13 : vector<64x2048xf32>
    %get3A_15 = arith.constant 0 : index
    %get3A_16 = arith.constant 0 : index
    %get3A_17 = vector.load %arg4[%get3A_15, %get3A_16] : memref<2048x2048xf32, #tpu.memory_space<vmem>>, vector<2048x2048xf32>
    %dot_general3A_18 = arith.constant dense<0.000000e+00> : vector<64x2048xf32>
    %dot_general3A_19 = tpu.matmul %max3A_14, %get3A_17, %dot_general3A_18 {dimension_numbers = #tpu.dot_dimension_numbers<[1], [0], [0], [1], [0, 0, 1, 1], [], []>, transpose_lhs_hint = false} : vector<64x2048xf32>, vector<2048x2048xf32>, vector<64x2048xf32> -> vector<64x2048xf32>
    %get3A_20 = arith.constant 0 : index
    %get3A_21 = arith.constant 0 : index
    %get3A_22 = vector.load %arg5[%get3A_20, %get3A_21] : memref<1x2048xf32, #tpu.memory_space<vmem>>, vector<1x2048xf32>
    %add3A_23 = vector.broadcast %get3A_22 : vector<1x2048xf32> to vector<64x2048xf32>
    %add3A_24 = arith.addf %dot_general3A_19, %add3A_23 : vector<64x2048xf32>
    %swap3A = arith.constant 0 : index
    %swap3A_25 = arith.constant 0 : index
    %swap3A_26 = vector.load %arg6[%swap3A, %swap3A_25] : memref<64x2048xf32, #tpu.memory_space<vmem>>, vector<64x2048xf32>
    tpu.vector_store %arg6[%swap3A, %swap3A_25], %add3A_24 {strides = array<i32>} : memref<64x2048xf32, #tpu.memory_space<vmem>>, vector<64x2048xf32>,
    return
  }
}

module attributes {stable_mosaic.version = 14 : i64} {
  func.func @_vq_body(%arg0: memref<32x4096xf32, #tpu.memory_space<vmem>>, %arg1: memref<16x512x32xf32, #tpu.memory_space<vmem>>, %arg2: memref<1x4096xi32, #tpu.memory_space<vmem>>) attributes {dimension_semantics = [], scalar_prefetch = 0 : i64, scratch_operands = 0 : i64, tpu.core_type = #tpu.core_type<tc>} {
    %get3A = arith.constant 0 : index
    %get3A_0 = arith.constant 0 : index
    %get3A_1 = vector.load %arg0[%get3A, %get3A_0] : memref<32x4096xf32, #tpu.memory_space<vmem>>, vector<32x4096xf32>
    %mul3A = arith.mulf %get3A_1, %get3A_1 : vector<32x4096xf32>
    %reduce_sum3A = arith.constant dense<0.000000e+00> : vector<4096xf32>
    %reduce_sum3A_2 = vector.multi_reduction <add>, %mul3A, %reduce_sum3A [0] : vector<32x4096xf32> to vector<4096xf32>
    %broadcast_in_dim3A = vector.shape_cast %reduce_sum3A_2 : vector<4096xf32> to vector<1x4096xf32>
    %iota3A = tpu.iota {dimensions = array<i32: 0>} : vector<8x1xi32>
    %convert_element_type3A = arith.sitofp %iota3A : vector<8x1xi32> to vector<8x1xf32>
    %broadcast_in_dim3A_3 = arith.constant 0x7F800000 : f32
    %broadcast_in_dim3A_4 = vector.broadcast %broadcast_in_dim3A_3 : f32 to vector<1x4096xf32>
    %broadcast_in_dim3A_5 = arith.constant 0.000000e+00 : f32
    %broadcast_in_dim3A_6 = vector.broadcast %broadcast_in_dim3A_5 : f32 to vector<1x4096xf32>
    %scan3A = arith.constant 0 : i32
    %scan3A_7 = arith.constant 8 : i32
    %scan3A_8 = arith.addi %scan3A, %scan3A_7 : i32
    %scan3A_9 = arith.constant 1 : i32
    %scan3A_10:2 = scf.for %scan3A_15 = %scan3A to %scan3A_8 step %scan3A_9 iter_args(%scan3A_16 = %broadcast_in_dim3A_4, %scan3A_17 = %broadcast_in_dim3A_6) -> (vector<1x4096xf32>, vector<1x4096xf32>)  : i32 {
      %mul3A_18 = arith.constant 2 : i32
      %mul3A_19 = arith.muli %scan3A_15, %mul3A_18 : i32
      %add3A = arith.constant 1 : i32
      %add3A_20 = arith.addi %mul3A_19, %add3A : i32
      %get3A_21 = arith.index_cast %mul3A_19 : i32 to index
      %get3A_22 = arith.constant 0 : index
      %get3A_23 = arith.constant 0 : index
      %get3A_24 = vector.load %arg1[%get3A_21, %get3A_22, %get3A_23] : memref<16x512x32xf32, #tpu.memory_space<vmem>>, vector<1x512x32xf32>
      %get3A_25 = vector.shape_cast %get3A_24 : vector<1x512x32xf32> to vector<512x32xf32>
      %mul3A_26 = arith.constant -2.000000e+00 : f32
      %mul3A_27 = vector.broadcast %mul3A_26 : f32 to vector<512x32xf32>
      %mul3A_28 = arith.mulf %get3A_25, %mul3A_27 : vector<512x32xf32>
      %mul3A_29 = arith.mulf %mul3A_28, %mul3A_28 : vector<512x32xf32>
      %reduce_sum3A_30 = arith.constant dense<0.000000e+00> : vector<512xf32>
      %reduce_sum3A_31 = vector.multi_reduction <add>, %mul3A_29, %reduce_sum3A_30 [1] : vector<512x32xf32> to vector<512xf32>
      %broadcast_in_dim3A_32 = vector.shape_cast %reduce_sum3A_31 : vector<512xf32> to vector<512x1xf32>
      %mul3A_33 = arith.constant 2.500000e-01 : f32
      %mul3A_34 = vector.broadcast %mul3A_33 : f32 to vector<512x1xf32>
      %mul3A_35 = arith.mulf %mul3A_34, %broadcast_in_dim3A_32 : vector<512x1xf32>
      %dot_general3A = arith.constant dense<0.000000e+00> : vector<512x4096xf32>
      %dot_general3A_36 = tpu.matmul %mul3A_28, %get3A_1, %dot_general3A {dimension_numbers = #tpu.dot_dimension_numbers<[1], [0], [0], [1], [0, 0, 1, 1], [], []>, transpose_lhs_hint = false} : vector<512x32xf32>, vector<32x4096xf32>, vector<512x4096xf32> -> vector<512x4096xf32>
      %get3A_37 = arith.index_cast %add3A_20 : i32 to index
      %get3A_38 = arith.constant 0 : index
      %get3A_39 = arith.constant 0 : index
      %get3A_40 = vector.load %arg1[%get3A_37, %get3A_38, %get3A_39] : memref<16x512x32xf32, #tpu.memory_space<vmem>>, vector<1x512x32xf32>
      %get3A_41 = vector.shape_cast %get3A_40 : vector<1x512x32xf32> to vector<512x32xf32>
      %mul3A_42 = arith.constant -2.000000e+00 : f32
      %mul3A_43 = vector.broadcast %mul3A_42 : f32 to vector<512x32xf32>
      %mul3A_44 = arith.mulf %get3A_41, %mul3A_43 : vector<512x32xf32>
      %mul3A_45 = arith.mulf %mul3A_44, %mul3A_44 : vector<512x32xf32>
      %reduce_sum3A_46 = arith.constant dense<0.000000e+00> : vector<512xf32>
      %reduce_sum3A_47 = vector.multi_reduction <add>, %mul3A_45, %reduce_sum3A_46 [1] : vector<512x32xf32> to vector<512xf32>
      %broadcast_in_dim3A_48 = vector.shape_cast %reduce_sum3A_47 : vector<512xf32> to vector<512x1xf32>
      %mul3A_49 = arith.constant 2.500000e-01 : f32
      %mul3A_50 = vector.broadcast %mul3A_49 : f32 to vector<512x1xf32>
      %mul3A_51 = arith.mulf %mul3A_50, %broadcast_in_dim3A_48 : vector<512x1xf32>
      %dot_general3A_52 = arith.constant dense<0.000000e+00> : vector<512x4096xf32>
      %dot_general3A_53 = tpu.matmul %mul3A_44, %get3A_1, %dot_general3A_52 {dimension_numbers = #tpu.dot_dimension_numbers<[1], [0], [0], [1], [0, 0, 1, 1], [], []>, transpose_lhs_hint = false} : vector<512x32xf32>, vector<32x4096xf32>, vector<512x4096xf32> -> vector<512x4096xf32>
      %slice3A = vector.extract_strided_slice %dot_general3A_36 {offsets = [0, 0], sizes = [8, 4096], strides = [1, 1]} : vector<512x4096xf32> to vector<8x4096xf32>
      %add3A_54 = vector.broadcast %broadcast_in_dim3A : vector<1x4096xf32> to vector<8x4096xf32>
      %add3A_55 = arith.addf %add3A_54, %slice3A : vector<8x4096xf32>
      %slice3A_56 = vector.extract_strided_slice %mul3A_35 {offsets = [0, 0], sizes = [8, 1], strides = [1, 1]} : vector<512x1xf32> to vector<8x1xf32>
      %add3A_57 = vector.broadcast %slice3A_56 : vector<8x1xf32> to vector<8x4096xf32>
      %add3A_58 = arith.addf %add3A_55, %add3A_57 : vector<8x4096xf32>
      %broadcast_in_dim3A_59 = vector.shape_cast %convert_element_type3A : vector<8x1xf32> to vector<8x1xf32>
      %broadcast_in_dim3A_60 = vector.broadcast %broadcast_in_dim3A_59 : vector<8x1xf32> to vector<8x4096xf32>
      %slice3A_61 = vector.extract_strided_slice %dot_general3A_36 {offsets = [8, 0], sizes = [8, 4096], strides = [1, 1]} : vector<512x4096xf32> to vector<8x4096xf32>
      %add3A_62 = vector.broadcast %broadcast_in_dim3A : vector<1x4096xf32> to vector<8x4096xf32>
      %add3A_63 = arith.addf %add3A_62, %slice3A_61 : vector<8x4096xf32>
      %slice3A_64 = vector.extract_strided_slice %mul3A_35 {offsets = [8, 0], sizes = [8, 1], strides = [1, 1]} : vector<512x1xf32> to vector<8x1xf32>
      %add3A_65 = vector.broadcast %slice3A_64 : vector<8x1xf32> to vector<8x4096xf32>
      %add3A_66 = arith.addf %add3A_63, %add3A_65 : vector<8x4096xf32>
      %lt3A = arith.cmpf olt, %add3A_66, %add3A_58 : vector<8x4096xf32>
      %min3A = arith.minimumf %add3A_58, %add3A_66 : vector<8x4096xf32>
      %add3A_67 = arith.constant 8.000000e+00 : f32
      %add3A_68 = vector.broadcast %add3A_67 : f32 to vector<8x1xf32>
      %add3A_69 = arith.addf %convert_element_type3A, %add3A_68 : vector<8x1xf32>
      %broadcast_in_dim3A_70 = vector.shape_cast %add3A_69 : vector<8x1xf32> to vector<8x1xf32>
      %broadcast_in_dim3A_71 = vector.broadcast %broadcast_in_dim3A_70 : vector<8x1xf32> to vector<8x4096xf32>
      %select_n3A = arith.select %lt3A, %broadcast_in_dim3A_71, %broadcast_in_dim3A_60 : vector<8x4096xi1>, vector<8x4096xf32>
      %slice3A_72 = vector.extract_strided_slice %dot_general3A_36 {offsets = [16, 0], sizes = [8, 4096], strides = [1, 1]} : vector<512x4096xf32> to vector<8x4096xf32>
      %add3A_73 = vector.broadcast %broadcast_in_dim3A : vector<1x4096xf32> to vector<8x4096xf32>
      %add3A_74 = arith.addf %add3A_73, %slice3A_72 : vector<8x4096xf32>
      %slice3A_75 = vector.extract_strided_slice %mul3A_35 {offsets = [16, 0], sizes = [8, 1], strides = [1, 1]} : vector<512x1xf32> to vector<8x1xf32>
      %add3A_76 = vector.broadcast %slice3A_75 : vector<8x1xf32> to vector<8x4096xf32>
      %add3A_77 = arith.addf %add3A_74, %add3A_76 : vector<8x4096xf32>
      %lt3A_78 = arith.cmpf olt, %add3A_77, %min3A : vector<8x4096xf32>
      %min3A_79 = arith.minimumf %min3A, %add3A_77 : vector<8x4096xf32>
      %add3A_80 = arith.constant 1.600000e+01 : f32
      %add3A_81 = vector.broadcast %add3A_80 : f32 to vector<8x1xf32>
      %add3A_82 = arith.addf %convert_element_type3A, %add3A_81 : vector<8x1xf32>
      %broadcast_in_dim3A_83 = vector.shape_cast %add3A_82 : vector<8x1xf32> to vector<8x1xf32>
      %broadcast_in_dim3A_84 = vector.broadcast %broadcast_in_dim3A_83 : vector<8x1xf32> to vector<8x4096xf32>
      %select_n3A_85 = arith.select %lt3A_78, %broadcast_in_dim3A_84, %select_n3A : vector<8x4096xi1>, vector<8x4096xf32>
      %slice3A_86 = vector.extract_strided_slice %dot_general3A_36 {offsets = [24, 0], sizes = [8, 4096], strides = [1, 1]} : vector<512x4096xf32> to vector<8x4096xf32>
      %add3A_87 = vector.broadcast %broadcast_in_dim3A : vector<1x4096xf32> to vector<8x4096xf32>
      %add3A_88 = arith.addf %add3A_87, %slice3A_86 : vector<8x4096xf32>
      %slice3A_89 = vector.extract_strided_slice %mul3A_35 {offsets = [24, 0], sizes = [8, 1], strides = [1, 1]} : vector<512x1xf32> to vector<8x1xf32>
      %add3A_90 = vector.broadcast %slice3A_89 : vector<8x1xf32> to vector<8x4096xf32>
      %add3A_91 = arith.addf %add3A_88, %add3A_90 : vector<8x4096xf32>
      %lt3A_92 = arith.cmpf olt, %add3A_91, %min3A_79 : vector<8x4096xf32>
      %min3A_93 = arith.minimumf %min3A_79, %add3A_91 : vector<8x4096xf32>
      %add3A_94 = arith.constant 2.400000e+01 : f32
      %add3A_95 = vector.broadcast %add3A_94 : f32 to vector<8x1xf32>
      %add3A_96 = arith.addf %convert_element_type3A, %add3A_95 : vector<8x1xf32>
      %broadcast_in_dim3A_97 = vector.shape_cast %add3A_96 : vector<8x1xf32> to vector<8x1xf32>
      %broadcast_in_dim3A_98 = vector.broadcast %broadcast_in_dim3A_97 : vector<8x1xf32> to vector<8x4096xf32>
      %select_n3A_99 = arith.select %lt3A_92, %broadcast_in_dim3A_98, %select_n3A_85 : vector<8x4096xi1>, vector<8x4096xf32>
      %slice3A_100 = vector.extract_strided_slice %dot_general3A_36 {offsets = [32, 0], sizes = [8, 4096], strides = [1, 1]} : vector<512x4096xf32> to vector<8x4096xf32>
      %add3A_101 = vector.broadcast %broadcast_in_dim3A : vector<1x4096xf32> to vector<8x4096xf32>
      %add3A_102 = arith.addf %add3A_101, %slice3A_100 : vector<8x4096xf32>
      %slice3A_103 = vector.extract_strided_slice %mul3A_35 {offsets = [32, 0], sizes = [8, 1], strides = [1, 1]} : vector<512x1xf32> to vector<8x1xf32>
      %add3A_104 = vector.broadcast %slice3A_103 : vector<8x1xf32> to vector<8x4096xf32>
      %add3A_105 = arith.addf %add3A_102, %add3A_104 : vector<8x4096xf32>
      %lt3A_106 = arith.cmpf olt, %add3A_105, %min3A_93 : vector<8x4096xf32>
      %min3A_107 = arith.minimumf %min3A_93, %add3A_105 : vector<8x4096xf32>
      %add3A_108 = arith.constant 3.200000e+01 : f32
      %add3A_109 = vector.broadcast %add3A_108 : f32 to vector<8x1xf32>
      %add3A_110 = arith.addf %convert_element_type3A, %add3A_109 : vector<8x1xf32>
      %broadcast_in_dim3A_111 = vector.shape_cast %add3A_110 : vector<8x1xf32> to vector<8x1xf32>
      %broadcast_in_dim3A_112 = vector.broadcast %broadcast_in_dim3A_111 : vector<8x1xf32> to vector<8x4096xf32>
      %select_n3A_113 = arith.select %lt3A_106, %broadcast_in_dim3A_112, %select_n3A_99 : vector<8x4096xi1>, vector<8x4096xf32>
      %slice3A_114 = vector.extract_strided_slice %dot_general3A_36 {offsets = [40, 0], sizes = [8, 4096], strides = [1, 1]} : vector<512x4096xf32> to vector<8x4096xf32>
      %add3A_115 = vector.broadcast %broadcast_in_dim3A : vector<1x4096xf32> to vector<8x4096xf32>
      %add3A_116 = arith.addf %add3A_115, %slice3A_114 : vector<8x4096xf32>
      %slice3A_117 = vector.extract_strided_slice %mul3A_35 {offsets = [40, 0], sizes = [8, 1], strides = [1, 1]} : vector<512x1xf32> to vector<8x1xf32>
      %add3A_118 = vector.broadcast %slice3A_117 : vector<8x1xf32> to vector<8x4096xf32>
      %add3A_119 = arith.addf %add3A_116, %add3A_118 : vector<8x4096xf32>
      %lt3A_120 = arith.cmpf olt, %add3A_119, %min3A_107 : vector<8x4096xf32>
      %min3A_121 = arith.minimumf %min3A_107, %add3A_119 : vector<8x4096xf32>
      %add3A_122 = arith.constant 4.000000e+01 : f32
      %add3A_123 = vector.broadcast %add3A_122 : f32 to vector<8x1xf32>
      %add3A_124 = arith.addf %convert_element_type3A, %add3A_123 : vector<8x1xf32>
      %broadcast_in_dim3A_125 = vector.shape_cast %add3A_124 : vector<8x1xf32> to vector<8x1xf32>
      %broadcast_in_dim3A_126 = vector.broadcast %broadcast_in_dim3A_125 : vector<8x1xf32> to vector<8x4096xf32>
      %select_n3A_127 = arith.select %lt3A_120, %broadcast_in_dim3A_126, %select_n3A_113 : vector<8x4096xi1>, vector<8x4096xf32>
      %slice3A_128 = vector.extract_strided_slice %dot_general3A_36 {offsets = [48, 0], sizes = [8, 4096], strides = [1, 1]} : vector<512x4096xf32> to vector<8x4096xf32>
      %add3A_129 = vector.broadcast %broadcast_in_dim3A : vector<1x4096xf32> to vector<8x4096xf32>
      %add3A_130 = arith.addf %add3A_129, %slice3A_128 : vector<8x4096xf32>
      %slice3A_131 = vector.extract_strided_slice %mul3A_35 {offsets = [48, 0], sizes = [8, 1], strides = [1, 1]} : vector<512x1xf32> to vector<8x1xf32>
      %add3A_132 = vector.broadcast %slice3A_131 : vector<8x1xf32> to vector<8x4096xf32>
      %add3A_133 = arith.addf %add3A_130, %add3A_132 : vector<8x4096xf32>
      %lt3A_134 = arith.cmpf olt, %add3A_133, %min3A_121 : vector<8x4096xf32>
      %min3A_135 = arith.minimumf %min3A_121, %add3A_133 : vector<8x4096xf32>
      %add3A_136 = arith.constant 4.800000e+01 : f32
      %add3A_137 = vector.broadcast %add3A_136 : f32 to vector<8x1xf32>
      %add3A_138 = arith.addf %convert_element_type3A, %add3A_137 : vector<8x1xf32>
      %broadcast_in_dim3A_139 = vector.shape_cast %add3A_138 : vector<8x1xf32> to vector<8x1xf32>
      %broadcast_in_dim3A_140 = vector.broadcast %broadcast_in_dim3A_139 : vector<8x1xf32> to vector<8x4096xf32>
      %select_n3A_141 = arith.select %lt3A_134, %broadcast_in_dim3A_140, %select_n3A_127 : vector<8x4096xi1>, vector<8x4096xf32>
      %slice3A_142 = vector.extract_strided_slice %dot_general3A_36 {offsets = [56, 0], sizes = [8, 4096], strides = [1, 1]} : vector<512x4096xf32> to vector<8x4096xf32>
      %add3A_143 = vector.broadcast %broadcast_in_dim3A : vector<1x4096xf32> to vector<8x4096xf32>
      %add3A_144 = arith.addf %add3A_143, %slice3A_142 : vector<8x4096xf32>
      %slice3A_145 = vector.extract_strided_slice %mul3A_35 {offsets = [56, 0], sizes = [8, 1], strides = [1, 1]} : vector<512x1xf32> to vector<8x1xf32>
      %add3A_146 = vector.broadcast %slice3A_145 : vector<8x1xf32> to vector<8x4096xf32>
      %add3A_147 = arith.addf %add3A_144, %add3A_146 : vector<8x4096xf32>
      %lt3A_148 = arith.cmpf olt, %add3A_147, %min3A_135 : vector<8x4096xf32>
      %min3A_149 = arith.minimumf %min3A_135, %add3A_147 : vector<8x4096xf32>
      %add3A_150 = arith.constant 5.600000e+01 : f32
      %add3A_151 = vector.broadcast %add3A_150 : f32 to vector<8x1xf32>
      %add3A_152 = arith.addf %convert_element_type3A, %add3A_151 : vector<8x1xf32>
      %broadcast_in_dim3A_153 = vector.shape_cast %add3A_152 : vector<8x1xf32> to vector<8x1xf32>
      %broadcast_in_dim3A_154 = vector.broadcast %broadcast_in_dim3A_153 : vector<8x1xf32> to vector<8x4096xf32>
      %select_n3A_155 = arith.select %lt3A_148, %broadcast_in_dim3A_154, %select_n3A_141 : vector<8x4096xi1>, vector<8x4096xf32>
      %slice3A_156 = vector.extract_strided_slice %dot_general3A_36 {offsets = [64, 0], sizes = [8, 4096], strides = [1, 1]} : vector<512x4096xf32> to vector<8x4096xf32>
      %add3A_157 = vector.broadcast %broadcast_in_dim3A : vector<1x4096xf32> to vector<8x4096xf32>
      %add3A_158 = arith.addf %add3A_157, %slice3A_156 : vector<8x4096xf32>
      %slice3A_159 = vector.extract_strided_slice %mul3A_35 {offsets = [64, 0], sizes = [8, 1], strides = [1, 1]} : vector<512x1xf32> to vector<8x1xf32>
      %add3A_160 = vector.broadcast %slice3A_159 : vector<8x1xf32> to vector<8x4096xf32>
      %add3A_161 = arith.addf %add3A_158, %add3A_160 : vector<8x4096xf32>
      %lt3A_162 = arith.cmpf olt, %add3A_161, %min3A_149 : vector<8x4096xf32>
      %min3A_163 = arith.minimumf %min3A_149, %add3A_161 : vector<8x4096xf32>
      %add3A_164 = arith.constant 6.400000e+01 : f32
      %add3A_165 = vector.broadcast %add3A_164 : f32 to vector<8x1xf32>
      %add3A_166 = arith.addf %convert_element_type3A, %add3A_165 : vector<8x1xf32>
      %broadcast_in_dim3A_167 = vector.shape_cast %add3A_166 : vector<8x1xf32> to vector<8x1xf32>
      %broadcast_in_dim3A_168 = vector.broadcast %broadcast_in_dim3A_167 : vector<8x1xf32> to vector<8x4096xf32>
      %select_n3A_169 = arith.select %lt3A_162, %broadcast_in_dim3A_168, %select_n3A_155 : vector<8x4096xi1>, vector<8x4096xf32>
      %slice3A_170 = vector.extract_strided_slice %dot_general3A_36 {offsets = [72, 0], sizes = [8, 4096], strides = [1, 1]} : vector<512x4096xf32> to vector<8x4096xf32>
      %add3A_171 = vector.broadcast %broadcast_in_dim3A : vector<1x4096xf32> to vector<8x4096xf32>
      %add3A_172 = arith.addf %add3A_171, %slice3A_170 : vector<8x4096xf32>
      %slice3A_173 = vector.extract_strided_slice %mul3A_35 {offsets = [72, 0], sizes = [8, 1], strides = [1, 1]} : vector<512x1xf32> to vector<8x1xf32>
      %add3A_174 = vector.broadcast %slice3A_173 : vector<8x1xf32> to vector<8x4096xf32>
      %add3A_175 = arith.addf %add3A_172, %add3A_174 : vector<8x4096xf32>
      %lt3A_176 = arith.cmpf olt, %add3A_175, %min3A_163 : vector<8x4096xf32>
      %min3A_177 = arith.minimumf %min3A_163, %add3A_175 : vector<8x4096xf32>
      %add3A_178 = arith.constant 7.200000e+01 : f32
      %add3A_179 = vector.broadcast %add3A_178 : f32 to vector<8x1xf32>
      %add3A_180 = arith.addf %convert_element_type3A, %add3A_179 : vector<8x1xf32>
      %broadcast_in_dim3A_181 = vector.shape_cast %add3A_180 : vector<8x1xf32> to vector<8x1xf32>
      %broadcast_in_dim3A_182 = vector.broadcast %broadcast_in_dim3A_181 : vector<8x1xf32> to vector<8x4096xf32>
      %select_n3A_183 = arith.select %lt3A_176, %broadcast_in_dim3A_182, %select_n3A_169 : vector<8x4096xi1>, vector<8x4096xf32>
      %slice3A_184 = vector.extract_strided_slice %dot_general3A_36 {offsets = [80, 0], sizes = [8, 4096], strides = [1, 1]} : vector<512x4096xf32> to vector<8x4096xf32>
      %add3A_185 = vector.broadcast %broadcast_in_dim3A : vector<1x4096xf32> to vector<8x4096xf32>
      %add3A_186 = arith.addf %add3A_185, %slice3A_184 : vector<8x4096xf32>
      %slice3A_187 = vector.extract_strided_slice %mul3A_35 {offsets = [80, 0], sizes = [8, 1], strides = [1, 1]} : vector<512x1xf32> to vector<8x1xf32>
      %add3A_188 = vector.broadcast %slice3A_187 : vector<8x1xf32> to vector<8x4096xf32>
      %add3A_189 = arith.addf %add3A_186, %add3A_188 : vector<8x4096xf32>
      %lt3A_190 = arith.cmpf olt, %add3A_189, %min3A_177 : vector<8x4096xf32>
      %min3A_191 = arith.minimumf %min3A_177, %add3A_189 : vector<8x4096xf32>
      %add3A_192 = arith.constant 8.000000e+01 : f32
      %add3A_193 = vector.broadcast %add3A_192 : f32 to vector<8x1xf32>
      %add3A_194 = arith.addf %convert_element_type3A, %add3A_193 : vector<8x1xf32>
      %broadcast_in_dim3A_195 = vector.shape_cast %add3A_194 : vector<8x1xf32> to vector<8x1xf32>
      %broadcast_in_dim3A_196 = vector.broadcast %broadcast_in_dim3A_195 : vector<8x1xf32> to vector<8x4096xf32>
      %select_n3A_197 = arith.select %lt3A_190, %broadcast_in_dim3A_196, %select_n3A_183 : vector<8x4096xi1>, vector<8x4096xf32>
      %slice3A_198 = vector.extract_strided_slice %dot_general3A_36 {offsets = [88, 0], sizes = [8, 4096], strides = [1, 1]} : vector<512x4096xf32> to vector<8x4096xf32>
      %add3A_199 = vector.broadcast %broadcast_in_dim3A : vector<1x4096xf32> to vector<8x4096xf32>
      %add3A_200 = arith.addf %add3A_199, %slice3A_198 : vector<8x4096xf32>
      %slice3A_201 = vector.extract_strided_slice %mul3A_35 {offsets = [88, 0], sizes = [8, 1], strides = [1, 1]} : vector<512x1xf32> to vector<8x1xf32>
      %add3A_202 = vector.broadcast %slice3A_201 : vector<8x1xf32> to vector<8x4096xf32>
      %add3A_203 = arith.addf %add3A_200, %add3A_202 : vector<8x4096xf32>
      %lt3A_204 = arith.cmpf olt, %add3A_203, %min3A_191 : vector<8x4096xf32>
      %min3A_205 = arith.minimumf %min3A_191, %add3A_203 : vector<8x4096xf32>
      %add3A_206 = arith.constant 8.800000e+01 : f32
      %add3A_207 = vector.broadcast %add3A_206 : f32 to vector<8x1xf32>
      %add3A_208 = arith.addf %convert_element_type3A, %add3A_207 : vector<8x1xf32>
      %broadcast_in_dim3A_209 = vector.shape_cast %add3A_208 : vector<8x1xf32> to vector<8x1xf32>
      %broadcast_in_dim3A_210 = vector.broadcast %broadcast_in_dim3A_209 : vector<8x1xf32> to vector<8x4096xf32>
      %select_n3A_211 = arith.select %lt3A_204, %broadcast_in_dim3A_210, %select_n3A_197 : vector<8x4096xi1>, vector<8x4096xf32>
      %slice3A_212 = vector.extract_strided_slice %dot_general3A_36 {offsets = [96, 0], sizes = [8, 4096], strides = [1, 1]} : vector<512x4096xf32> to vector<8x4096xf32>
      %add3A_213 = vector.broadcast %broadcast_in_dim3A : vector<1x4096xf32> to vector<8x4096xf32>
      %add3A_214 = arith.addf %add3A_213, %slice3A_212 : vector<8x4096xf32>
      %slice3A_215 = vector.extract_strided_slice %mul3A_35 {offsets = [96, 0], sizes = [8, 1], strides = [1, 1]} : vector<512x1xf32> to vector<8x1xf32>
      %add3A_216 = vector.broadcast %slice3A_215 : vector<8x1xf32> to vector<8x4096xf32>
      %add3A_217 = arith.addf %add3A_214, %add3A_216 : vector<8x4096xf32>
      %lt3A_218 = arith.cmpf olt, %add3A_217, %min3A_205 : vector<8x4096xf32>
      %min3A_219 = arith.minimumf %min3A_205, %add3A_217 : vector<8x4096xf32>
      %add3A_220 = arith.constant 9.600000e+01 : f32
      %add3A_221 = vector.broadcast %add3A_220 : f32 to vector<8x1xf32>
      %add3A_222 = arith.addf %convert_element_type3A, %add3A_221 : vector<8x1xf32>
      %broadcast_in_dim3A_223 = vector.shape_cast %add3A_222 : vector<8x1xf32> to vector<8x1xf32>
      %broadcast_in_dim3A_224 = vector.broadcast %broadcast_in_dim3A_223 : vector<8x1xf32> to vector<8x4096xf32>
      %select_n3A_225 = arith.select %lt3A_218, %broadcast_in_dim3A_224, %select_n3A_211 : vector<8x4096xi1>, vector<8x4096xf32>
      %slice3A_226 = vector.extract_strided_slice %dot_general3A_36 {offsets = [104, 0], sizes = [8, 4096], strides = [1, 1]} : vector<512x4096xf32> to vector<8x4096xf32>
      %add3A_227 = vector.broadcast %broadcast_in_dim3A : vector<1x4096xf32> to vector<8x4096xf32>
      %add3A_228 = arith.addf %add3A_227, %slice3A_226 : vector<8x4096xf32>
      %slice3A_229 = vector.extract_strided_slice %mul3A_35 {offsets = [104, 0], sizes = [8, 1], strides = [1, 1]} : vector<512x1xf32> to vector<8x1xf32>
      %add3A_230 = vector.broadcast %slice3A_229 : vector<8x1xf32> to vector<8x4096xf32>
      %add3A_231 = arith.addf %add3A_228, %add3A_230 : vector<8x4096xf32>
      %lt3A_232 = arith.cmpf olt, %add3A_231, %min3A_219 : vector<8x4096xf32>
      %min3A_233 = arith.minimumf %min3A_219, %add3A_231 : vector<8x4096xf32>
      %add3A_234 = arith.constant 1.040000e+02 : f32
      %add3A_235 = vector.broadcast %add3A_234 : f32 to vector<8x1xf32>
      %add3A_236 = arith.addf %convert_element_type3A, %add3A_235 : vector<8x1xf32>
      %broadcast_in_dim3A_237 = vector.shape_cast %add3A_236 : vector<8x1xf32> to vector<8x1xf32>
      %broadcast_in_dim3A_238 = vector.broadcast %broadcast_in_dim3A_237 : vector<8x1xf32> to vector<8x4096xf32>
      %select_n3A_239 = arith.select %lt3A_232, %broadcast_in_dim3A_238, %select_n3A_225 : vector<8x4096xi1>, vector<8x4096xf32>
      %slice3A_240 = vector.extract_strided_slice %dot_general3A_36 {offsets = [112, 0], sizes = [8, 4096], strides = [1, 1]} : vector<512x4096xf32> to vector<8x4096xf32>
      %add3A_241 = vector.broadcast %broadcast_in_dim3A : vector<1x4096xf32> to vector<8x4096xf32>
      %add3A_242 = arith.addf %add3A_241, %slice3A_240 : vector<8x4096xf32>
      %slice3A_243 = vector.extract_strided_slice %mul3A_35 {offsets = [112, 0], sizes = [8, 1], strides = [1, 1]} : vector<512x1xf32> to vector<8x1xf32>
      %add3A_244 = vector.broadcast %slice3A_243 : vector<8x1xf32> to vector<8x4096xf32>
      %add3A_245 = arith.addf %add3A_242, %add3A_244 : vector<8x4096xf32>
      %lt3A_246 = arith.cmpf olt, %add3A_245, %min3A_233 : vector<8x4096xf32>
      %min3A_247 = arith.minimumf %min3A_233, %add3A_245 : vector<8x4096xf32>
      %add3A_248 = arith.constant 1.120000e+02 : f32
      %add3A_249 = vector.broadcast %add3A_248 : f32 to vector<8x1xf32>
      %add3A_250 = arith.addf %convert_element_type3A, %add3A_249 : vector<8x1xf32>
      %broadcast_in_dim3A_251 = vector.shape_cast %add3A_250 : vector<8x1xf32> to vector<8x1xf32>
      %broadcast_in_dim3A_252 = vector.broadcast %broadcast_in_dim3A_251 : vector<8x1xf32> to vector<8x4096xf32>
      %select_n3A_253 = arith.select %lt3A_246, %broadcast_in_dim3A_252, %select_n3A_239 : vector<8x4096xi1>, vector<8x4096xf32>
      %slice3A_254 = vector.extract_strided_slice %dot_general3A_36 {offsets = [120, 0], sizes = [8, 4096], strides = [1, 1]} : vector<512x4096xf32> to vector<8x4096xf32>
      %add3A_255 = vector.broadcast %broadcast_in_dim3A : vector<1x4096xf32> to vector<8x4096xf32>
      %add3A_256 = arith.addf %add3A_255, %slice3A_254 : vector<8x4096xf32>
      %slice3A_257 = vector.extract_strided_slice %mul3A_35 {offsets = [120, 0], sizes = [8, 1], strides = [1, 1]} : vector<512x1xf32> to vector<8x1xf32>
      %add3A_258 = vector.broadcast %slice3A_257 : vector<8x1xf32> to vector<8x4096xf32>
      %add3A_259 = arith.addf %add3A_256, %add3A_258 : vector<8x4096xf32>
      %lt3A_260 = arith.cmpf olt, %add3A_259, %min3A_247 : vector<8x4096xf32>
      %min3A_261 = arith.minimumf %min3A_247, %add3A_259 : vector<8x4096xf32>
      %add3A_262 = arith.constant 1.200000e+02 : f32
      %add3A_263 = vector.broadcast %add3A_262 : f32 to vector<8x1xf32>
      %add3A_264 = arith.addf %convert_element_type3A, %add3A_263 : vector<8x1xf32>
      %broadcast_in_dim3A_265 = vector.shape_cast %add3A_264 : vector<8x1xf32> to vector<8x1xf32>
      %broadcast_in_dim3A_266 = vector.broadcast %broadcast_in_dim3A_265 : vector<8x1xf32> to vector<8x4096xf32>
      %select_n3A_267 = arith.select %lt3A_260, %broadcast_in_dim3A_266, %select_n3A_253 : vector<8x4096xi1>, vector<8x4096xf32>
      %slice3A_268 = vector.extract_strided_slice %dot_general3A_36 {offsets = [128, 0], sizes = [8, 4096], strides = [1, 1]} : vector<512x4096xf32> to vector<8x4096xf32>
      %add3A_269 = vector.broadcast %broadcast_in_dim3A : vector<1x4096xf32> to vector<8x4096xf32>
      %add3A_270 = arith.addf %add3A_269, %slice3A_268 : vector<8x4096xf32>
      %slice3A_271 = vector.extract_strided_slice %mul3A_35 {offsets = [128, 0], sizes = [8, 1], strides = [1, 1]} : vector<512x1xf32> to vector<8x1xf32>
      %add3A_272 = vector.broadcast %slice3A_271 : vector<8x1xf32> to vector<8x4096xf32>
      %add3A_273 = arith.addf %add3A_270, %add3A_272 : vector<8x4096xf32>
      %lt3A_274 = arith.cmpf olt, %add3A_273, %min3A_261 : vector<8x4096xf32>
      %min3A_275 = arith.minimumf %min3A_261, %add3A_273 : vector<8x4096xf32>
      %add3A_276 = arith.constant 1.280000e+02 : f32
      %add3A_277 = vector.broadcast %add3A_276 : f32 to vector<8x1xf32>
      %add3A_278 = arith.addf %convert_element_type3A, %add3A_277 : vector<8x1xf32>
      %broadcast_in_dim3A_279 = vector.shape_cast %add3A_278 : vector<8x1xf32> to vector<8x1xf32>
      %broadcast_in_dim3A_280 = vector.broadcast %broadcast_in_dim3A_279 : vector<8x1xf32> to vector<8x4096xf32>
      %select_n3A_281 = arith.select %lt3A_274, %broadcast_in_dim3A_280, %select_n3A_267 : vector<8x4096xi1>, vector<8x4096xf32>
      %slice3A_282 = vector.extract_strided_slice %dot_general3A_36 {offsets = [136, 0], sizes = [8, 4096], strides = [1, 1]} : vector<512x4096xf32> to vector<8x4096xf32>
      %add3A_283 = vector.broadcast %broadcast_in_dim3A : vector<1x4096xf32> to vector<8x4096xf32>
      %add3A_284 = arith.addf %add3A_283, %slice3A_282 : vector<8x4096xf32>
      %slice3A_285 = vector.extract_strided_slice %mul3A_35 {offsets = [136, 0], sizes = [8, 1], strides = [1, 1]} : vector<512x1xf32> to vector<8x1xf32>
      %add3A_286 = vector.broadcast %slice3A_285 : vector<8x1xf32> to vector<8x4096xf32>
      %add3A_287 = arith.addf %add3A_284, %add3A_286 : vector<8x4096xf32>
      %lt3A_288 = arith.cmpf olt, %add3A_287, %min3A_275 : vector<8x4096xf32>
      %min3A_289 = arith.minimumf %min3A_275, %add3A_287 : vector<8x4096xf32>
      %add3A_290 = arith.constant 1.360000e+02 : f32
      %add3A_291 = vector.broadcast %add3A_290 : f32 to vector<8x1xf32>
      %add3A_292 = arith.addf %convert_element_type3A, %add3A_291 : vector<8x1xf32>
      %broadcast_in_dim3A_293 = vector.shape_cast %add3A_292 : vector<8x1xf32> to vector<8x1xf32>
      %broadcast_in_dim3A_294 = vector.broadcast %broadcast_in_dim3A_293 : vector<8x1xf32> to vector<8x4096xf32>
      %select_n3A_295 = arith.select %lt3A_288, %broadcast_in_dim3A_294, %select_n3A_281 : vector<8x4096xi1>, vector<8x4096xf32>
      %slice3A_296 = vector.extract_strided_slice %dot_general3A_36 {offsets = [144, 0], sizes = [8, 4096], strides = [1, 1]} : vector<512x4096xf32> to vector<8x4096xf32>
      %add3A_297 = vector.broadcast %broadcast_in_dim3A : vector<1x4096xf32> to vector<8x4096xf32>
      %add3A_298 = arith.addf %add3A_297, %slice3A_296 : vector<8x4096xf32>
      %slice3A_299 = vector.extract_strided_slice %mul3A_35 {offsets = [144, 0], sizes = [8, 1], strides = [1, 1]} : vector<512x1xf32> to vector<8x1xf32>
      %add3A_300 = vector.broadcast %slice3A_299 : vector<8x1xf32> to vector<8x4096xf32>
      %add3A_301 = arith.addf %add3A_298, %add3A_300 : vector<8x4096xf32>
      %lt3A_302 = arith.cmpf olt, %add3A_301, %min3A_289 : vector<8x4096xf32>
      %min3A_303 = arith.minimumf %min3A_289, %add3A_301 : vector<8x4096xf32>
      %add3A_304 = arith.constant 1.440000e+02 : f32
      %add3A_305 = vector.broadcast %add3A_304 : f32 to vector<8x1xf32>
      %add3A_306 = arith.addf %convert_element_type3A, %add3A_305 : vector<8x1xf32>
      %broadcast_in_dim3A_307 = vector.shape_cast %add3A_306 : vector<8x1xf32> to vector<8x1xf32>
      %broadcast_in_dim3A_308 = vector.broadcast %broadcast_in_dim3A_307 : vector<8x1xf32> to vector<8x4096xf32>
      %select_n3A_309 = arith.select %lt3A_302, %broadcast_in_dim3A_308, %select_n3A_295 : vector<8x4096xi1>, vector<8x4096xf32>
      %slice3A_310 = vector.extract_strided_slice %dot_general3A_36 {offsets = [152, 0], sizes = [8, 4096], strides = [1, 1]} : vector<512x4096xf32> to vector<8x4096xf32>
      %add3A_311 = vector.broadcast %broadcast_in_dim3A : vector<1x4096xf32> to vector<8x4096xf32>
      %add3A_312 = arith.addf %add3A_311, %slice3A_310 : vector<8x4096xf32>
      %slice3A_313 = vector.extract_strided_slice %mul3A_35 {offsets = [152, 0], sizes = [8, 1], strides = [1, 1]} : vector<512x1xf32> to vector<8x1xf32>
      %add3A_314 = vector.broadcast %slice3A_313 : vector<8x1xf32> to vector<8x4096xf32>
      %add3A_315 = arith.addf %add3A_312, %add3A_314 : vector<8x4096xf32>
      %lt3A_316 = arith.cmpf olt, %add3A_315, %min3A_303 : vector<8x4096xf32>
      %min3A_317 = arith.minimumf %min3A_303, %add3A_315 : vector<8x4096xf32>
      %add3A_318 = arith.constant 1.520000e+02 : f32
      %add3A_319 = vector.broadcast %add3A_318 : f32 to vector<8x1xf32>
      %add3A_320 = arith.addf %convert_element_type3A, %add3A_319 : vector<8x1xf32>
      %broadcast_in_dim3A_321 = vector.shape_cast %add3A_320 : vector<8x1xf32> to vector<8x1xf32>
      %broadcast_in_dim3A_322 = vector.broadcast %broadcast_in_dim3A_321 : vector<8x1xf32> to vector<8x4096xf32>
      %select_n3A_323 = arith.select %lt3A_316, %broadcast_in_dim3A_322, %select_n3A_309 : vector<8x4096xi1>, vector<8x4096xf32>
      %slice3A_324 = vector.extract_strided_slice %dot_general3A_36 {offsets = [160, 0], sizes = [8, 4096], strides = [1, 1]} : vector<512x4096xf32> to vector<8x4096xf32>
      %add3A_325 = vector.broadcast %broadcast_in_dim3A : vector<1x4096xf32> to vector<8x4096xf32>
      %add3A_326 = arith.addf %add3A_325, %slice3A_324 : vector<8x4096xf32>
      %slice3A_327 = vector.extract_strided_slice %mul3A_35 {offsets = [160, 0], sizes = [8, 1], strides = [1, 1]} : vector<512x1xf32> to vector<8x1xf32>
      %add3A_328 = vector.broadcast %slice3A_327 : vector<8x1xf32> to vector<8x4096xf32>
      %add3A_329 = arith.addf %add3A_326, %add3A_328 : vector<8x4096xf32>
      %lt3A_330 = arith.cmpf olt, %add3A_329, %min3A_317 : vector<8x4096xf32>
      %min3A_331 = arith.minimumf %min3A_317, %add3A_329 : vector<8x4096xf32>
      %add3A_332 = arith.constant 1.600000e+02 : f32
      %add3A_333 = vector.broadcast %add3A_332 : f32 to vector<8x1xf32>
      %add3A_334 = arith.addf %convert_element_type3A, %add3A_333 : vector<8x1xf32>
      %broadcast_in_dim3A_335 = vector.shape_cast %add3A_334 : vector<8x1xf32> to vector<8x1xf32>
      %broadcast_in_dim3A_336 = vector.broadcast %broadcast_in_dim3A_335 : vector<8x1xf32> to vector<8x4096xf32>
      %select_n3A_337 = arith.select %lt3A_330, %broadcast_in_dim3A_336, %select_n3A_323 : vector<8x4096xi1>, vector<8x4096xf32>
      %slice3A_338 = vector.extract_strided_slice %dot_general3A_36 {offsets = [168, 0], sizes = [8, 4096], strides = [1, 1]} : vector<512x4096xf32> to vector<8x4096xf32>
      %add3A_339 = vector.broadcast %broadcast_in_dim3A : vector<1x4096xf32> to vector<8x4096xf32>
      %add3A_340 = arith.addf %add3A_339, %slice3A_338 : vector<8x4096xf32>
      %slice3A_341 = vector.extract_strided_slice %mul3A_35 {offsets = [168, 0], sizes = [8, 1], strides = [1, 1]} : vector<512x1xf32> to vector<8x1xf32>
      %add3A_342 = vector.broadcast %slice3A_341 : vector<8x1xf32> to vector<8x4096xf32>
      %add3A_343 = arith.addf %add3A_340, %add3A_342 : vector<8x4096xf32>
      %lt3A_344 = arith.cmpf olt, %add3A_343, %min3A_331 : vector<8x4096xf32>
      %min3A_345 = arith.minimumf %min3A_331, %add3A_343 : vector<8x4096xf32>
      %add3A_346 = arith.constant 1.680000e+02 : f32
      %add3A_347 = vector.broadcast %add3A_346 : f32 to vector<8x1xf32>
      %add3A_348 = arith.addf %convert_element_type3A, %add3A_347 : vector<8x1xf32>
      %broadcast_in_dim3A_349 = vector.shape_cast %add3A_348 : vector<8x1xf32> to vector<8x1xf32>
      %broadcast_in_dim3A_350 = vector.broadcast %broadcast_in_dim3A_349 : vector<8x1xf32> to vector<8x4096xf32>
      %select_n3A_351 = arith.select %lt3A_344, %broadcast_in_dim3A_350, %select_n3A_337 : vector<8x4096xi1>, vector<8x4096xf32>
      %slice3A_352 = vector.extract_strided_slice %dot_general3A_36 {offsets = [176, 0], sizes = [8, 4096], strides = [1, 1]} : vector<512x4096xf32> to vector<8x4096xf32>
      %add3A_353 = vector.broadcast %broadcast_in_dim3A : vector<1x4096xf32> to vector<8x4096xf32>
      %add3A_354 = arith.addf %add3A_353, %slice3A_352 : vector<8x4096xf32>
      %slice3A_355 = vector.extract_strided_slice %mul3A_35 {offsets = [176, 0], sizes = [8, 1], strides = [1, 1]} : vector<512x1xf32> to vector<8x1xf32>
      %add3A_356 = vector.broadcast %slice3A_355 : vector<8x1xf32> to vector<8x4096xf32>
      %add3A_357 = arith.addf %add3A_354, %add3A_356 : vector<8x4096xf32>
      %lt3A_358 = arith.cmpf olt, %add3A_357, %min3A_345 : vector<8x4096xf32>
      %min3A_359 = arith.minimumf %min3A_345, %add3A_357 : vector<8x4096xf32>
      %add3A_360 = arith.constant 1.760000e+02 : f32
      %add3A_361 = vector.broadcast %add3A_360 : f32 to vector<8x1xf32>
      %add3A_362 = arith.addf %convert_element_type3A, %add3A_361 : vector<8x1xf32>
      %broadcast_in_dim3A_363 = vector.shape_cast %add3A_362 : vector<8x1xf32> to vector<8x1xf32>
      %broadcast_in_dim3A_364 = vector.broadcast %broadcast_in_dim3A_363 : vector<8x1xf32> to vector<8x4096xf32>
      %select_n3A_365 = arith.select %lt3A_358, %broadcast_in_dim3A_364, %select_n3A_351 : vector<8x4096xi1>, vector<8x4096xf32>
      %slice3A_366 = vector.extract_strided_slice %dot_general3A_36 {offsets = [184, 0], sizes = [8, 4096], strides = [1, 1]} : vector<512x4096xf32> to vector<8x4096xf32>
      %add3A_367 = vector.broadcast %broadcast_in_dim3A : vector<1x4096xf32> to vector<8x4096xf32>
      %add3A_368 = arith.addf %add3A_367, %slice3A_366 : vector<8x4096xf32>
      %slice3A_369 = vector.extract_strided_slice %mul3A_35 {offsets = [184, 0], sizes = [8, 1], strides = [1, 1]} : vector<512x1xf32> to vector<8x1xf32>
      %add3A_370 = vector.broadcast %slice3A_369 : vector<8x1xf32> to vector<8x4096xf32>
      %add3A_371 = arith.addf %add3A_368, %add3A_370 : vector<8x4096xf32>
      %lt3A_372 = arith.cmpf olt, %add3A_371, %min3A_359 : vector<8x4096xf32>
      %min3A_373 = arith.minimumf %min3A_359, %add3A_371 : vector<8x4096xf32>
      %add3A_374 = arith.constant 1.840000e+02 : f32
      %add3A_375 = vector.broadcast %add3A_374 : f32 to vector<8x1xf32>
      %add3A_376 = arith.addf %convert_element_type3A, %add3A_375 : vector<8x1xf32>
      %broadcast_in_dim3A_377 = vector.shape_cast %add3A_376 : vector<8x1xf32> to vector<8x1xf32>
      %broadcast_in_dim3A_378 = vector.broadcast %broadcast_in_dim3A_377 : vector<8x1xf32> to vector<8x4096xf32>
      %select_n3A_379 = arith.select %lt3A_372, %broadcast_in_dim3A_378, %select_n3A_365 : vector<8x4096xi1>, vector<8x4096xf32>
      %slice3A_380 = vector.extract_strided_slice %dot_general3A_36 {offsets = [192, 0], sizes = [8, 4096], strides = [1, 1]} : vector<512x4096xf32> to vector<8x4096xf32>
      %add3A_381 = vector.broadcast %broadcast_in_dim3A : vector<1x4096xf32> to vector<8x4096xf32>
      %add3A_382 = arith.addf %add3A_381, %slice3A_380 : vector<8x4096xf32>
      %slice3A_383 = vector.extract_strided_slice %mul3A_35 {offsets = [192, 0], sizes = [8, 1], strides = [1, 1]} : vector<512x1xf32> to vector<8x1xf32>
      %add3A_384 = vector.broadcast %slice3A_383 : vector<8x1xf32> to vector<8x4096xf32>
      %add3A_385 = arith.addf %add3A_382, %add3A_384 : vector<8x4096xf32>
      %lt3A_386 = arith.cmpf olt, %add3A_385, %min3A_373 : vector<8x4096xf32>
      %min3A_387 = arith.minimumf %min3A_373, %add3A_385 : vector<8x4096xf32>
      %add3A_388 = arith.constant 1.920000e+02 : f32
      %add3A_389 = vector.broadcast %add3A_388 : f32 to vector<8x1xf32>
      %add3A_390 = arith.addf %convert_element_type3A, %add3A_389 : vector<8x1xf32>
      %broadcast_in_dim3A_391 = vector.shape_cast %add3A_390 : vector<8x1xf32> to vector<8x1xf32>
      %broadcast_in_dim3A_392 = vector.broadcast %broadcast_in_dim3A_391 : vector<8x1xf32> to vector<8x4096xf32>
      %select_n3A_393 = arith.select %lt3A_386, %broadcast_in_dim3A_392, %select_n3A_379 : vector<8x4096xi1>, vector<8x4096xf32>
      %slice3A_394 = vector.extract_strided_slice %dot_general3A_36 {offsets = [200, 0], sizes = [8, 4096], strides = [1, 1]} : vector<512x4096xf32> to vector<8x4096xf32>
      %add3A_395 = vector.broadcast %broadcast_in_dim3A : vector<1x4096xf32> to vector<8x4096xf32>
      %add3A_396 = arith.addf %add3A_395, %slice3A_394 : vector<8x4096xf32>
      %slice3A_397 = vector.extract_strided_slice %mul3A_35 {offsets = [200, 0], sizes = [8, 1], strides = [1, 1]} : vector<512x1xf32> to vector<8x1xf32>
      %add3A_398 = vector.broadcast %slice3A_397 : vector<8x1xf32> to vector<8x4096xf32>
      %add3A_399 = arith.addf %add3A_396, %add3A_398 : vector<8x4096xf32>
      %lt3A_400 = arith.cmpf olt, %add3A_399, %min3A_387 : vector<8x4096xf32>
      %min3A_401 = arith.minimumf %min3A_387, %add3A_399 : vector<8x4096xf32>
      %add3A_402 = arith.constant 2.000000e+02 : f32
      %add3A_403 = vector.broadcast %add3A_402 : f32 to vector<8x1xf32>
      %add3A_404 = arith.addf %convert_element_type3A, %add3A_403 : vector<8x1xf32>
      %broadcast_in_dim3A_405 = vector.shape_cast %add3A_404 : vector<8x1xf32> to vector<8x1xf32>
      %broadcast_in_dim3A_406 = vector.broadcast %broadcast_in_dim3A_405 : vector<8x1xf32> to vector<8x4096xf32>
      %select_n3A_407 = arith.select %lt3A_400, %broadcast_in_dim3A_406, %select_n3A_393 : vector<8x4096xi1>, vector<8x4096xf32>
      %slice3A_408 = vector.extract_strided_slice %dot_general3A_36 {offsets = [208, 0], sizes = [8, 4096], strides = [1, 1]} : vector<512x4096xf32> to vector<8x4096xf32>
      %add3A_409 = vector.broadcast %broadcast_in_dim3A : vector<1x4096xf32> to vector<8x4096xf32>
      %add3A_410 = arith.addf %add3A_409, %slice3A_408 : vector<8x4096xf32>
      %slice3A_411 = vector.extract_strided_slice %mul3A_35 {offsets = [208, 0], sizes = [8, 1], strides = [1, 1]} : vector<512x1xf32> to vector<8x1xf32>
      %add3A_412 = vector.broadcast %slice3A_411 : vector<8x1xf32> to vector<8x4096xf32>
      %add3A_413 = arith.addf %add3A_410, %add3A_412 : vector<8x4096xf32>
      %lt3A_414 = arith.cmpf olt, %add3A_413, %min3A_401 : vector<8x4096xf32>
      %min3A_415 = arith.minimumf %min3A_401, %add3A_413 : vector<8x4096xf32>
      %add3A_416 = arith.constant 2.080000e+02 : f32
      %add3A_417 = vector.broadcast %add3A_416 : f32 to vector<8x1xf32>
      %add3A_418 = arith.addf %convert_element_type3A, %add3A_417 : vector<8x1xf32>
      %broadcast_in_dim3A_419 = vector.shape_cast %add3A_418 : vector<8x1xf32> to vector<8x1xf32>
      %broadcast_in_dim3A_420 = vector.broadcast %broadcast_in_dim3A_419 : vector<8x1xf32> to vector<8x4096xf32>
      %select_n3A_421 = arith.select %lt3A_414, %broadcast_in_dim3A_420, %select_n3A_407 : vector<8x4096xi1>, vector<8x4096xf32>
      %slice3A_422 = vector.extract_strided_slice %dot_general3A_36 {offsets = [216, 0], sizes = [8, 4096], strides = [1, 1]} : vector<512x4096xf32> to vector<8x4096xf32>
      %add3A_423 = vector.broadcast %broadcast_in_dim3A : vector<1x4096xf32> to vector<8x4096xf32>
      %add3A_424 = arith.addf %add3A_423, %slice3A_422 : vector<8x4096xf32>
      %slice3A_425 = vector.extract_strided_slice %mul3A_35 {offsets = [216, 0], sizes = [8, 1], strides = [1, 1]} : vector<512x1xf32> to vector<8x1xf32>
      %add3A_426 = vector.broadcast %slice3A_425 : vector<8x1xf32> to vector<8x4096xf32>
      %add3A_427 = arith.addf %add3A_424, %add3A_426 : vector<8x4096xf32>
      %lt3A_428 = arith.cmpf olt, %add3A_427, %min3A_415 : vector<8x4096xf32>
      %min3A_429 = arith.minimumf %min3A_415, %add3A_427 : vector<8x4096xf32>
      %add3A_430 = arith.constant 2.160000e+02 : f32
      %add3A_431 = vector.broadcast %add3A_430 : f32 to vector<8x1xf32>
      %add3A_432 = arith.addf %convert_element_type3A, %add3A_431 : vector<8x1xf32>
      %broadcast_in_dim3A_433 = vector.shape_cast %add3A_432 : vector<8x1xf32> to vector<8x1xf32>
      %broadcast_in_dim3A_434 = vector.broadcast %broadcast_in_dim3A_433 : vector<8x1xf32> to vector<8x4096xf32>
      %select_n3A_435 = arith.select %lt3A_428, %broadcast_in_dim3A_434, %select_n3A_421 : vector<8x4096xi1>, vector<8x4096xf32>
      %slice3A_436 = vector.extract_strided_slice %dot_general3A_36 {offsets = [224, 0], sizes = [8, 4096], strides = [1, 1]} : vector<512x4096xf32> to vector<8x4096xf32>
      %add3A_437 = vector.broadcast %broadcast_in_dim3A : vector<1x4096xf32> to vector<8x4096xf32>
      %add3A_438 = arith.addf %add3A_437, %slice3A_436 : vector<8x4096xf32>
      %slice3A_439 = vector.extract_strided_slice %mul3A_35 {offsets = [224, 0], sizes = [8, 1], strides = [1, 1]} : vector<512x1xf32> to vector<8x1xf32>
      %add3A_440 = vector.broadcast %slice3A_439 : vector<8x1xf32> to vector<8x4096xf32>
      %add3A_441 = arith.addf %add3A_438, %add3A_440 : vector<8x4096xf32>
      %lt3A_442 = arith.cmpf olt, %add3A_441, %min3A_429 : vector<8x4096xf32>
      %min3A_443 = arith.minimumf %min3A_429, %add3A_441 : vector<8x4096xf32>
      %add3A_444 = arith.constant 2.240000e+02 : f32
      %add3A_445 = vector.broadcast %add3A_444 : f32 to vector<8x1xf32>
      %add3A_446 = arith.addf %convert_element_type3A, %add3A_445 : vector<8x1xf32>
      %broadcast_in_dim3A_447 = vector.shape_cast %add3A_446 : vector<8x1xf32> to vector<8x1xf32>
      %broadcast_in_dim3A_448 = vector.broadcast %broadcast_in_dim3A_447 : vector<8x1xf32> to vector<8x4096xf32>
      %select_n3A_449 = arith.select %lt3A_442, %broadcast_in_dim3A_448, %select_n3A_435 : vector<8x4096xi1>, vector<8x4096xf32>
      %slice3A_450 = vector.extract_strided_slice %dot_general3A_36 {offsets = [232, 0], sizes = [8, 4096], strides = [1, 1]} : vector<512x4096xf32> to vector<8x4096xf32>
      %add3A_451 = vector.broadcast %broadcast_in_dim3A : vector<1x4096xf32> to vector<8x4096xf32>
      %add3A_452 = arith.addf %add3A_451, %slice3A_450 : vector<8x4096xf32>
      %slice3A_453 = vector.extract_strided_slice %mul3A_35 {offsets = [232, 0], sizes = [8, 1], strides = [1, 1]} : vector<512x1xf32> to vector<8x1xf32>
      %add3A_454 = vector.broadcast %slice3A_453 : vector<8x1xf32> to vector<8x4096xf32>
      %add3A_455 = arith.addf %add3A_452, %add3A_454 : vector<8x4096xf32>
      %lt3A_456 = arith.cmpf olt, %add3A_455, %min3A_443 : vector<8x4096xf32>
      %min3A_457 = arith.minimumf %min3A_443, %add3A_455 : vector<8x4096xf32>
      %add3A_458 = arith.constant 2.320000e+02 : f32
      %add3A_459 = vector.broadcast %add3A_458 : f32 to vector<8x1xf32>
      %add3A_460 = arith.addf %convert_element_type3A, %add3A_459 : vector<8x1xf32>
      %broadcast_in_dim3A_461 = vector.shape_cast %add3A_460 : vector<8x1xf32> to vector<8x1xf32>
      %broadcast_in_dim3A_462 = vector.broadcast %broadcast_in_dim3A_461 : vector<8x1xf32> to vector<8x4096xf32>
      %select_n3A_463 = arith.select %lt3A_456, %broadcast_in_dim3A_462, %select_n3A_449 : vector<8x4096xi1>, vector<8x4096xf32>
      %slice3A_464 = vector.extract_strided_slice %dot_general3A_36 {offsets = [240, 0], sizes = [8, 4096], strides = [1, 1]} : vector<512x4096xf32> to vector<8x4096xf32>
      %add3A_465 = vector.broadcast %broadcast_in_dim3A : vector<1x4096xf32> to vector<8x4096xf32>
      %add3A_466 = arith.addf %add3A_465, %slice3A_464 : vector<8x4096xf32>
      %slice3A_467 = vector.extract_strided_slice %mul3A_35 {offsets = [240, 0], sizes = [8, 1], strides = [1, 1]} : vector<512x1xf32> to vector<8x1xf32>
      %add3A_468 = vector.broadcast %slice3A_467 : vector<8x1xf32> to vector<8x4096xf32>
      %add3A_469 = arith.addf %add3A_466, %add3A_468 : vector<8x4096xf32>
      %lt3A_470 = arith.cmpf olt, %add3A_469, %min3A_457 : vector<8x4096xf32>
      %min3A_471 = arith.minimumf %min3A_457, %add3A_469 : vector<8x4096xf32>
      %add3A_472 = arith.constant 2.400000e+02 : f32
      %add3A_473 = vector.broadcast %add3A_472 : f32 to vector<8x1xf32>
      %add3A_474 = arith.addf %convert_element_type3A, %add3A_473 : vector<8x1xf32>
      %broadcast_in_dim3A_475 = vector.shape_cast %add3A_474 : vector<8x1xf32> to vector<8x1xf32>
      %broadcast_in_dim3A_476 = vector.broadcast %broadcast_in_dim3A_475 : vector<8x1xf32> to vector<8x4096xf32>
      %select_n3A_477 = arith.select %lt3A_470, %broadcast_in_dim3A_476, %select_n3A_463 : vector<8x4096xi1>, vector<8x4096xf32>
      %slice3A_478 = vector.extract_strided_slice %dot_general3A_36 {offsets = [248, 0], sizes = [8, 4096], strides = [1, 1]} : vector<512x4096xf32> to vector<8x4096xf32>
      %add3A_479 = vector.broadcast %broadcast_in_dim3A : vector<1x4096xf32> to vector<8x4096xf32>
      %add3A_480 = arith.addf %add3A_479, %slice3A_478 : vector<8x4096xf32>
      %slice3A_481 = vector.extract_strided_slice %mul3A_35 {offsets = [248, 0], sizes = [8, 1], strides = [1, 1]} : vector<512x1xf32> to vector<8x1xf32>
      %add3A_482 = vector.broadcast %slice3A_481 : vector<8x1xf32> to vector<8x4096xf32>
      %add3A_483 = arith.addf %add3A_480, %add3A_482 : vector<8x4096xf32>
      %lt3A_484 = arith.cmpf olt, %add3A_483, %min3A_471 : vector<8x4096xf32>
      %min3A_485 = arith.minimumf %min3A_471, %add3A_483 : vector<8x4096xf32>
      %add3A_486 = arith.constant 2.480000e+02 : f32
      %add3A_487 = vector.broadcast %add3A_486 : f32 to vector<8x1xf32>
      %add3A_488 = arith.addf %convert_element_type3A, %add3A_487 : vector<8x1xf32>
      %broadcast_in_dim3A_489 = vector.shape_cast %add3A_488 : vector<8x1xf32> to vector<8x1xf32>
      %broadcast_in_dim3A_490 = vector.broadcast %broadcast_in_dim3A_489 : vector<8x1xf32> to vector<8x4096xf32>
      %select_n3A_491 = arith.select %lt3A_484, %broadcast_in_dim3A_490, %select_n3A_477 : vector<8x4096xi1>, vector<8x4096xf32>
      %slice3A_492 = vector.extract_strided_slice %dot_general3A_36 {offsets = [256, 0], sizes = [8, 4096], strides = [1, 1]} : vector<512x4096xf32> to vector<8x4096xf32>
      %add3A_493 = vector.broadcast %broadcast_in_dim3A : vector<1x4096xf32> to vector<8x4096xf32>
      %add3A_494 = arith.addf %add3A_493, %slice3A_492 : vector<8x4096xf32>
      %slice3A_495 = vector.extract_strided_slice %mul3A_35 {offsets = [256, 0], sizes = [8, 1], strides = [1, 1]} : vector<512x1xf32> to vector<8x1xf32>
      %add3A_496 = vector.broadcast %slice3A_495 : vector<8x1xf32> to vector<8x4096xf32>
      %add3A_497 = arith.addf %add3A_494, %add3A_496 : vector<8x4096xf32>
      %lt3A_498 = arith.cmpf olt, %add3A_497, %min3A_485 : vector<8x4096xf32>
      %min3A_499 = arith.minimumf %min3A_485, %add3A_497 : vector<8x4096xf32>
      %add3A_500 = arith.constant 2.560000e+02 : f32
      %add3A_501 = vector.broadcast %add3A_500 : f32 to vector<8x1xf32>
      %add3A_502 = arith.addf %convert_element_type3A, %add3A_501 : vector<8x1xf32>
      %broadcast_in_dim3A_503 = vector.shape_cast %add3A_502 : vector<8x1xf32> to vector<8x1xf32>
      %broadcast_in_dim3A_504 = vector.broadcast %broadcast_in_dim3A_503 : vector<8x1xf32> to vector<8x4096xf32>
      %select_n3A_505 = arith.select %lt3A_498, %broadcast_in_dim3A_504, %select_n3A_491 : vector<8x4096xi1>, vector<8x4096xf32>
      %slice3A_506 = vector.extract_strided_slice %dot_general3A_36 {offsets = [264, 0], sizes = [8, 4096], strides = [1, 1]} : vector<512x4096xf32> to vector<8x4096xf32>
      %add3A_507 = vector.broadcast %broadcast_in_dim3A : vector<1x4096xf32> to vector<8x4096xf32>
      %add3A_508 = arith.addf %add3A_507, %slice3A_506 : vector<8x4096xf32>
      %slice3A_509 = vector.extract_strided_slice %mul3A_35 {offsets = [264, 0], sizes = [8, 1], strides = [1, 1]} : vector<512x1xf32> to vector<8x1xf32>
      %add3A_510 = vector.broadcast %slice3A_509 : vector<8x1xf32> to vector<8x4096xf32>
      %add3A_511 = arith.addf %add3A_508, %add3A_510 : vector<8x4096xf32>
      %lt3A_512 = arith.cmpf olt, %add3A_511, %min3A_499 : vector<8x4096xf32>
      %min3A_513 = arith.minimumf %min3A_499, %add3A_511 : vector<8x4096xf32>
      %add3A_514 = arith.constant 2.640000e+02 : f32
      %add3A_515 = vector.broadcast %add3A_514 : f32 to vector<8x1xf32>
      %add3A_516 = arith.addf %convert_element_type3A, %add3A_515 : vector<8x1xf32>
      %broadcast_in_dim3A_517 = vector.shape_cast %add3A_516 : vector<8x1xf32> to vector<8x1xf32>
      %broadcast_in_dim3A_518 = vector.broadcast %broadcast_in_dim3A_517 : vector<8x1xf32> to vector<8x4096xf32>
      %select_n3A_519 = arith.select %lt3A_512, %broadcast_in_dim3A_518, %select_n3A_505 : vector<8x4096xi1>, vector<8x4096xf32>
      %slice3A_520 = vector.extract_strided_slice %dot_general3A_36 {offsets = [272, 0], sizes = [8, 4096], strides = [1, 1]} : vector<512x4096xf32> to vector<8x4096xf32>
      %add3A_521 = vector.broadcast %broadcast_in_dim3A : vector<1x4096xf32> to vector<8x4096xf32>
      %add3A_522 = arith.addf %add3A_521, %slice3A_520 : vector<8x4096xf32>
      %slice3A_523 = vector.extract_strided_slice %mul3A_35 {offsets = [272, 0], sizes = [8, 1], strides = [1, 1]} : vector<512x1xf32> to vector<8x1xf32>
      %add3A_524 = vector.broadcast %slice3A_523 : vector<8x1xf32> to vector<8x4096xf32>
      %add3A_525 = arith.addf %add3A_522, %add3A_524 : vector<8x4096xf32>
      %lt3A_526 = arith.cmpf olt, %add3A_525, %min3A_513 : vector<8x4096xf32>
      %min3A_527 = arith.minimumf %min3A_513, %add3A_525 : vector<8x4096xf32>
      %add3A_528 = arith.constant 2.720000e+02 : f32
      %add3A_529 = vector.broadcast %add3A_528 : f32 to vector<8x1xf32>
      %add3A_530 = arith.addf %convert_element_type3A, %add3A_529 : vector<8x1xf32>
      %broadcast_in_dim3A_531 = vector.shape_cast %add3A_530 : vector<8x1xf32> to vector<8x1xf32>
      %broadcast_in_dim3A_532 = vector.broadcast %broadcast_in_dim3A_531 : vector<8x1xf32> to vector<8x4096xf32>
      %select_n3A_533 = arith.select %lt3A_526, %broadcast_in_dim3A_532, %select_n3A_519 : vector<8x4096xi1>, vector<8x4096xf32>
      %slice3A_534 = vector.extract_strided_slice %dot_general3A_36 {offsets = [280, 0], sizes = [8, 4096], strides = [1, 1]} : vector<512x4096xf32> to vector<8x4096xf32>
      %add3A_535 = vector.broadcast %broadcast_in_dim3A : vector<1x4096xf32> to vector<8x4096xf32>
      %add3A_536 = arith.addf %add3A_535, %slice3A_534 : vector<8x4096xf32>
      %slice3A_537 = vector.extract_strided_slice %mul3A_35 {offsets = [280, 0], sizes = [8, 1], strides = [1, 1]} : vector<512x1xf32> to vector<8x1xf32>
      %add3A_538 = vector.broadcast %slice3A_537 : vector<8x1xf32> to vector<8x4096xf32>
      %add3A_539 = arith.addf %add3A_536, %add3A_538 : vector<8x4096xf32>
      %lt3A_540 = arith.cmpf olt, %add3A_539, %min3A_527 : vector<8x4096xf32>
      %min3A_541 = arith.minimumf %min3A_527, %add3A_539 : vector<8x4096xf32>
      %add3A_542 = arith.constant 2.800000e+02 : f32
      %add3A_543 = vector.broadcast %add3A_542 : f32 to vector<8x1xf32>
      %add3A_544 = arith.addf %convert_element_type3A, %add3A_543 : vector<8x1xf32>
      %broadcast_in_dim3A_545 = vector.shape_cast %add3A_544 : vector<8x1xf32> to vector<8x1xf32>
      %broadcast_in_dim3A_546 = vector.broadcast %broadcast_in_dim3A_545 : vector<8x1xf32> to vector<8x4096xf32>
      %select_n3A_547 = arith.select %lt3A_540, %broadcast_in_dim3A_546, %select_n3A_533 : vector<8x4096xi1>, vector<8x4096xf32>
      %slice3A_548 = vector.extract_strided_slice %dot_general3A_36 {offsets = [288, 0], sizes = [8, 4096], strides = [1, 1]} : vector<512x4096xf32> to vector<8x4096xf32>
      %add3A_549 = vector.broadcast %broadcast_in_dim3A : vector<1x4096xf32> to vector<8x4096xf32>
      %add3A_550 = arith.addf %add3A_549, %slice3A_548 : vector<8x4096xf32>
      %slice3A_551 = vector.extract_strided_slice %mul3A_35 {offsets = [288, 0], sizes = [8, 1], strides = [1, 1]} : vector<512x1xf32> to vector<8x1xf32>
      %add3A_552 = vector.broadcast %slice3A_551 : vector<8x1xf32> to vector<8x4096xf32>
      %add3A_553 = arith.addf %add3A_550, %add3A_552 : vector<8x4096xf32>
      %lt3A_554 = arith.cmpf olt, %add3A_553, %min3A_541 : vector<8x4096xf32>
      %min3A_555 = arith.minimumf %min3A_541, %add3A_553 : vector<8x4096xf32>
      %add3A_556 = arith.constant 2.880000e+02 : f32
      %add3A_557 = vector.broadcast %add3A_556 : f32 to vector<8x1xf32>
      %add3A_558 = arith.addf %convert_element_type3A, %add3A_557 : vector<8x1xf32>
      %broadcast_in_dim3A_559 = vector.shape_cast %add3A_558 : vector<8x1xf32> to vector<8x1xf32>
      %broadcast_in_dim3A_560 = vector.broadcast %broadcast_in_dim3A_559 : vector<8x1xf32> to vector<8x4096xf32>
      %select_n3A_561 = arith.select %lt3A_554, %broadcast_in_dim3A_560, %select_n3A_547 : vector<8x4096xi1>, vector<8x4096xf32>
      %slice3A_562 = vector.extract_strided_slice %dot_general3A_36 {offsets = [296, 0], sizes = [8, 4096], strides = [1, 1]} : vector<512x4096xf32> to vector<8x4096xf32>
      %add3A_563 = vector.broadcast %broadcast_in_dim3A : vector<1x4096xf32> to vector<8x4096xf32>
      %add3A_564 = arith.addf %add3A_563, %slice3A_562 : vector<8x4096xf32>
      %slice3A_565 = vector.extract_strided_slice %mul3A_35 {offsets = [296, 0], sizes = [8, 1], strides = [1, 1]} : vector<512x1xf32> to vector<8x1xf32>
      %add3A_566 = vector.broadcast %slice3A_565 : vector<8x1xf32> to vector<8x4096xf32>
      %add3A_567 = arith.addf %add3A_564, %add3A_566 : vector<8x4096xf32>
      %lt3A_568 = arith.cmpf olt, %add3A_567, %min3A_555 : vector<8x4096xf32>
      %min3A_569 = arith.minimumf %min3A_555, %add3A_567 : vector<8x4096xf32>
      %add3A_570 = arith.constant 2.960000e+02 : f32
      %add3A_571 = vector.broadcast %add3A_570 : f32 to vector<8x1xf32>
      %add3A_572 = arith.addf %convert_element_type3A, %add3A_571 : vector<8x1xf32>
      %broadcast_in_dim3A_573 = vector.shape_cast %add3A_572 : vector<8x1xf32> to vector<8x1xf32>
      %broadcast_in_dim3A_574 = vector.broadcast %broadcast_in_dim3A_573 : vector<8x1xf32> to vector<8x4096xf32>
      %select_n3A_575 = arith.select %lt3A_568, %broadcast_in_dim3A_574, %select_n3A_561 : vector<8x4096xi1>, vector<8x4096xf32>
      %slice3A_576 = vector.extract_strided_slice %dot_general3A_36 {offsets = [304, 0], sizes = [8, 4096], strides = [1, 1]} : vector<512x4096xf32> to vector<8x4096xf32>
      %add3A_577 = vector.broadcast %broadcast_in_dim3A : vector<1x4096xf32> to vector<8x4096xf32>
      %add3A_578 = arith.addf %add3A_577, %slice3A_576 : vector<8x4096xf32>
      %slice3A_579 = vector.extract_strided_slice %mul3A_35 {offsets = [304, 0], sizes = [8, 1], strides = [1, 1]} : vector<512x1xf32> to vector<8x1xf32>
      %add3A_580 = vector.broadcast %slice3A_579 : vector<8x1xf32> to vector<8x4096xf32>
      %add3A_581 = arith.addf %add3A_578, %add3A_580 : vector<8x4096xf32>
      %lt3A_582 = arith.cmpf olt, %add3A_581, %min3A_569 : vector<8x4096xf32>
      %min3A_583 = arith.minimumf %min3A_569, %add3A_581 : vector<8x4096xf32>
      %add3A_584 = arith.constant 3.040000e+02 : f32
      %add3A_585 = vector.broadcast %add3A_584 : f32 to vector<8x1xf32>
      %add3A_586 = arith.addf %convert_element_type3A, %add3A_585 : vector<8x1xf32>
      %broadcast_in_dim3A_587 = vector.shape_cast %add3A_586 : vector<8x1xf32> to vector<8x1xf32>
      %broadcast_in_dim3A_588 = vector.broadcast %broadcast_in_dim3A_587 : vector<8x1xf32> to vector<8x4096xf32>
      %select_n3A_589 = arith.select %lt3A_582, %broadcast_in_dim3A_588, %select_n3A_575 : vector<8x4096xi1>, vector<8x4096xf32>
      %slice3A_590 = vector.extract_strided_slice %dot_general3A_36 {offsets = [312, 0], sizes = [8, 4096], strides = [1, 1]} : vector<512x4096xf32> to vector<8x4096xf32>
      %add3A_591 = vector.broadcast %broadcast_in_dim3A : vector<1x4096xf32> to vector<8x4096xf32>
      %add3A_592 = arith.addf %add3A_591, %slice3A_590 : vector<8x4096xf32>
      %slice3A_593 = vector.extract_strided_slice %mul3A_35 {offsets = [312, 0], sizes = [8, 1], strides = [1, 1]} : vector<512x1xf32> to vector<8x1xf32>
      %add3A_594 = vector.broadcast %slice3A_593 : vector<8x1xf32> to vector<8x4096xf32>
      %add3A_595 = arith.addf %add3A_592, %add3A_594 : vector<8x4096xf32>
      %lt3A_596 = arith.cmpf olt, %add3A_595, %min3A_583 : vector<8x4096xf32>
      %min3A_597 = arith.minimumf %min3A_583, %add3A_595 : vector<8x4096xf32>
      %add3A_598 = arith.constant 3.120000e+02 : f32
      %add3A_599 = vector.broadcast %add3A_598 : f32 to vector<8x1xf32>
      %add3A_600 = arith.addf %convert_element_type3A, %add3A_599 : vector<8x1xf32>
      %broadcast_in_dim3A_601 = vector.shape_cast %add3A_600 : vector<8x1xf32> to vector<8x1xf32>
      %broadcast_in_dim3A_602 = vector.broadcast %broadcast_in_dim3A_601 : vector<8x1xf32> to vector<8x4096xf32>
      %select_n3A_603 = arith.select %lt3A_596, %broadcast_in_dim3A_602, %select_n3A_589 : vector<8x4096xi1>, vector<8x4096xf32>
      %slice3A_604 = vector.extract_strided_slice %dot_general3A_36 {offsets = [320, 0], sizes = [8, 4096], strides = [1, 1]} : vector<512x4096xf32> to vector<8x4096xf32>
      %add3A_605 = vector.broadcast %broadcast_in_dim3A : vector<1x4096xf32> to vector<8x4096xf32>
      %add3A_606 = arith.addf %add3A_605, %slice3A_604 : vector<8x4096xf32>
      %slice3A_607 = vector.extract_strided_slice %mul3A_35 {offsets = [320, 0], sizes = [8, 1], strides = [1, 1]} : vector<512x1xf32> to vector<8x1xf32>
      %add3A_608 = vector.broadcast %slice3A_607 : vector<8x1xf32> to vector<8x4096xf32>
      %add3A_609 = arith.addf %add3A_606, %add3A_608 : vector<8x4096xf32>
      %lt3A_610 = arith.cmpf olt, %add3A_609, %min3A_597 : vector<8x4096xf32>
      %min3A_611 = arith.minimumf %min3A_597, %add3A_609 : vector<8x4096xf32>
      %add3A_612 = arith.constant 3.200000e+02 : f32
      %add3A_613 = vector.broadcast %add3A_612 : f32 to vector<8x1xf32>
      %add3A_614 = arith.addf %convert_element_type3A, %add3A_613 : vector<8x1xf32>
      %broadcast_in_dim3A_615 = vector.shape_cast %add3A_614 : vector<8x1xf32> to vector<8x1xf32>
      %broadcast_in_dim3A_616 = vector.broadcast %broadcast_in_dim3A_615 : vector<8x1xf32> to vector<8x4096xf32>
      %select_n3A_617 = arith.select %lt3A_610, %broadcast_in_dim3A_616, %select_n3A_603 : vector<8x4096xi1>, vector<8x4096xf32>
      %slice3A_618 = vector.extract_strided_slice %dot_general3A_36 {offsets = [328, 0], sizes = [8, 4096], strides = [1, 1]} : vector<512x4096xf32> to vector<8x4096xf32>
      %add3A_619 = vector.broadcast %broadcast_in_dim3A : vector<1x4096xf32> to vector<8x4096xf32>
      %add3A_620 = arith.addf %add3A_619, %slice3A_618 : vector<8x4096xf32>
      %slice3A_621 = vector.extract_strided_slice %mul3A_35 {offsets = [328, 0], sizes = [8, 1], strides = [1, 1]} : vector<512x1xf32> to vector<8x1xf32>
      %add3A_622 = vector.broadcast %slice3A_621 : vector<8x1xf32> to vector<8x4096xf32>
      %add3A_623 = arith.addf %add3A_620, %add3A_622 : vector<8x4096xf32>
      %lt3A_624 = arith.cmpf olt, %add3A_623, %min3A_611 : vector<8x4096xf32>
      %min3A_625 = arith.minimumf %min3A_611, %add3A_623 : vector<8x4096xf32>
      %add3A_626 = arith.constant 3.280000e+02 : f32
      %add3A_627 = vector.broadcast %add3A_626 : f32 to vector<8x1xf32>
      %add3A_628 = arith.addf %convert_element_type3A, %add3A_627 : vector<8x1xf32>
      %broadcast_in_dim3A_629 = vector.shape_cast %add3A_628 : vector<8x1xf32> to vector<8x1xf32>
      %broadcast_in_dim3A_630 = vector.broadcast %broadcast_in_dim3A_629 : vector<8x1xf32> to vector<8x4096xf32>
      %select_n3A_631 = arith.select %lt3A_624, %broadcast_in_dim3A_630, %select_n3A_617 : vector<8x4096xi1>, vector<8x4096xf32>
      %slice3A_632 = vector.extract_strided_slice %dot_general3A_36 {offsets = [336, 0], sizes = [8, 4096], strides = [1, 1]} : vector<512x4096xf32> to vector<8x4096xf32>
      %add3A_633 = vector.broadcast %broadcast_in_dim3A : vector<1x4096xf32> to vector<8x4096xf32>
      %add3A_634 = arith.addf %add3A_633, %slice3A_632 : vector<8x4096xf32>
      %slice3A_635 = vector.extract_strided_slice %mul3A_35 {offsets = [336, 0], sizes = [8, 1], strides = [1, 1]} : vector<512x1xf32> to vector<8x1xf32>
      %add3A_636 = vector.broadcast %slice3A_635 : vector<8x1xf32> to vector<8x4096xf32>
      %add3A_637 = arith.addf %add3A_634, %add3A_636 : vector<8x4096xf32>
      %lt3A_638 = arith.cmpf olt, %add3A_637, %min3A_625 : vector<8x4096xf32>
      %min3A_639 = arith.minimumf %min3A_625, %add3A_637 : vector<8x4096xf32>
      %add3A_640 = arith.constant 3.360000e+02 : f32
      %add3A_641 = vector.broadcast %add3A_640 : f32 to vector<8x1xf32>
      %add3A_642 = arith.addf %convert_element_type3A, %add3A_641 : vector<8x1xf32>
      %broadcast_in_dim3A_643 = vector.shape_cast %add3A_642 : vector<8x1xf32> to vector<8x1xf32>
      %broadcast_in_dim3A_644 = vector.broadcast %broadcast_in_dim3A_643 : vector<8x1xf32> to vector<8x4096xf32>
      %select_n3A_645 = arith.select %lt3A_638, %broadcast_in_dim3A_644, %select_n3A_631 : vector<8x4096xi1>, vector<8x4096xf32>
      %slice3A_646 = vector.extract_strided_slice %dot_general3A_36 {offsets = [344, 0], sizes = [8, 4096], strides = [1, 1]} : vector<512x4096xf32> to vector<8x4096xf32>
      %add3A_647 = vector.broadcast %broadcast_in_dim3A : vector<1x4096xf32> to vector<8x4096xf32>
      %add3A_648 = arith.addf %add3A_647, %slice3A_646 : vector<8x4096xf32>
      %slice3A_649 = vector.extract_strided_slice %mul3A_35 {offsets = [344, 0], sizes = [8, 1], strides = [1, 1]} : vector<512x1xf32> to vector<8x1xf32>
      %add3A_650 = vector.broadcast %slice3A_649 : vector<8x1xf32> to vector<8x4096xf32>
      %add3A_651 = arith.addf %add3A_648, %add3A_650 : vector<8x4096xf32>
      %lt3A_652 = arith.cmpf olt, %add3A_651, %min3A_639 : vector<8x4096xf32>
      %min3A_653 = arith.minimumf %min3A_639, %add3A_651 : vector<8x4096xf32>
      %add3A_654 = arith.constant 3.440000e+02 : f32
      %add3A_655 = vector.broadcast %add3A_654 : f32 to vector<8x1xf32>
      %add3A_656 = arith.addf %convert_element_type3A, %add3A_655 : vector<8x1xf32>
      %broadcast_in_dim3A_657 = vector.shape_cast %add3A_656 : vector<8x1xf32> to vector<8x1xf32>
      %broadcast_in_dim3A_658 = vector.broadcast %broadcast_in_dim3A_657 : vector<8x1xf32> to vector<8x4096xf32>
      %select_n3A_659 = arith.select %lt3A_652, %broadcast_in_dim3A_658, %select_n3A_645 : vector<8x4096xi1>, vector<8x4096xf32>
      %slice3A_660 = vector.extract_strided_slice %dot_general3A_36 {offsets = [352, 0], sizes = [8, 4096], strides = [1, 1]} : vector<512x4096xf32> to vector<8x4096xf32>
      %add3A_661 = vector.broadcast %broadcast_in_dim3A : vector<1x4096xf32> to vector<8x4096xf32>
      %add3A_662 = arith.addf %add3A_661, %slice3A_660 : vector<8x4096xf32>
      %slice3A_663 = vector.extract_strided_slice %mul3A_35 {offsets = [352, 0], sizes = [8, 1], strides = [1, 1]} : vector<512x1xf32> to vector<8x1xf32>
      %add3A_664 = vector.broadcast %slice3A_663 : vector<8x1xf32> to vector<8x4096xf32>
      %add3A_665 = arith.addf %add3A_662, %add3A_664 : vector<8x4096xf32>
      %lt3A_666 = arith.cmpf olt, %add3A_665, %min3A_653 : vector<8x4096xf32>
      %min3A_667 = arith.minimumf %min3A_653, %add3A_665 : vector<8x4096xf32>
      %add3A_668 = arith.constant 3.520000e+02 : f32
      %add3A_669 = vector.broadcast %add3A_668 : f32 to vector<8x1xf32>
      %add3A_670 = arith.addf %convert_element_type3A, %add3A_669 : vector<8x1xf32>
      %broadcast_in_dim3A_671 = vector.shape_cast %add3A_670 : vector<8x1xf32> to vector<8x1xf32>
      %broadcast_in_dim3A_672 = vector.broadcast %broadcast_in_dim3A_671 : vector<8x1xf32> to vector<8x4096xf32>
      %select_n3A_673 = arith.select %lt3A_666, %broadcast_in_dim3A_672, %select_n3A_659 : vector<8x4096xi1>, vector<8x4096xf32>
      %slice3A_674 = vector.extract_strided_slice %dot_general3A_36 {offsets = [360, 0], sizes = [8, 4096], strides = [1, 1]} : vector<512x4096xf32> to vector<8x4096xf32>
      %add3A_675 = vector.broadcast %broadcast_in_dim3A : vector<1x4096xf32> to vector<8x4096xf32>
      %add3A_676 = arith.addf %add3A_675, %slice3A_674 : vector<8x4096xf32>
      %slice3A_677 = vector.extract_strided_slice %mul3A_35 {offsets = [360, 0], sizes = [8, 1], strides = [1, 1]} : vector<512x1xf32> to vector<8x1xf32>
      %add3A_678 = vector.broadcast %slice3A_677 : vector<8x1xf32> to vector<8x4096xf32>
      %add3A_679 = arith.addf %add3A_676, %add3A_678 : vector<8x4096xf32>
      %lt3A_680 = arith.cmpf olt, %add3A_679, %min3A_667 : vector<8x4096xf32>
      %min3A_681 = arith.minimumf %min3A_667, %add3A_679 : vector<8x4096xf32>
      %add3A_682 = arith.constant 3.600000e+02 : f32
      %add3A_683 = vector.broadcast %add3A_682 : f32 to vector<8x1xf32>
      %add3A_684 = arith.addf %convert_element_type3A, %add3A_683 : vector<8x1xf32>
      %broadcast_in_dim3A_685 = vector.shape_cast %add3A_684 : vector<8x1xf32> to vector<8x1xf32>
      %broadcast_in_dim3A_686 = vector.broadcast %broadcast_in_dim3A_685 : vector<8x1xf32> to vector<8x4096xf32>
      %select_n3A_687 = arith.select %lt3A_680, %broadcast_in_dim3A_686, %select_n3A_673 : vector<8x4096xi1>, vector<8x4096xf32>
      %slice3A_688 = vector.extract_strided_slice %dot_general3A_36 {offsets = [368, 0], sizes = [8, 4096], strides = [1, 1]} : vector<512x4096xf32> to vector<8x4096xf32>
      %add3A_689 = vector.broadcast %broadcast_in_dim3A : vector<1x4096xf32> to vector<8x4096xf32>
      %add3A_690 = arith.addf %add3A_689, %slice3A_688 : vector<8x4096xf32>
      %slice3A_691 = vector.extract_strided_slice %mul3A_35 {offsets = [368, 0], sizes = [8, 1], strides = [1, 1]} : vector<512x1xf32> to vector<8x1xf32>
      %add3A_692 = vector.broadcast %slice3A_691 : vector<8x1xf32> to vector<8x4096xf32>
      %add3A_693 = arith.addf %add3A_690, %add3A_692 : vector<8x4096xf32>
      %lt3A_694 = arith.cmpf olt, %add3A_693, %min3A_681 : vector<8x4096xf32>
      %min3A_695 = arith.minimumf %min3A_681, %add3A_693 : vector<8x4096xf32>
      %add3A_696 = arith.constant 3.680000e+02 : f32
      %add3A_697 = vector.broadcast %add3A_696 : f32 to vector<8x1xf32>
      %add3A_698 = arith.addf %convert_element_type3A, %add3A_697 : vector<8x1xf32>
      %broadcast_in_dim3A_699 = vector.shape_cast %add3A_698 : vector<8x1xf32> to vector<8x1xf32>
      %broadcast_in_dim3A_700 = vector.broadcast %broadcast_in_dim3A_699 : vector<8x1xf32> to vector<8x4096xf32>
      %select_n3A_701 = arith.select %lt3A_694, %broadcast_in_dim3A_700, %select_n3A_687 : vector<8x4096xi1>, vector<8x4096xf32>
      %slice3A_702 = vector.extract_strided_slice %dot_general3A_36 {offsets = [376, 0], sizes = [8, 4096], strides = [1, 1]} : vector<512x4096xf32> to vector<8x4096xf32>
      %add3A_703 = vector.broadcast %broadcast_in_dim3A : vector<1x4096xf32> to vector<8x4096xf32>
      %add3A_704 = arith.addf %add3A_703, %slice3A_702 : vector<8x4096xf32>
      %slice3A_705 = vector.extract_strided_slice %mul3A_35 {offsets = [376, 0], sizes = [8, 1], strides = [1, 1]} : vector<512x1xf32> to vector<8x1xf32>
      %add3A_706 = vector.broadcast %slice3A_705 : vector<8x1xf32> to vector<8x4096xf32>
      %add3A_707 = arith.addf %add3A_704, %add3A_706 : vector<8x4096xf32>
      %lt3A_708 = arith.cmpf olt, %add3A_707, %min3A_695 : vector<8x4096xf32>
      %min3A_709 = arith.minimumf %min3A_695, %add3A_707 : vector<8x4096xf32>
      %add3A_710 = arith.constant 3.760000e+02 : f32
      %add3A_711 = vector.broadcast %add3A_710 : f32 to vector<8x1xf32>
      %add3A_712 = arith.addf %convert_element_type3A, %add3A_711 : vector<8x1xf32>
      %broadcast_in_dim3A_713 = vector.shape_cast %add3A_712 : vector<8x1xf32> to vector<8x1xf32>
      %broadcast_in_dim3A_714 = vector.broadcast %broadcast_in_dim3A_713 : vector<8x1xf32> to vector<8x4096xf32>
      %select_n3A_715 = arith.select %lt3A_708, %broadcast_in_dim3A_714, %select_n3A_701 : vector<8x4096xi1>, vector<8x4096xf32>
      %slice3A_716 = vector.extract_strided_slice %dot_general3A_36 {offsets = [384, 0], sizes = [8, 4096], strides = [1, 1]} : vector<512x4096xf32> to vector<8x4096xf32>
      %add3A_717 = vector.broadcast %broadcast_in_dim3A : vector<1x4096xf32> to vector<8x4096xf32>
      %add3A_718 = arith.addf %add3A_717, %slice3A_716 : vector<8x4096xf32>
      %slice3A_719 = vector.extract_strided_slice %mul3A_35 {offsets = [384, 0], sizes = [8, 1], strides = [1, 1]} : vector<512x1xf32> to vector<8x1xf32>
      %add3A_720 = vector.broadcast %slice3A_719 : vector<8x1xf32> to vector<8x4096xf32>
      %add3A_721 = arith.addf %add3A_718, %add3A_720 : vector<8x4096xf32>
      %lt3A_722 = arith.cmpf olt, %add3A_721, %min3A_709 : vector<8x4096xf32>
      %min3A_723 = arith.minimumf %min3A_709, %add3A_721 : vector<8x4096xf32>
      %add3A_724 = arith.constant 3.840000e+02 : f32
      %add3A_725 = vector.broadcast %add3A_724 : f32 to vector<8x1xf32>
      %add3A_726 = arith.addf %convert_element_type3A, %add3A_725 : vector<8x1xf32>
      %broadcast_in_dim3A_727 = vector.shape_cast %add3A_726 : vector<8x1xf32> to vector<8x1xf32>
      %broadcast_in_dim3A_728 = vector.broadcast %broadcast_in_dim3A_727 : vector<8x1xf32> to vector<8x4096xf32>
      %select_n3A_729 = arith.select %lt3A_722, %broadcast_in_dim3A_728, %select_n3A_715 : vector<8x4096xi1>, vector<8x4096xf32>
      %slice3A_730 = vector.extract_strided_slice %dot_general3A_36 {offsets = [392, 0], sizes = [8, 4096], strides = [1, 1]} : vector<512x4096xf32> to vector<8x4096xf32>
      %add3A_731 = vector.broadcast %broadcast_in_dim3A : vector<1x4096xf32> to vector<8x4096xf32>
      %add3A_732 = arith.addf %add3A_731, %slice3A_730 : vector<8x4096xf32>
      %slice3A_733 = vector.extract_strided_slice %mul3A_35 {offsets = [392, 0], sizes = [8, 1], strides = [1, 1]} : vector<512x1xf32> to vector<8x1xf32>
      %add3A_734 = vector.broadcast %slice3A_733 : vector<8x1xf32> to vector<8x4096xf32>
      %add3A_735 = arith.addf %add3A_732, %add3A_734 : vector<8x4096xf32>
      %lt3A_736 = arith.cmpf olt, %add3A_735, %min3A_723 : vector<8x4096xf32>
      %min3A_737 = arith.minimumf %min3A_723, %add3A_735 : vector<8x4096xf32>
      %add3A_738 = arith.constant 3.920000e+02 : f32
      %add3A_739 = vector.broadcast %add3A_738 : f32 to vector<8x1xf32>
      %add3A_740 = arith.addf %convert_element_type3A, %add3A_739 : vector<8x1xf32>
      %broadcast_in_dim3A_741 = vector.shape_cast %add3A_740 : vector<8x1xf32> to vector<8x1xf32>
      %broadcast_in_dim3A_742 = vector.broadcast %broadcast_in_dim3A_741 : vector<8x1xf32> to vector<8x4096xf32>
      %select_n3A_743 = arith.select %lt3A_736, %broadcast_in_dim3A_742, %select_n3A_729 : vector<8x4096xi1>, vector<8x4096xf32>
      %slice3A_744 = vector.extract_strided_slice %dot_general3A_36 {offsets = [400, 0], sizes = [8, 4096], strides = [1, 1]} : vector<512x4096xf32> to vector<8x4096xf32>
      %add3A_745 = vector.broadcast %broadcast_in_dim3A : vector<1x4096xf32> to vector<8x4096xf32>
      %add3A_746 = arith.addf %add3A_745, %slice3A_744 : vector<8x4096xf32>
      %slice3A_747 = vector.extract_strided_slice %mul3A_35 {offsets = [400, 0], sizes = [8, 1], strides = [1, 1]} : vector<512x1xf32> to vector<8x1xf32>
      %add3A_748 = vector.broadcast %slice3A_747 : vector<8x1xf32> to vector<8x4096xf32>
      %add3A_749 = arith.addf %add3A_746, %add3A_748 : vector<8x4096xf32>
      %lt3A_750 = arith.cmpf olt, %add3A_749, %min3A_737 : vector<8x4096xf32>
      %min3A_751 = arith.minimumf %min3A_737, %add3A_749 : vector<8x4096xf32>
      %add3A_752 = arith.constant 4.000000e+02 : f32
      %add3A_753 = vector.broadcast %add3A_752 : f32 to vector<8x1xf32>
      %add3A_754 = arith.addf %convert_element_type3A, %add3A_753 : vector<8x1xf32>
      %broadcast_in_dim3A_755 = vector.shape_cast %add3A_754 : vector<8x1xf32> to vector<8x1xf32>
      %broadcast_in_dim3A_756 = vector.broadcast %broadcast_in_dim3A_755 : vector<8x1xf32> to vector<8x4096xf32>
      %select_n3A_757 = arith.select %lt3A_750, %broadcast_in_dim3A_756, %select_n3A_743 : vector<8x4096xi1>, vector<8x4096xf32>
      %slice3A_758 = vector.extract_strided_slice %dot_general3A_36 {offsets = [408, 0], sizes = [8, 4096], strides = [1, 1]} : vector<512x4096xf32> to vector<8x4096xf32>
      %add3A_759 = vector.broadcast %broadcast_in_dim3A : vector<1x4096xf32> to vector<8x4096xf32>
      %add3A_760 = arith.addf %add3A_759, %slice3A_758 : vector<8x4096xf32>
      %slice3A_761 = vector.extract_strided_slice %mul3A_35 {offsets = [408, 0], sizes = [8, 1], strides = [1, 1]} : vector<512x1xf32> to vector<8x1xf32>
      %add3A_762 = vector.broadcast %slice3A_761 : vector<8x1xf32> to vector<8x4096xf32>
      %add3A_763 = arith.addf %add3A_760, %add3A_762 : vector<8x4096xf32>
      %lt3A_764 = arith.cmpf olt, %add3A_763, %min3A_751 : vector<8x4096xf32>
      %min3A_765 = arith.minimumf %min3A_751, %add3A_763 : vector<8x4096xf32>
      %add3A_766 = arith.constant 4.080000e+02 : f32
      %add3A_767 = vector.broadcast %add3A_766 : f32 to vector<8x1xf32>
      %add3A_768 = arith.addf %convert_element_type3A, %add3A_767 : vector<8x1xf32>
      %broadcast_in_dim3A_769 = vector.shape_cast %add3A_768 : vector<8x1xf32> to vector<8x1xf32>
      %broadcast_in_dim3A_770 = vector.broadcast %broadcast_in_dim3A_769 : vector<8x1xf32> to vector<8x4096xf32>
      %select_n3A_771 = arith.select %lt3A_764, %broadcast_in_dim3A_770, %select_n3A_757 : vector<8x4096xi1>, vector<8x4096xf32>
      %slice3A_772 = vector.extract_strided_slice %dot_general3A_36 {offsets = [416, 0], sizes = [8, 4096], strides = [1, 1]} : vector<512x4096xf32> to vector<8x4096xf32>
      %add3A_773 = vector.broadcast %broadcast_in_dim3A : vector<1x4096xf32> to vector<8x4096xf32>
      %add3A_774 = arith.addf %add3A_773, %slice3A_772 : vector<8x4096xf32>
      %slice3A_775 = vector.extract_strided_slice %mul3A_35 {offsets = [416, 0], sizes = [8, 1], strides = [1, 1]} : vector<512x1xf32> to vector<8x1xf32>
      %add3A_776 = vector.broadcast %slice3A_775 : vector<8x1xf32> to vector<8x4096xf32>
      %add3A_777 = arith.addf %add3A_774, %add3A_776 : vector<8x4096xf32>
      %lt3A_778 = arith.cmpf olt, %add3A_777, %min3A_765 : vector<8x4096xf32>
      %min3A_779 = arith.minimumf %min3A_765, %add3A_777 : vector<8x4096xf32>
      %add3A_780 = arith.constant 4.160000e+02 : f32
      %add3A_781 = vector.broadcast %add3A_780 : f32 to vector<8x1xf32>
      %add3A_782 = arith.addf %convert_element_type3A, %add3A_781 : vector<8x1xf32>
      %broadcast_in_dim3A_783 = vector.shape_cast %add3A_782 : vector<8x1xf32> to vector<8x1xf32>
      %broadcast_in_dim3A_784 = vector.broadcast %broadcast_in_dim3A_783 : vector<8x1xf32> to vector<8x4096xf32>
      %select_n3A_785 = arith.select %lt3A_778, %broadcast_in_dim3A_784, %select_n3A_771 : vector<8x4096xi1>, vector<8x4096xf32>
      %slice3A_786 = vector.extract_strided_slice %dot_general3A_36 {offsets = [424, 0], sizes = [8, 4096], strides = [1, 1]} : vector<512x4096xf32> to vector<8x4096xf32>
      %add3A_787 = vector.broadcast %broadcast_in_dim3A : vector<1x4096xf32> to vector<8x4096xf32>
      %add3A_788 = arith.addf %add3A_787, %slice3A_786 : vector<8x4096xf32>
      %slice3A_789 = vector.extract_strided_slice %mul3A_35 {offsets = [424, 0], sizes = [8, 1], strides = [1, 1]} : vector<512x1xf32> to vector<8x1xf32>
      %add3A_790 = vector.broadcast %slice3A_789 : vector<8x1xf32> to vector<8x4096xf32>
      %add3A_791 = arith.addf %add3A_788, %add3A_790 : vector<8x4096xf32>
      %lt3A_792 = arith.cmpf olt, %add3A_791, %min3A_779 : vector<8x4096xf32>
      %min3A_793 = arith.minimumf %min3A_779, %add3A_791 : vector<8x4096xf32>
      %add3A_794 = arith.constant 4.240000e+02 : f32
      %add3A_795 = vector.broadcast %add3A_794 : f32 to vector<8x1xf32>
      %add3A_796 = arith.addf %convert_element_type3A, %add3A_795 : vector<8x1xf32>
      %broadcast_in_dim3A_797 = vector.shape_cast %add3A_796 : vector<8x1xf32> to vector<8x1xf32>
      %broadcast_in_dim3A_798 = vector.broadcast %broadcast_in_dim3A_797 : vector<8x1xf32> to vector<8x4096xf32>
      %select_n3A_799 = arith.select %lt3A_792, %broadcast_in_dim3A_798, %select_n3A_785 : vector<8x4096xi1>, vector<8x4096xf32>
      %slice3A_800 = vector.extract_strided_slice %dot_general3A_36 {offsets = [432, 0], sizes = [8, 4096], strides = [1, 1]} : vector<512x4096xf32> to vector<8x4096xf32>
      %add3A_801 = vector.broadcast %broadcast_in_dim3A : vector<1x4096xf32> to vector<8x4096xf32>
      %add3A_802 = arith.addf %add3A_801, %slice3A_800 : vector<8x4096xf32>
      %slice3A_803 = vector.extract_strided_slice %mul3A_35 {offsets = [432, 0], sizes = [8, 1], strides = [1, 1]} : vector<512x1xf32> to vector<8x1xf32>
      %add3A_804 = vector.broadcast %slice3A_803 : vector<8x1xf32> to vector<8x4096xf32>
      %add3A_805 = arith.addf %add3A_802, %add3A_804 : vector<8x4096xf32>
      %lt3A_806 = arith.cmpf olt, %add3A_805, %min3A_793 : vector<8x4096xf32>
      %min3A_807 = arith.minimumf %min3A_793, %add3A_805 : vector<8x4096xf32>
      %add3A_808 = arith.constant 4.320000e+02 : f32
      %add3A_809 = vector.broadcast %add3A_808 : f32 to vector<8x1xf32>
      %add3A_810 = arith.addf %convert_element_type3A, %add3A_809 : vector<8x1xf32>
      %broadcast_in_dim3A_811 = vector.shape_cast %add3A_810 : vector<8x1xf32> to vector<8x1xf32>
      %broadcast_in_dim3A_812 = vector.broadcast %broadcast_in_dim3A_811 : vector<8x1xf32> to vector<8x4096xf32>
      %select_n3A_813 = arith.select %lt3A_806, %broadcast_in_dim3A_812, %select_n3A_799 : vector<8x4096xi1>, vector<8x4096xf32>
      %slice3A_814 = vector.extract_strided_slice %dot_general3A_36 {offsets = [440, 0], sizes = [8, 4096], strides = [1, 1]} : vector<512x4096xf32> to vector<8x4096xf32>
      %add3A_815 = vector.broadcast %broadcast_in_dim3A : vector<1x4096xf32> to vector<8x4096xf32>
      %add3A_816 = arith.addf %add3A_815, %slice3A_814 : vector<8x4096xf32>
      %slice3A_817 = vector.extract_strided_slice %mul3A_35 {offsets = [440, 0], sizes = [8, 1], strides = [1, 1]} : vector<512x1xf32> to vector<8x1xf32>
      %add3A_818 = vector.broadcast %slice3A_817 : vector<8x1xf32> to vector<8x4096xf32>
      %add3A_819 = arith.addf %add3A_816, %add3A_818 : vector<8x4096xf32>
      %lt3A_820 = arith.cmpf olt, %add3A_819, %min3A_807 : vector<8x4096xf32>
      %min3A_821 = arith.minimumf %min3A_807, %add3A_819 : vector<8x4096xf32>
      %add3A_822 = arith.constant 4.400000e+02 : f32
      %add3A_823 = vector.broadcast %add3A_822 : f32 to vector<8x1xf32>
      %add3A_824 = arith.addf %convert_element_type3A, %add3A_823 : vector<8x1xf32>
      %broadcast_in_dim3A_825 = vector.shape_cast %add3A_824 : vector<8x1xf32> to vector<8x1xf32>
      %broadcast_in_dim3A_826 = vector.broadcast %broadcast_in_dim3A_825 : vector<8x1xf32> to vector<8x4096xf32>
      %select_n3A_827 = arith.select %lt3A_820, %broadcast_in_dim3A_826, %select_n3A_813 : vector<8x4096xi1>, vector<8x4096xf32>
      %slice3A_828 = vector.extract_strided_slice %dot_general3A_36 {offsets = [448, 0], sizes = [8, 4096], strides = [1, 1]} : vector<512x4096xf32> to vector<8x4096xf32>
      %add3A_829 = vector.broadcast %broadcast_in_dim3A : vector<1x4096xf32> to vector<8x4096xf32>
      %add3A_830 = arith.addf %add3A_829, %slice3A_828 : vector<8x4096xf32>
      %slice3A_831 = vector.extract_strided_slice %mul3A_35 {offsets = [448, 0], sizes = [8, 1], strides = [1, 1]} : vector<512x1xf32> to vector<8x1xf32>
      %add3A_832 = vector.broadcast %slice3A_831 : vector<8x1xf32> to vector<8x4096xf32>
      %add3A_833 = arith.addf %add3A_830, %add3A_832 : vector<8x4096xf32>
      %lt3A_834 = arith.cmpf olt, %add3A_833, %min3A_821 : vector<8x4096xf32>
      %min3A_835 = arith.minimumf %min3A_821, %add3A_833 : vector<8x4096xf32>
      %add3A_836 = arith.constant 4.480000e+02 : f32
      %add3A_837 = vector.broadcast %add3A_836 : f32 to vector<8x1xf32>
      %add3A_838 = arith.addf %convert_element_type3A, %add3A_837 : vector<8x1xf32>
      %broadcast_in_dim3A_839 = vector.shape_cast %add3A_838 : vector<8x1xf32> to vector<8x1xf32>
      %broadcast_in_dim3A_840 = vector.broadcast %broadcast_in_dim3A_839 : vector<8x1xf32> to vector<8x4096xf32>
      %select_n3A_841 = arith.select %lt3A_834, %broadcast_in_dim3A_840, %select_n3A_827 : vector<8x4096xi1>, vector<8x4096xf32>
      %slice3A_842 = vector.extract_strided_slice %dot_general3A_36 {offsets = [456, 0], sizes = [8, 4096], strides = [1, 1]} : vector<512x4096xf32> to vector<8x4096xf32>
      %add3A_843 = vector.broadcast %broadcast_in_dim3A : vector<1x4096xf32> to vector<8x4096xf32>
      %add3A_844 = arith.addf %add3A_843, %slice3A_842 : vector<8x4096xf32>
      %slice3A_845 = vector.extract_strided_slice %mul3A_35 {offsets = [456, 0], sizes = [8, 1], strides = [1, 1]} : vector<512x1xf32> to vector<8x1xf32>
      %add3A_846 = vector.broadcast %slice3A_845 : vector<8x1xf32> to vector<8x4096xf32>
      %add3A_847 = arith.addf %add3A_844, %add3A_846 : vector<8x4096xf32>
      %lt3A_848 = arith.cmpf olt, %add3A_847, %min3A_835 : vector<8x4096xf32>
      %min3A_849 = arith.minimumf %min3A_835, %add3A_847 : vector<8x4096xf32>
      %add3A_850 = arith.constant 4.560000e+02 : f32
      %add3A_851 = vector.broadcast %add3A_850 : f32 to vector<8x1xf32>
      %add3A_852 = arith.addf %convert_element_type3A, %add3A_851 : vector<8x1xf32>
      %broadcast_in_dim3A_853 = vector.shape_cast %add3A_852 : vector<8x1xf32> to vector<8x1xf32>
      %broadcast_in_dim3A_854 = vector.broadcast %broadcast_in_dim3A_853 : vector<8x1xf32> to vector<8x4096xf32>
      %select_n3A_855 = arith.select %lt3A_848, %broadcast_in_dim3A_854, %select_n3A_841 : vector<8x4096xi1>, vector<8x4096xf32>
      %slice3A_856 = vector.extract_strided_slice %dot_general3A_36 {offsets = [464, 0], sizes = [8, 4096], strides = [1, 1]} : vector<512x4096xf32> to vector<8x4096xf32>
      %add3A_857 = vector.broadcast %broadcast_in_dim3A : vector<1x4096xf32> to vector<8x4096xf32>
      %add3A_858 = arith.addf %add3A_857, %slice3A_856 : vector<8x4096xf32>
      %slice3A_859 = vector.extract_strided_slice %mul3A_35 {offsets = [464, 0], sizes = [8, 1], strides = [1, 1]} : vector<512x1xf32> to vector<8x1xf32>
      %add3A_860 = vector.broadcast %slice3A_859 : vector<8x1xf32> to vector<8x4096xf32>
      %add3A_861 = arith.addf %add3A_858, %add3A_860 : vector<8x4096xf32>
      %lt3A_862 = arith.cmpf olt, %add3A_861, %min3A_849 : vector<8x4096xf32>
      %min3A_863 = arith.minimumf %min3A_849, %add3A_861 : vector<8x4096xf32>
      %add3A_864 = arith.constant 4.640000e+02 : f32
      %add3A_865 = vector.broadcast %add3A_864 : f32 to vector<8x1xf32>
      %add3A_866 = arith.addf %convert_element_type3A, %add3A_865 : vector<8x1xf32>
      %broadcast_in_dim3A_867 = vector.shape_cast %add3A_866 : vector<8x1xf32> to vector<8x1xf32>
      %broadcast_in_dim3A_868 = vector.broadcast %broadcast_in_dim3A_867 : vector<8x1xf32> to vector<8x4096xf32>
      %select_n3A_869 = arith.select %lt3A_862, %broadcast_in_dim3A_868, %select_n3A_855 : vector<8x4096xi1>, vector<8x4096xf32>
      %slice3A_870 = vector.extract_strided_slice %dot_general3A_36 {offsets = [472, 0], sizes = [8, 4096], strides = [1, 1]} : vector<512x4096xf32> to vector<8x4096xf32>
      %add3A_871 = vector.broadcast %broadcast_in_dim3A : vector<1x4096xf32> to vector<8x4096xf32>
      %add3A_872 = arith.addf %add3A_871, %slice3A_870 : vector<8x4096xf32>
      %slice3A_873 = vector.extract_strided_slice %mul3A_35 {offsets = [472, 0], sizes = [8, 1], strides = [1, 1]} : vector<512x1xf32> to vector<8x1xf32>
      %add3A_874 = vector.broadcast %slice3A_873 : vector<8x1xf32> to vector<8x4096xf32>
      %add3A_875 = arith.addf %add3A_872, %add3A_874 : vector<8x4096xf32>
      %lt3A_876 = arith.cmpf olt, %add3A_875, %min3A_863 : vector<8x4096xf32>
      %min3A_877 = arith.minimumf %min3A_863, %add3A_875 : vector<8x4096xf32>
      %add3A_878 = arith.constant 4.720000e+02 : f32
      %add3A_879 = vector.broadcast %add3A_878 : f32 to vector<8x1xf32>
      %add3A_880 = arith.addf %convert_element_type3A, %add3A_879 : vector<8x1xf32>
      %broadcast_in_dim3A_881 = vector.shape_cast %add3A_880 : vector<8x1xf32> to vector<8x1xf32>
      %broadcast_in_dim3A_882 = vector.broadcast %broadcast_in_dim3A_881 : vector<8x1xf32> to vector<8x4096xf32>
      %select_n3A_883 = arith.select %lt3A_876, %broadcast_in_dim3A_882, %select_n3A_869 : vector<8x4096xi1>, vector<8x4096xf32>
      %slice3A_884 = vector.extract_strided_slice %dot_general3A_36 {offsets = [480, 0], sizes = [8, 4096], strides = [1, 1]} : vector<512x4096xf32> to vector<8x4096xf32>
      %add3A_885 = vector.broadcast %broadcast_in_dim3A : vector<1x4096xf32> to vector<8x4096xf32>
      %add3A_886 = arith.addf %add3A_885, %slice3A_884 : vector<8x4096xf32>
      %slice3A_887 = vector.extract_strided_slice %mul3A_35 {offsets = [480, 0], sizes = [8, 1], strides = [1, 1]} : vector<512x1xf32> to vector<8x1xf32>
      %add3A_888 = vector.broadcast %slice3A_887 : vector<8x1xf32> to vector<8x4096xf32>
      %add3A_889 = arith.addf %add3A_886, %add3A_888 : vector<8x4096xf32>
      %lt3A_890 = arith.cmpf olt, %add3A_889, %min3A_877 : vector<8x4096xf32>
      %min3A_891 = arith.minimumf %min3A_877, %add3A_889 : vector<8x4096xf32>
      %add3A_892 = arith.constant 4.800000e+02 : f32
      %add3A_893 = vector.broadcast %add3A_892 : f32 to vector<8x1xf32>
      %add3A_894 = arith.addf %convert_element_type3A, %add3A_893 : vector<8x1xf32>
      %broadcast_in_dim3A_895 = vector.shape_cast %add3A_894 : vector<8x1xf32> to vector<8x1xf32>
      %broadcast_in_dim3A_896 = vector.broadcast %broadcast_in_dim3A_895 : vector<8x1xf32> to vector<8x4096xf32>
      %select_n3A_897 = arith.select %lt3A_890, %broadcast_in_dim3A_896, %select_n3A_883 : vector<8x4096xi1>, vector<8x4096xf32>
      %slice3A_898 = vector.extract_strided_slice %dot_general3A_36 {offsets = [488, 0], sizes = [8, 4096], strides = [1, 1]} : vector<512x4096xf32> to vector<8x4096xf32>
      %add3A_899 = vector.broadcast %broadcast_in_dim3A : vector<1x4096xf32> to vector<8x4096xf32>
      %add3A_900 = arith.addf %add3A_899, %slice3A_898 : vector<8x4096xf32>
      %slice3A_901 = vector.extract_strided_slice %mul3A_35 {offsets = [488, 0], sizes = [8, 1], strides = [1, 1]} : vector<512x1xf32> to vector<8x1xf32>
      %add3A_902 = vector.broadcast %slice3A_901 : vector<8x1xf32> to vector<8x4096xf32>
      %add3A_903 = arith.addf %add3A_900, %add3A_902 : vector<8x4096xf32>
      %lt3A_904 = arith.cmpf olt, %add3A_903, %min3A_891 : vector<8x4096xf32>
      %min3A_905 = arith.minimumf %min3A_891, %add3A_903 : vector<8x4096xf32>
      %add3A_906 = arith.constant 4.880000e+02 : f32
      %add3A_907 = vector.broadcast %add3A_906 : f32 to vector<8x1xf32>
      %add3A_908 = arith.addf %convert_element_type3A, %add3A_907 : vector<8x1xf32>
      %broadcast_in_dim3A_909 = vector.shape_cast %add3A_908 : vector<8x1xf32> to vector<8x1xf32>
      %broadcast_in_dim3A_910 = vector.broadcast %broadcast_in_dim3A_909 : vector<8x1xf32> to vector<8x4096xf32>
      %select_n3A_911 = arith.select %lt3A_904, %broadcast_in_dim3A_910, %select_n3A_897 : vector<8x4096xi1>, vector<8x4096xf32>
      %slice3A_912 = vector.extract_strided_slice %dot_general3A_36 {offsets = [496, 0], sizes = [8, 4096], strides = [1, 1]} : vector<512x4096xf32> to vector<8x4096xf32>
      %add3A_913 = vector.broadcast %broadcast_in_dim3A : vector<1x4096xf32> to vector<8x4096xf32>
      %add3A_914 = arith.addf %add3A_913, %slice3A_912 : vector<8x4096xf32>
      %slice3A_915 = vector.extract_strided_slice %mul3A_35 {offsets = [496, 0], sizes = [8, 1], strides = [1, 1]} : vector<512x1xf32> to vector<8x1xf32>
      %add3A_916 = vector.broadcast %slice3A_915 : vector<8x1xf32> to vector<8x4096xf32>
      %add3A_917 = arith.addf %add3A_914, %add3A_916 : vector<8x4096xf32>
      %lt3A_918 = arith.cmpf olt, %add3A_917, %min3A_905 : vector<8x4096xf32>
      %min3A_919 = arith.minimumf %min3A_905, %add3A_917 : vector<8x4096xf32>
      %add3A_920 = arith.constant 4.960000e+02 : f32
      %add3A_921 = vector.broadcast %add3A_920 : f32 to vector<8x1xf32>
      %add3A_922 = arith.addf %convert_element_type3A, %add3A_921 : vector<8x1xf32>
      %broadcast_in_dim3A_923 = vector.shape_cast %add3A_922 : vector<8x1xf32> to vector<8x1xf32>
      %broadcast_in_dim3A_924 = vector.broadcast %broadcast_in_dim3A_923 : vector<8x1xf32> to vector<8x4096xf32>
      %select_n3A_925 = arith.select %lt3A_918, %broadcast_in_dim3A_924, %select_n3A_911 : vector<8x4096xi1>, vector<8x4096xf32>
      %slice3A_926 = vector.extract_strided_slice %dot_general3A_36 {offsets = [504, 0], sizes = [8, 4096], strides = [1, 1]} : vector<512x4096xf32> to vector<8x4096xf32>
      %add3A_927 = vector.broadcast %broadcast_in_dim3A : vector<1x4096xf32> to vector<8x4096xf32>
      %add3A_928 = arith.addf %add3A_927, %slice3A_926 : vector<8x4096xf32>
      %slice3A_929 = vector.extract_strided_slice %mul3A_35 {offsets = [504, 0], sizes = [8, 1], strides = [1, 1]} : vector<512x1xf32> to vector<8x1xf32>
      %add3A_930 = vector.broadcast %slice3A_929 : vector<8x1xf32> to vector<8x4096xf32>
      %add3A_931 = arith.addf %add3A_928, %add3A_930 : vector<8x4096xf32>
      %lt3A_932 = arith.cmpf olt, %add3A_931, %min3A_919 : vector<8x4096xf32>
      %min3A_933 = arith.minimumf %min3A_919, %add3A_931 : vector<8x4096xf32>
      %add3A_934 = arith.constant 5.040000e+02 : f32
      %add3A_935 = vector.broadcast %add3A_934 : f32 to vector<8x1xf32>
      %add3A_936 = arith.addf %convert_element_type3A, %add3A_935 : vector<8x1xf32>
      %broadcast_in_dim3A_937 = vector.shape_cast %add3A_936 : vector<8x1xf32> to vector<8x1xf32>
      %broadcast_in_dim3A_938 = vector.broadcast %broadcast_in_dim3A_937 : vector<8x1xf32> to vector<8x4096xf32>
      %select_n3A_939 = arith.select %lt3A_932, %broadcast_in_dim3A_938, %select_n3A_925 : vector<8x4096xi1>, vector<8x4096xf32>
      %slice3A_940 = vector.extract_strided_slice %min3A_933 {offsets = [0, 0], sizes = [4, 4096], strides = [1, 1]} : vector<8x4096xf32> to vector<4x4096xf32>
      %slice3A_941 = vector.extract_strided_slice %min3A_933 {offsets = [4, 0], sizes = [4, 4096], strides = [1, 1]} : vector<8x4096xf32> to vector<4x4096xf32>
      %slice3A_942 = vector.extract_strided_slice %select_n3A_939 {offsets = [0, 0], sizes = [4, 4096], strides = [1, 1]} : vector<8x4096xf32> to vector<4x4096xf32>
      %slice3A_943 = vector.extract_strided_slice %select_n3A_939 {offsets = [4, 0], sizes = [4, 4096], strides = [1, 1]} : vector<8x4096xf32> to vector<4x4096xf32>
      %lt3A_944 = arith.cmpf olt, %slice3A_941, %slice3A_940 : vector<4x4096xf32>
      %eq3A = arith.cmpf oeq, %slice3A_941, %slice3A_940 : vector<4x4096xf32>
      %lt3A_945 = arith.cmpf olt, %slice3A_943, %slice3A_942 : vector<4x4096xf32>
      %and3A = arith.andi %eq3A, %lt3A_945 : vector<4x4096xi1>
      %or3A = arith.ori %lt3A_944, %and3A : vector<4x4096xi1>
      %select_n3A_946 = arith.select %or3A, %slice3A_941, %slice3A_940 : vector<4x4096xi1>, vector<4x4096xf32>
      %select_n3A_947 = arith.select %or3A, %slice3A_943, %slice3A_942 : vector<4x4096xi1>, vector<4x4096xf32>
      %slice3A_948 = vector.extract_strided_slice %select_n3A_946 {offsets = [0, 0], sizes = [2, 4096], strides = [1, 1]} : vector<4x4096xf32> to vector<2x4096xf32>
      %slice3A_949 = vector.extract_strided_slice %select_n3A_946 {offsets = [2, 0], sizes = [2, 4096], strides = [1, 1]} : vector<4x4096xf32> to vector<2x4096xf32>
      %slice3A_950 = vector.extract_strided_slice %select_n3A_947 {offsets = [0, 0], sizes = [2, 4096], strides = [1, 1]} : vector<4x4096xf32> to vector<2x4096xf32>
      %slice3A_951 = vector.extract_strided_slice %select_n3A_947 {offsets = [2, 0], sizes = [2, 4096], strides = [1, 1]} : vector<4x4096xf32> to vector<2x4096xf32>
      %lt3A_952 = arith.cmpf olt, %slice3A_949, %slice3A_948 : vector<2x4096xf32>
      %eq3A_953 = arith.cmpf oeq, %slice3A_949, %slice3A_948 : vector<2x4096xf32>
      %lt3A_954 = arith.cmpf olt, %slice3A_951, %slice3A_950 : vector<2x4096xf32>
      %and3A_955 = arith.andi %eq3A_953, %lt3A_954 : vector<2x4096xi1>
      %or3A_956 = arith.ori %lt3A_952, %and3A_955 : vector<2x4096xi1>
      %select_n3A_957 = arith.select %or3A_956, %slice3A_949, %slice3A_948 : vector<2x4096xi1>, vector<2x4096xf32>
      %select_n3A_958 = arith.select %or3A_956, %slice3A_951, %slice3A_950 : vector<2x4096xi1>, vector<2x4096xf32>
      %slice3A_959 = vector.extract_strided_slice %select_n3A_957 {offsets = [0, 0], sizes = [1, 4096], strides = [1, 1]} : vector<2x4096xf32> to vector<1x4096xf32>
      %slice3A_960 = vector.extract_strided_slice %select_n3A_957 {offsets = [1, 0], sizes = [1, 4096], strides = [1, 1]} : vector<2x4096xf32> to vector<1x4096xf32>
      %slice3A_961 = vector.extract_strided_slice %select_n3A_958 {offsets = [0, 0], sizes = [1, 4096], strides = [1, 1]} : vector<2x4096xf32> to vector<1x4096xf32>
      %slice3A_962 = vector.extract_strided_slice %select_n3A_958 {offsets = [1, 0], sizes = [1, 4096], strides = [1, 1]} : vector<2x4096xf32> to vector<1x4096xf32>
      %lt3A_963 = arith.cmpf olt, %slice3A_960, %slice3A_959 : vector<1x4096xf32>
      %eq3A_964 = arith.cmpf oeq, %slice3A_960, %slice3A_959 : vector<1x4096xf32>
      %lt3A_965 = arith.cmpf olt, %slice3A_962, %slice3A_961 : vector<1x4096xf32>
      %and3A_966 = arith.andi %eq3A_964, %lt3A_965 : vector<1x4096xi1>
      %or3A_967 = arith.ori %lt3A_963, %and3A_966 : vector<1x4096xi1>
      %select_n3A_968 = arith.select %or3A_967, %slice3A_960, %slice3A_959 : vector<1x4096xi1>, vector<1x4096xf32>
      %select_n3A_969 = arith.select %or3A_967, %slice3A_962, %slice3A_961 : vector<1x4096xi1>, vector<1x4096xf32>
      %mul3A_970 = arith.constant 512 : i32
      %mul3A_971 = arith.muli %mul3A_19, %mul3A_970 : i32
      %convert_element_type3A_972 = arith.sitofp %mul3A_971 : i32 to f32
      %add3A_973 = vector.broadcast %convert_element_type3A_972 : f32 to vector<1x4096xf32>
      %add3A_974 = arith.addf %select_n3A_969, %add3A_973 : vector<1x4096xf32>
      %lt3A_975 = arith.cmpf olt, %select_n3A_968, %scan3A_16 : vector<1x4096xf32>
      %select_n3A_976 = arith.select %lt3A_975, %select_n3A_968, %scan3A_16 : vector<1x4096xi1>, vector<1x4096xf32>
      %select_n3A_977 = arith.select %lt3A_975, %add3A_974, %scan3A_17 : vector<1x4096xi1>, vector<1x4096xf32>
      %slice3A_978 = vector.extract_strided_slice %dot_general3A_53 {offsets = [0, 0], sizes = [8, 4096], strides = [1, 1]} : vector<512x4096xf32> to vector<8x4096xf32>
      %add3A_979 = vector.broadcast %broadcast_in_dim3A : vector<1x4096xf32> to vector<8x4096xf32>
      %add3A_980 = arith.addf %add3A_979, %slice3A_978 : vector<8x4096xf32>
      %slice3A_981 = vector.extract_strided_slice %mul3A_51 {offsets = [0, 0], sizes = [8, 1], strides = [1, 1]} : vector<512x1xf32> to vector<8x1xf32>
      %add3A_982 = vector.broadcast %slice3A_981 : vector<8x1xf32> to vector<8x4096xf32>
      %add3A_983 = arith.addf %add3A_980, %add3A_982 : vector<8x4096xf32>
      %broadcast_in_dim3A_984 = vector.shape_cast %convert_element_type3A : vector<8x1xf32> to vector<8x1xf32>
      %broadcast_in_dim3A_985 = vector.broadcast %broadcast_in_dim3A_984 : vector<8x1xf32> to vector<8x4096xf32>
      %slice3A_986 = vector.extract_strided_slice %dot_general3A_53 {offsets = [8, 0], sizes = [8, 4096], strides = [1, 1]} : vector<512x4096xf32> to vector<8x4096xf32>
      %add3A_987 = vector.broadcast %broadcast_in_dim3A : vector<1x4096xf32> to vector<8x4096xf32>
      %add3A_988 = arith.addf %add3A_987, %slice3A_986 : vector<8x4096xf32>
      %slice3A_989 = vector.extract_strided_slice %mul3A_51 {offsets = [8, 0], sizes = [8, 1], strides = [1, 1]} : vector<512x1xf32> to vector<8x1xf32>
      %add3A_990 = vector.broadcast %slice3A_989 : vector<8x1xf32> to vector<8x4096xf32>
      %add3A_991 = arith.addf %add3A_988, %add3A_990 : vector<8x4096xf32>
      %lt3A_992 = arith.cmpf olt, %add3A_991, %add3A_983 : vector<8x4096xf32>
      %min3A_993 = arith.minimumf %add3A_983, %add3A_991 : vector<8x4096xf32>
      %add3A_994 = arith.constant 8.000000e+00 : f32
      %add3A_995 = vector.broadcast %add3A_994 : f32 to vector<8x1xf32>
      %add3A_996 = arith.addf %convert_element_type3A, %add3A_995 : vector<8x1xf32>
      %broadcast_in_dim3A_997 = vector.shape_cast %add3A_996 : vector<8x1xf32> to vector<8x1xf32>
      %broadcast_in_dim3A_998 = vector.broadcast %broadcast_in_dim3A_997 : vector<8x1xf32> to vector<8x4096xf32>
      %select_n3A_999 = arith.select %lt3A_992, %broadcast_in_dim3A_998, %broadcast_in_dim3A_985 : vector<8x4096xi1>, vector<8x4096xf32>
      %slice3A_1000 = vector.extract_strided_slice %dot_general3A_53 {offsets = [16, 0], sizes = [8, 4096], strides = [1, 1]} : vector<512x4096xf32> to vector<8x4096xf32>
      %add3A_1001 = vector.broadcast %broadcast_in_dim3A : vector<1x4096xf32> to vector<8x4096xf32>
      %add3A_1002 = arith.addf %add3A_1001, %slice3A_1000 : vector<8x4096xf32>
      %slice3A_1003 = vector.extract_strided_slice %mul3A_51 {offsets = [16, 0], sizes = [8, 1], strides = [1, 1]} : vector<512x1xf32> to vector<8x1xf32>
      %add3A_1004 = vector.broadcast %slice3A_1003 : vector<8x1xf32> to vector<8x4096xf32>
      %add3A_1005 = arith.addf %add3A_1002, %add3A_1004 : vector<8x4096xf32>
      %lt3A_1006 = arith.cmpf olt, %add3A_1005, %min3A_993 : vector<8x4096xf32>
      %min3A_1007 = arith.minimumf %min3A_993, %add3A_1005 : vector<8x4096xf32>
      %add3A_1008 = arith.constant 1.600000e+01 : f32
      %add3A_1009 = vector.broadcast %add3A_1008 : f32 to vector<8x1xf32>
      %add3A_1010 = arith.addf %convert_element_type3A, %add3A_1009 : vector<8x1xf32>
      %broadcast_in_dim3A_1011 = vector.shape_cast %add3A_1010 : vector<8x1xf32> to vector<8x1xf32>
      %broadcast_in_dim3A_1012 = vector.broadcast %broadcast_in_dim3A_1011 : vector<8x1xf32> to vector<8x4096xf32>
      %select_n3A_1013 = arith.select %lt3A_1006, %broadcast_in_dim3A_1012, %select_n3A_999 : vector<8x4096xi1>, vector<8x4096xf32>
      %slice3A_1014 = vector.extract_strided_slice %dot_general3A_53 {offsets = [24, 0], sizes = [8, 4096], strides = [1, 1]} : vector<512x4096xf32> to vector<8x4096xf32>
      %add3A_1015 = vector.broadcast %broadcast_in_dim3A : vector<1x4096xf32> to vector<8x4096xf32>
      %add3A_1016 = arith.addf %add3A_1015, %slice3A_1014 : vector<8x4096xf32>
      %slice3A_1017 = vector.extract_strided_slice %mul3A_51 {offsets = [24, 0], sizes = [8, 1], strides = [1, 1]} : vector<512x1xf32> to vector<8x1xf32>
      %add3A_1018 = vector.broadcast %slice3A_1017 : vector<8x1xf32> to vector<8x4096xf32>
      %add3A_1019 = arith.addf %add3A_1016, %add3A_1018 : vector<8x4096xf32>
      %lt3A_1020 = arith.cmpf olt, %add3A_1019, %min3A_1007 : vector<8x4096xf32>
      %min3A_1021 = arith.minimumf %min3A_1007, %add3A_1019 : vector<8x4096xf32>
      %add3A_1022 = arith.constant 2.400000e+01 : f32
      %add3A_1023 = vector.broadcast %add3A_1022 : f32 to vector<8x1xf32>
      %add3A_1024 = arith.addf %convert_element_type3A, %add3A_1023 : vector<8x1xf32>
      %broadcast_in_dim3A_1025 = vector.shape_cast %add3A_1024 : vector<8x1xf32> to vector<8x1xf32>
      %broadcast_in_dim3A_1026 = vector.broadcast %broadcast_in_dim3A_1025 : vector<8x1xf32> to vector<8x4096xf32>
      %select_n3A_1027 = arith.select %lt3A_1020, %broadcast_in_dim3A_1026, %select_n3A_1013 : vector<8x4096xi1>, vector<8x4096xf32>
      %slice3A_1028 = vector.extract_strided_slice %dot_general3A_53 {offsets = [32, 0], sizes = [8, 4096], strides = [1, 1]} : vector<512x4096xf32> to vector<8x4096xf32>
      %add3A_1029 = vector.broadcast %broadcast_in_dim3A : vector<1x4096xf32> to vector<8x4096xf32>
      %add3A_1030 = arith.addf %add3A_1029, %slice3A_1028 : vector<8x4096xf32>
      %slice3A_1031 = vector.extract_strided_slice %mul3A_51 {offsets = [32, 0], sizes = [8, 1], strides = [1, 1]} : vector<512x1xf32> to vector<8x1xf32>
      %add3A_1032 = vector.broadcast %slice3A_1031 : vector<8x1xf32> to vector<8x4096xf32>
      %add3A_1033 = arith.addf %add3A_1030, %add3A_1032 : vector<8x4096xf32>
      %lt3A_1034 = arith.cmpf olt, %add3A_1033, %min3A_1021 : vector<8x4096xf32>
      %min3A_1035 = arith.minimumf %min3A_1021, %add3A_1033 : vector<8x4096xf32>
      %add3A_1036 = arith.constant 3.200000e+01 : f32
      %add3A_1037 = vector.broadcast %add3A_1036 : f32 to vector<8x1xf32>
      %add3A_1038 = arith.addf %convert_element_type3A, %add3A_1037 : vector<8x1xf32>
      %broadcast_in_dim3A_1039 = vector.shape_cast %add3A_1038 : vector<8x1xf32> to vector<8x1xf32>
      %broadcast_in_dim3A_1040 = vector.broadcast %broadcast_in_dim3A_1039 : vector<8x1xf32> to vector<8x4096xf32>
      %select_n3A_1041 = arith.select %lt3A_1034, %broadcast_in_dim3A_1040, %select_n3A_1027 : vector<8x4096xi1>, vector<8x4096xf32>
      %slice3A_1042 = vector.extract_strided_slice %dot_general3A_53 {offsets = [40, 0], sizes = [8, 4096], strides = [1, 1]} : vector<512x4096xf32> to vector<8x4096xf32>
      %add3A_1043 = vector.broadcast %broadcast_in_dim3A : vector<1x4096xf32> to vector<8x4096xf32>
      %add3A_1044 = arith.addf %add3A_1043, %slice3A_1042 : vector<8x4096xf32>
      %slice3A_1045 = vector.extract_strided_slice %mul3A_51 {offsets = [40, 0], sizes = [8, 1], strides = [1, 1]} : vector<512x1xf32> to vector<8x1xf32>
      %add3A_1046 = vector.broadcast %slice3A_1045 : vector<8x1xf32> to vector<8x4096xf32>
      %add3A_1047 = arith.addf %add3A_1044, %add3A_1046 : vector<8x4096xf32>
      %lt3A_1048 = arith.cmpf olt, %add3A_1047, %min3A_1035 : vector<8x4096xf32>
      %min3A_1049 = arith.minimumf %min3A_1035, %add3A_1047 : vector<8x4096xf32>
      %add3A_1050 = arith.constant 4.000000e+01 : f32
      %add3A_1051 = vector.broadcast %add3A_1050 : f32 to vector<8x1xf32>
      %add3A_1052 = arith.addf %convert_element_type3A, %add3A_1051 : vector<8x1xf32>
      %broadcast_in_dim3A_1053 = vector.shape_cast %add3A_1052 : vector<8x1xf32> to vector<8x1xf32>
      %broadcast_in_dim3A_1054 = vector.broadcast %broadcast_in_dim3A_1053 : vector<8x1xf32> to vector<8x4096xf32>
      %select_n3A_1055 = arith.select %lt3A_1048, %broadcast_in_dim3A_1054, %select_n3A_1041 : vector<8x4096xi1>, vector<8x4096xf32>
      %slice3A_1056 = vector.extract_strided_slice %dot_general3A_53 {offsets = [48, 0], sizes = [8, 4096], strides = [1, 1]} : vector<512x4096xf32> to vector<8x4096xf32>
      %add3A_1057 = vector.broadcast %broadcast_in_dim3A : vector<1x4096xf32> to vector<8x4096xf32>
      %add3A_1058 = arith.addf %add3A_1057, %slice3A_1056 : vector<8x4096xf32>
      %slice3A_1059 = vector.extract_strided_slice %mul3A_51 {offsets = [48, 0], sizes = [8, 1], strides = [1, 1]} : vector<512x1xf32> to vector<8x1xf32>
      %add3A_1060 = vector.broadcast %slice3A_1059 : vector<8x1xf32> to vector<8x4096xf32>
      %add3A_1061 = arith.addf %add3A_1058, %add3A_1060 : vector<8x4096xf32>
      %lt3A_1062 = arith.cmpf olt, %add3A_1061, %min3A_1049 : vector<8x4096xf32>
      %min3A_1063 = arith.minimumf %min3A_1049, %add3A_1061 : vector<8x4096xf32>
      %add3A_1064 = arith.constant 4.800000e+01 : f32
      %add3A_1065 = vector.broadcast %add3A_1064 : f32 to vector<8x1xf32>
      %add3A_1066 = arith.addf %convert_element_type3A, %add3A_1065 : vector<8x1xf32>
      %broadcast_in_dim3A_1067 = vector.shape_cast %add3A_1066 : vector<8x1xf32> to vector<8x1xf32>
      %broadcast_in_dim3A_1068 = vector.broadcast %broadcast_in_dim3A_1067 : vector<8x1xf32> to vector<8x4096xf32>
      %select_n3A_1069 = arith.select %lt3A_1062, %broadcast_in_dim3A_1068, %select_n3A_1055 : vector<8x4096xi1>, vector<8x4096xf32>
      %slice3A_1070 = vector.extract_strided_slice %dot_general3A_53 {offsets = [56, 0], sizes = [8, 4096], strides = [1, 1]} : vector<512x4096xf32> to vector<8x4096xf32>
      %add3A_1071 = vector.broadcast %broadcast_in_dim3A : vector<1x4096xf32> to vector<8x4096xf32>
      %add3A_1072 = arith.addf %add3A_1071, %slice3A_1070 : vector<8x4096xf32>
      %slice3A_1073 = vector.extract_strided_slice %mul3A_51 {offsets = [56, 0], sizes = [8, 1], strides = [1, 1]} : vector<512x1xf32> to vector<8x1xf32>
      %add3A_1074 = vector.broadcast %slice3A_1073 : vector<8x1xf32> to vector<8x4096xf32>
      %add3A_1075 = arith.addf %add3A_1072, %add3A_1074 : vector<8x4096xf32>
      %lt3A_1076 = arith.cmpf olt, %add3A_1075, %min3A_1063 : vector<8x4096xf32>
      %min3A_1077 = arith.minimumf %min3A_1063, %add3A_1075 : vector<8x4096xf32>
      %add3A_1078 = arith.constant 5.600000e+01 : f32
      %add3A_1079 = vector.broadcast %add3A_1078 : f32 to vector<8x1xf32>
      %add3A_1080 = arith.addf %convert_element_type3A, %add3A_1079 : vector<8x1xf32>
      %broadcast_in_dim3A_1081 = vector.shape_cast %add3A_1080 : vector<8x1xf32> to vector<8x1xf32>
      %broadcast_in_dim3A_1082 = vector.broadcast %broadcast_in_dim3A_1081 : vector<8x1xf32> to vector<8x4096xf32>
      %select_n3A_1083 = arith.select %lt3A_1076, %broadcast_in_dim3A_1082, %select_n3A_1069 : vector<8x4096xi1>, vector<8x4096xf32>
      %slice3A_1084 = vector.extract_strided_slice %dot_general3A_53 {offsets = [64, 0], sizes = [8, 4096], strides = [1, 1]} : vector<512x4096xf32> to vector<8x4096xf32>
      %add3A_1085 = vector.broadcast %broadcast_in_dim3A : vector<1x4096xf32> to vector<8x4096xf32>
      %add3A_1086 = arith.addf %add3A_1085, %slice3A_1084 : vector<8x4096xf32>
      %slice3A_1087 = vector.extract_strided_slice %mul3A_51 {offsets = [64, 0], sizes = [8, 1], strides = [1, 1]} : vector<512x1xf32> to vector<8x1xf32>
      %add3A_1088 = vector.broadcast %slice3A_1087 : vector<8x1xf32> to vector<8x4096xf32>
      %add3A_1089 = arith.addf %add3A_1086, %add3A_1088 : vector<8x4096xf32>
      %lt3A_1090 = arith.cmpf olt, %add3A_1089, %min3A_1077 : vector<8x4096xf32>
      %min3A_1091 = arith.minimumf %min3A_1077, %add3A_1089 : vector<8x4096xf32>
      %add3A_1092 = arith.constant 6.400000e+01 : f32
      %add3A_1093 = vector.broadcast %add3A_1092 : f32 to vector<8x1xf32>
      %add3A_1094 = arith.addf %convert_element_type3A, %add3A_1093 : vector<8x1xf32>
      %broadcast_in_dim3A_1095 = vector.shape_cast %add3A_1094 : vector<8x1xf32> to vector<8x1xf32>
      %broadcast_in_dim3A_1096 = vector.broadcast %broadcast_in_dim3A_1095 : vector<8x1xf32> to vector<8x4096xf32>
      %select_n3A_1097 = arith.select %lt3A_1090, %broadcast_in_dim3A_1096, %select_n3A_1083 : vector<8x4096xi1>, vector<8x4096xf32>
      %slice3A_1098 = vector.extract_strided_slice %dot_general3A_53 {offsets = [72, 0], sizes = [8, 4096], strides = [1, 1]} : vector<512x4096xf32> to vector<8x4096xf32>
      %add3A_1099 = vector.broadcast %broadcast_in_dim3A : vector<1x4096xf32> to vector<8x4096xf32>
      %add3A_1100 = arith.addf %add3A_1099, %slice3A_1098 : vector<8x4096xf32>
      %slice3A_1101 = vector.extract_strided_slice %mul3A_51 {offsets = [72, 0], sizes = [8, 1], strides = [1, 1]} : vector<512x1xf32> to vector<8x1xf32>
      %add3A_1102 = vector.broadcast %slice3A_1101 : vector<8x1xf32> to vector<8x4096xf32>
      %add3A_1103 = arith.addf %add3A_1100, %add3A_1102 : vector<8x4096xf32>
      %lt3A_1104 = arith.cmpf olt, %add3A_1103, %min3A_1091 : vector<8x4096xf32>
      %min3A_1105 = arith.minimumf %min3A_1091, %add3A_1103 : vector<8x4096xf32>
      %add3A_1106 = arith.constant 7.200000e+01 : f32
      %add3A_1107 = vector.broadcast %add3A_1106 : f32 to vector<8x1xf32>
      %add3A_1108 = arith.addf %convert_element_type3A, %add3A_1107 : vector<8x1xf32>
      %broadcast_in_dim3A_1109 = vector.shape_cast %add3A_1108 : vector<8x1xf32> to vector<8x1xf32>
      %broadcast_in_dim3A_1110 = vector.broadcast %broadcast_in_dim3A_1109 : vector<8x1xf32> to vector<8x4096xf32>
      %select_n3A_1111 = arith.select %lt3A_1104, %broadcast_in_dim3A_1110, %select_n3A_1097 : vector<8x4096xi1>, vector<8x4096xf32>
      %slice3A_1112 = vector.extract_strided_slice %dot_general3A_53 {offsets = [80, 0], sizes = [8, 4096], strides = [1, 1]} : vector<512x4096xf32> to vector<8x4096xf32>
      %add3A_1113 = vector.broadcast %broadcast_in_dim3A : vector<1x4096xf32> to vector<8x4096xf32>
      %add3A_1114 = arith.addf %add3A_1113, %slice3A_1112 : vector<8x4096xf32>
      %slice3A_1115 = vector.extract_strided_slice %mul3A_51 {offsets = [80, 0], sizes = [8, 1], strides = [1, 1]} : vector<512x1xf32> to vector<8x1xf32>
      %add3A_1116 = vector.broadcast %slice3A_1115 : vector<8x1xf32> to vector<8x4096xf32>
      %add3A_1117 = arith.addf %add3A_1114, %add3A_1116 : vector<8x4096xf32>
      %lt3A_1118 = arith.cmpf olt, %add3A_1117, %min3A_1105 : vector<8x4096xf32>
      %min3A_1119 = arith.minimumf %min3A_1105, %add3A_1117 : vector<8x4096xf32>
      %add3A_1120 = arith.constant 8.000000e+01 : f32
      %add3A_1121 = vector.broadcast %add3A_1120 : f32 to vector<8x1xf32>
      %add3A_1122 = arith.addf %convert_element_type3A, %add3A_1121 : vector<8x1xf32>
      %broadcast_in_dim3A_1123 = vector.shape_cast %add3A_1122 : vector<8x1xf32> to vector<8x1xf32>
      %broadcast_in_dim3A_1124 = vector.broadcast %broadcast_in_dim3A_1123 : vector<8x1xf32> to vector<8x4096xf32>
      %select_n3A_1125 = arith.select %lt3A_1118, %broadcast_in_dim3A_1124, %select_n3A_1111 : vector<8x4096xi1>, vector<8x4096xf32>
      %slice3A_1126 = vector.extract_strided_slice %dot_general3A_53 {offsets = [88, 0], sizes = [8, 4096], strides = [1, 1]} : vector<512x4096xf32> to vector<8x4096xf32>
      %add3A_1127 = vector.broadcast %broadcast_in_dim3A : vector<1x4096xf32> to vector<8x4096xf32>
      %add3A_1128 = arith.addf %add3A_1127, %slice3A_1126 : vector<8x4096xf32>
      %slice3A_1129 = vector.extract_strided_slice %mul3A_51 {offsets = [88, 0], sizes = [8, 1], strides = [1, 1]} : vector<512x1xf32> to vector<8x1xf32>
      %add3A_1130 = vector.broadcast %slice3A_1129 : vector<8x1xf32> to vector<8x4096xf32>
      %add3A_1131 = arith.addf %add3A_1128, %add3A_1130 : vector<8x4096xf32>
      %lt3A_1132 = arith.cmpf olt, %add3A_1131, %min3A_1119 : vector<8x4096xf32>
      %min3A_1133 = arith.minimumf %min3A_1119, %add3A_1131 : vector<8x4096xf32>
      %add3A_1134 = arith.constant 8.800000e+01 : f32
      %add3A_1135 = vector.broadcast %add3A_1134 : f32 to vector<8x1xf32>
      %add3A_1136 = arith.addf %convert_element_type3A, %add3A_1135 : vector<8x1xf32>
      %broadcast_in_dim3A_1137 = vector.shape_cast %add3A_1136 : vector<8x1xf32> to vector<8x1xf32>
      %broadcast_in_dim3A_1138 = vector.broadcast %broadcast_in_dim3A_1137 : vector<8x1xf32> to vector<8x4096xf32>
      %select_n3A_1139 = arith.select %lt3A_1132, %broadcast_in_dim3A_1138, %select_n3A_1125 : vector<8x4096xi1>, vector<8x4096xf32>
      %slice3A_1140 = vector.extract_strided_slice %dot_general3A_53 {offsets = [96, 0], sizes = [8, 4096], strides = [1, 1]} : vector<512x4096xf32> to vector<8x4096xf32>
      %add3A_1141 = vector.broadcast %broadcast_in_dim3A : vector<1x4096xf32> to vector<8x4096xf32>
      %add3A_1142 = arith.addf %add3A_1141, %slice3A_1140 : vector<8x4096xf32>
      %slice3A_1143 = vector.extract_strided_slice %mul3A_51 {offsets = [96, 0], sizes = [8, 1], strides = [1, 1]} : vector<512x1xf32> to vector<8x1xf32>
      %add3A_1144 = vector.broadcast %slice3A_1143 : vector<8x1xf32> to vector<8x4096xf32>
      %add3A_1145 = arith.addf %add3A_1142, %add3A_1144 : vector<8x4096xf32>
      %lt3A_1146 = arith.cmpf olt, %add3A_1145, %min3A_1133 : vector<8x4096xf32>
      %min3A_1147 = arith.minimumf %min3A_1133, %add3A_1145 : vector<8x4096xf32>
      %add3A_1148 = arith.constant 9.600000e+01 : f32
      %add3A_1149 = vector.broadcast %add3A_1148 : f32 to vector<8x1xf32>
      %add3A_1150 = arith.addf %convert_element_type3A, %add3A_1149 : vector<8x1xf32>
      %broadcast_in_dim3A_1151 = vector.shape_cast %add3A_1150 : vector<8x1xf32> to vector<8x1xf32>
      %broadcast_in_dim3A_1152 = vector.broadcast %broadcast_in_dim3A_1151 : vector<8x1xf32> to vector<8x4096xf32>
      %select_n3A_1153 = arith.select %lt3A_1146, %broadcast_in_dim3A_1152, %select_n3A_1139 : vector<8x4096xi1>, vector<8x4096xf32>
      %slice3A_1154 = vector.extract_strided_slice %dot_general3A_53 {offsets = [104, 0], sizes = [8, 4096], strides = [1, 1]} : vector<512x4096xf32> to vector<8x4096xf32>
      %add3A_1155 = vector.broadcast %broadcast_in_dim3A : vector<1x4096xf32> to vector<8x4096xf32>
      %add3A_1156 = arith.addf %add3A_1155, %slice3A_1154 : vector<8x4096xf32>
      %slice3A_1157 = vector.extract_strided_slice %mul3A_51 {offsets = [104, 0], sizes = [8, 1], strides = [1, 1]} : vector<512x1xf32> to vector<8x1xf32>
      %add3A_1158 = vector.broadcast %slice3A_1157 : vector<8x1xf32> to vector<8x4096xf32>
      %add3A_1159 = arith.addf %add3A_1156, %add3A_1158 : vector<8x4096xf32>
      %lt3A_1160 = arith.cmpf olt, %add3A_1159, %min3A_1147 : vector<8x4096xf32>
      %min3A_1161 = arith.minimumf %min3A_1147, %add3A_1159 : vector<8x4096xf32>
      %add3A_1162 = arith.constant 1.040000e+02 : f32
      %add3A_1163 = vector.broadcast %add3A_1162 : f32 to vector<8x1xf32>
      %add3A_1164 = arith.addf %convert_element_type3A, %add3A_1163 : vector<8x1xf32>
      %broadcast_in_dim3A_1165 = vector.shape_cast %add3A_1164 : vector<8x1xf32> to vector<8x1xf32>
      %broadcast_in_dim3A_1166 = vector.broadcast %broadcast_in_dim3A_1165 : vector<8x1xf32> to vector<8x4096xf32>
      %select_n3A_1167 = arith.select %lt3A_1160, %broadcast_in_dim3A_1166, %select_n3A_1153 : vector<8x4096xi1>, vector<8x4096xf32>
      %slice3A_1168 = vector.extract_strided_slice %dot_general3A_53 {offsets = [112, 0], sizes = [8, 4096], strides = [1, 1]} : vector<512x4096xf32> to vector<8x4096xf32>
      %add3A_1169 = vector.broadcast %broadcast_in_dim3A : vector<1x4096xf32> to vector<8x4096xf32>
      %add3A_1170 = arith.addf %add3A_1169, %slice3A_1168 : vector<8x4096xf32>
      %slice3A_1171 = vector.extract_strided_slice %mul3A_51 {offsets = [112, 0], sizes = [8, 1], strides = [1, 1]} : vector<512x1xf32> to vector<8x1xf32>
      %add3A_1172 = vector.broadcast %slice3A_1171 : vector<8x1xf32> to vector<8x4096xf32>
      %add3A_1173 = arith.addf %add3A_1170, %add3A_1172 : vector<8x4096xf32>
      %lt3A_1174 = arith.cmpf olt, %add3A_1173, %min3A_1161 : vector<8x4096xf32>
      %min3A_1175 = arith.minimumf %min3A_1161, %add3A_1173 : vector<8x4096xf32>
      %add3A_1176 = arith.constant 1.120000e+02 : f32
      %add3A_1177 = vector.broadcast %add3A_1176 : f32 to vector<8x1xf32>
      %add3A_1178 = arith.addf %convert_element_type3A, %add3A_1177 : vector<8x1xf32>
      %broadcast_in_dim3A_1179 = vector.shape_cast %add3A_1178 : vector<8x1xf32> to vector<8x1xf32>
      %broadcast_in_dim3A_1180 = vector.broadcast %broadcast_in_dim3A_1179 : vector<8x1xf32> to vector<8x4096xf32>
      %select_n3A_1181 = arith.select %lt3A_1174, %broadcast_in_dim3A_1180, %select_n3A_1167 : vector<8x4096xi1>, vector<8x4096xf32>
      %slice3A_1182 = vector.extract_strided_slice %dot_general3A_53 {offsets = [120, 0], sizes = [8, 4096], strides = [1, 1]} : vector<512x4096xf32> to vector<8x4096xf32>
      %add3A_1183 = vector.broadcast %broadcast_in_dim3A : vector<1x4096xf32> to vector<8x4096xf32>
      %add3A_1184 = arith.addf %add3A_1183, %slice3A_1182 : vector<8x4096xf32>
      %slice3A_1185 = vector.extract_strided_slice %mul3A_51 {offsets = [120, 0], sizes = [8, 1], strides = [1, 1]} : vector<512x1xf32> to vector<8x1xf32>
      %add3A_1186 = vector.broadcast %slice3A_1185 : vector<8x1xf32> to vector<8x4096xf32>
      %add3A_1187 = arith.addf %add3A_1184, %add3A_1186 : vector<8x4096xf32>
      %lt3A_1188 = arith.cmpf olt, %add3A_1187, %min3A_1175 : vector<8x4096xf32>
      %min3A_1189 = arith.minimumf %min3A_1175, %add3A_1187 : vector<8x4096xf32>
      %add3A_1190 = arith.constant 1.200000e+02 : f32
      %add3A_1191 = vector.broadcast %add3A_1190 : f32 to vector<8x1xf32>
      %add3A_1192 = arith.addf %convert_element_type3A, %add3A_1191 : vector<8x1xf32>
      %broadcast_in_dim3A_1193 = vector.shape_cast %add3A_1192 : vector<8x1xf32> to vector<8x1xf32>
      %broadcast_in_dim3A_1194 = vector.broadcast %broadcast_in_dim3A_1193 : vector<8x1xf32> to vector<8x4096xf32>
      %select_n3A_1195 = arith.select %lt3A_1188, %broadcast_in_dim3A_1194, %select_n3A_1181 : vector<8x4096xi1>, vector<8x4096xf32>
      %slice3A_1196 = vector.extract_strided_slice %dot_general3A_53 {offsets = [128, 0], sizes = [8, 4096], strides = [1, 1]} : vector<512x4096xf32> to vector<8x4096xf32>
      %add3A_1197 = vector.broadcast %broadcast_in_dim3A : vector<1x4096xf32> to vector<8x4096xf32>
      %add3A_1198 = arith.addf %add3A_1197, %slice3A_1196 : vector<8x4096xf32>
      %slice3A_1199 = vector.extract_strided_slice %mul3A_51 {offsets = [128, 0], sizes = [8, 1], strides = [1, 1]} : vector<512x1xf32> to vector<8x1xf32>
      %add3A_1200 = vector.broadcast %slice3A_1199 : vector<8x1xf32> to vector<8x4096xf32>
      %add3A_1201 = arith.addf %add3A_1198, %add3A_1200 : vector<8x4096xf32>
      %lt3A_1202 = arith.cmpf olt, %add3A_1201, %min3A_1189 : vector<8x4096xf32>
      %min3A_1203 = arith.minimumf %min3A_1189, %add3A_1201 : vector<8x4096xf32>
      %add3A_1204 = arith.constant 1.280000e+02 : f32
      %add3A_1205 = vector.broadcast %add3A_1204 : f32 to vector<8x1xf32>
      %add3A_1206 = arith.addf %convert_element_type3A, %add3A_1205 : vector<8x1xf32>
      %broadcast_in_dim3A_1207 = vector.shape_cast %add3A_1206 : vector<8x1xf32> to vector<8x1xf32>
      %broadcast_in_dim3A_1208 = vector.broadcast %broadcast_in_dim3A_1207 : vector<8x1xf32> to vector<8x4096xf32>
      %select_n3A_1209 = arith.select %lt3A_1202, %broadcast_in_dim3A_1208, %select_n3A_1195 : vector<8x4096xi1>, vector<8x4096xf32>
      %slice3A_1210 = vector.extract_strided_slice %dot_general3A_53 {offsets = [136, 0], sizes = [8, 4096], strides = [1, 1]} : vector<512x4096xf32> to vector<8x4096xf32>
      %add3A_1211 = vector.broadcast %broadcast_in_dim3A : vector<1x4096xf32> to vector<8x4096xf32>
      %add3A_1212 = arith.addf %add3A_1211, %slice3A_1210 : vector<8x4096xf32>
      %slice3A_1213 = vector.extract_strided_slice %mul3A_51 {offsets = [136, 0], sizes = [8, 1], strides = [1, 1]} : vector<512x1xf32> to vector<8x1xf32>
      %add3A_1214 = vector.broadcast %slice3A_1213 : vector<8x1xf32> to vector<8x4096xf32>
      %add3A_1215 = arith.addf %add3A_1212, %add3A_1214 : vector<8x4096xf32>
      %lt3A_1216 = arith.cmpf olt, %add3A_1215, %min3A_1203 : vector<8x4096xf32>
      %min3A_1217 = arith.minimumf %min3A_1203, %add3A_1215 : vector<8x4096xf32>
      %add3A_1218 = arith.constant 1.360000e+02 : f32
      %add3A_1219 = vector.broadcast %add3A_1218 : f32 to vector<8x1xf32>
      %add3A_1220 = arith.addf %convert_element_type3A, %add3A_1219 : vector<8x1xf32>
      %broadcast_in_dim3A_1221 = vector.shape_cast %add3A_1220 : vector<8x1xf32> to vector<8x1xf32>
      %broadcast_in_dim3A_1222 = vector.broadcast %broadcast_in_dim3A_1221 : vector<8x1xf32> to vector<8x4096xf32>
      %select_n3A_1223 = arith.select %lt3A_1216, %broadcast_in_dim3A_1222, %select_n3A_1209 : vector<8x4096xi1>, vector<8x4096xf32>
      %slice3A_1224 = vector.extract_strided_slice %dot_general3A_53 {offsets = [144, 0], sizes = [8, 4096], strides = [1, 1]} : vector<512x4096xf32> to vector<8x4096xf32>
      %add3A_1225 = vector.broadcast %broadcast_in_dim3A : vector<1x4096xf32> to vector<8x4096xf32>
      %add3A_1226 = arith.addf %add3A_1225, %slice3A_1224 : vector<8x4096xf32>
      %slice3A_1227 = vector.extract_strided_slice %mul3A_51 {offsets = [144, 0], sizes = [8, 1], strides = [1, 1]} : vector<512x1xf32> to vector<8x1xf32>
      %add3A_1228 = vector.broadcast %slice3A_1227 : vector<8x1xf32> to vector<8x4096xf32>
      %add3A_1229 = arith.addf %add3A_1226, %add3A_1228 : vector<8x4096xf32>
      %lt3A_1230 = arith.cmpf olt, %add3A_1229, %min3A_1217 : vector<8x4096xf32>
      %min3A_1231 = arith.minimumf %min3A_1217, %add3A_1229 : vector<8x4096xf32>
      %add3A_1232 = arith.constant 1.440000e+02 : f32
      %add3A_1233 = vector.broadcast %add3A_1232 : f32 to vector<8x1xf32>
      %add3A_1234 = arith.addf %convert_element_type3A, %add3A_1233 : vector<8x1xf32>
      %broadcast_in_dim3A_1235 = vector.shape_cast %add3A_1234 : vector<8x1xf32> to vector<8x1xf32>
      %broadcast_in_dim3A_1236 = vector.broadcast %broadcast_in_dim3A_1235 : vector<8x1xf32> to vector<8x4096xf32>
      %select_n3A_1237 = arith.select %lt3A_1230, %broadcast_in_dim3A_1236, %select_n3A_1223 : vector<8x4096xi1>, vector<8x4096xf32>
      %slice3A_1238 = vector.extract_strided_slice %dot_general3A_53 {offsets = [152, 0], sizes = [8, 4096], strides = [1, 1]} : vector<512x4096xf32> to vector<8x4096xf32>
      %add3A_1239 = vector.broadcast %broadcast_in_dim3A : vector<1x4096xf32> to vector<8x4096xf32>
      %add3A_1240 = arith.addf %add3A_1239, %slice3A_1238 : vector<8x4096xf32>
      %slice3A_1241 = vector.extract_strided_slice %mul3A_51 {offsets = [152, 0], sizes = [8, 1], strides = [1, 1]} : vector<512x1xf32> to vector<8x1xf32>
      %add3A_1242 = vector.broadcast %slice3A_1241 : vector<8x1xf32> to vector<8x4096xf32>
      %add3A_1243 = arith.addf %add3A_1240, %add3A_1242 : vector<8x4096xf32>
      %lt3A_1244 = arith.cmpf olt, %add3A_1243, %min3A_1231 : vector<8x4096xf32>
      %min3A_1245 = arith.minimumf %min3A_1231, %add3A_1243 : vector<8x4096xf32>
      %add3A_1246 = arith.constant 1.520000e+02 : f32
      %add3A_1247 = vector.broadcast %add3A_1246 : f32 to vector<8x1xf32>
      %add3A_1248 = arith.addf %convert_element_type3A, %add3A_1247 : vector<8x1xf32>
      %broadcast_in_dim3A_1249 = vector.shape_cast %add3A_1248 : vector<8x1xf32> to vector<8x1xf32>
      %broadcast_in_dim3A_1250 = vector.broadcast %broadcast_in_dim3A_1249 : vector<8x1xf32> to vector<8x4096xf32>
      %select_n3A_1251 = arith.select %lt3A_1244, %broadcast_in_dim3A_1250, %select_n3A_1237 : vector<8x4096xi1>, vector<8x4096xf32>
      %slice3A_1252 = vector.extract_strided_slice %dot_general3A_53 {offsets = [160, 0], sizes = [8, 4096], strides = [1, 1]} : vector<512x4096xf32> to vector<8x4096xf32>
      %add3A_1253 = vector.broadcast %broadcast_in_dim3A : vector<1x4096xf32> to vector<8x4096xf32>
      %add3A_1254 = arith.addf %add3A_1253, %slice3A_1252 : vector<8x4096xf32>
      %slice3A_1255 = vector.extract_strided_slice %mul3A_51 {offsets = [160, 0], sizes = [8, 1], strides = [1, 1]} : vector<512x1xf32> to vector<8x1xf32>
      %add3A_1256 = vector.broadcast %slice3A_1255 : vector<8x1xf32> to vector<8x4096xf32>
      %add3A_1257 = arith.addf %add3A_1254, %add3A_1256 : vector<8x4096xf32>
      %lt3A_1258 = arith.cmpf olt, %add3A_1257, %min3A_1245 : vector<8x4096xf32>
      %min3A_1259 = arith.minimumf %min3A_1245, %add3A_1257 : vector<8x4096xf32>
      %add3A_1260 = arith.constant 1.600000e+02 : f32
      %add3A_1261 = vector.broadcast %add3A_1260 : f32 to vector<8x1xf32>
      %add3A_1262 = arith.addf %convert_element_type3A, %add3A_1261 : vector<8x1xf32>
      %broadcast_in_dim3A_1263 = vector.shape_cast %add3A_1262 : vector<8x1xf32> to vector<8x1xf32>
      %broadcast_in_dim3A_1264 = vector.broadcast %broadcast_in_dim3A_1263 : vector<8x1xf32> to vector<8x4096xf32>
      %select_n3A_1265 = arith.select %lt3A_1258, %broadcast_in_dim3A_1264, %select_n3A_1251 : vector<8x4096xi1>, vector<8x4096xf32>
      %slice3A_1266 = vector.extract_strided_slice %dot_general3A_53 {offsets = [168, 0], sizes = [8, 4096], strides = [1, 1]} : vector<512x4096xf32> to vector<8x4096xf32>
      %add3A_1267 = vector.broadcast %broadcast_in_dim3A : vector<1x4096xf32> to vector<8x4096xf32>
      %add3A_1268 = arith.addf %add3A_1267, %slice3A_1266 : vector<8x4096xf32>
      %slice3A_1269 = vector.extract_strided_slice %mul3A_51 {offsets = [168, 0], sizes = [8, 1], strides = [1, 1]} : vector<512x1xf32> to vector<8x1xf32>
      %add3A_1270 = vector.broadcast %slice3A_1269 : vector<8x1xf32> to vector<8x4096xf32>
      %add3A_1271 = arith.addf %add3A_1268, %add3A_1270 : vector<8x4096xf32>
      %lt3A_1272 = arith.cmpf olt, %add3A_1271, %min3A_1259 : vector<8x4096xf32>
      %min3A_1273 = arith.minimumf %min3A_1259, %add3A_1271 : vector<8x4096xf32>
      %add3A_1274 = arith.constant 1.680000e+02 : f32
      %add3A_1275 = vector.broadcast %add3A_1274 : f32 to vector<8x1xf32>
      %add3A_1276 = arith.addf %convert_element_type3A, %add3A_1275 : vector<8x1xf32>
      %broadcast_in_dim3A_1277 = vector.shape_cast %add3A_1276 : vector<8x1xf32> to vector<8x1xf32>
      %broadcast_in_dim3A_1278 = vector.broadcast %broadcast_in_dim3A_1277 : vector<8x1xf32> to vector<8x4096xf32>
      %select_n3A_1279 = arith.select %lt3A_1272, %broadcast_in_dim3A_1278, %select_n3A_1265 : vector<8x4096xi1>, vector<8x4096xf32>
      %slice3A_1280 = vector.extract_strided_slice %dot_general3A_53 {offsets = [176, 0], sizes = [8, 4096], strides = [1, 1]} : vector<512x4096xf32> to vector<8x4096xf32>
      %add3A_1281 = vector.broadcast %broadcast_in_dim3A : vector<1x4096xf32> to vector<8x4096xf32>
      %add3A_1282 = arith.addf %add3A_1281, %slice3A_1280 : vector<8x4096xf32>
      %slice3A_1283 = vector.extract_strided_slice %mul3A_51 {offsets = [176, 0], sizes = [8, 1], strides = [1, 1]} : vector<512x1xf32> to vector<8x1xf32>
      %add3A_1284 = vector.broadcast %slice3A_1283 : vector<8x1xf32> to vector<8x4096xf32>
      %add3A_1285 = arith.addf %add3A_1282, %add3A_1284 : vector<8x4096xf32>
      %lt3A_1286 = arith.cmpf olt, %add3A_1285, %min3A_1273 : vector<8x4096xf32>
      %min3A_1287 = arith.minimumf %min3A_1273, %add3A_1285 : vector<8x4096xf32>
      %add3A_1288 = arith.constant 1.760000e+02 : f32
      %add3A_1289 = vector.broadcast %add3A_1288 : f32 to vector<8x1xf32>
      %add3A_1290 = arith.addf %convert_element_type3A, %add3A_1289 : vector<8x1xf32>
      %broadcast_in_dim3A_1291 = vector.shape_cast %add3A_1290 : vector<8x1xf32> to vector<8x1xf32>
      %broadcast_in_dim3A_1292 = vector.broadcast %broadcast_in_dim3A_1291 : vector<8x1xf32> to vector<8x4096xf32>
      %select_n3A_1293 = arith.select %lt3A_1286, %broadcast_in_dim3A_1292, %select_n3A_1279 : vector<8x4096xi1>, vector<8x4096xf32>
      %slice3A_1294 = vector.extract_strided_slice %dot_general3A_53 {offsets = [184, 0], sizes = [8, 4096], strides = [1, 1]} : vector<512x4096xf32> to vector<8x4096xf32>
      %add3A_1295 = vector.broadcast %broadcast_in_dim3A : vector<1x4096xf32> to vector<8x4096xf32>
      %add3A_1296 = arith.addf %add3A_1295, %slice3A_1294 : vector<8x4096xf32>
      %slice3A_1297 = vector.extract_strided_slice %mul3A_51 {offsets = [184, 0], sizes = [8, 1], strides = [1, 1]} : vector<512x1xf32> to vector<8x1xf32>
      %add3A_1298 = vector.broadcast %slice3A_1297 : vector<8x1xf32> to vector<8x4096xf32>
      %add3A_1299 = arith.addf %add3A_1296, %add3A_1298 : vector<8x4096xf32>
      %lt3A_1300 = arith.cmpf olt, %add3A_1299, %min3A_1287 : vector<8x4096xf32>
      %min3A_1301 = arith.minimumf %min3A_1287, %add3A_1299 : vector<8x4096xf32>
      %add3A_1302 = arith.constant 1.840000e+02 : f32
      %add3A_1303 = vector.broadcast %add3A_1302 : f32 to vector<8x1xf32>
      %add3A_1304 = arith.addf %convert_element_type3A, %add3A_1303 : vector<8x1xf32>
      %broadcast_in_dim3A_1305 = vector.shape_cast %add3A_1304 : vector<8x1xf32> to vector<8x1xf32>
      %broadcast_in_dim3A_1306 = vector.broadcast %broadcast_in_dim3A_1305 : vector<8x1xf32> to vector<8x4096xf32>
      %select_n3A_1307 = arith.select %lt3A_1300, %broadcast_in_dim3A_1306, %select_n3A_1293 : vector<8x4096xi1>, vector<8x4096xf32>
      %slice3A_1308 = vector.extract_strided_slice %dot_general3A_53 {offsets = [192, 0], sizes = [8, 4096], strides = [1, 1]} : vector<512x4096xf32> to vector<8x4096xf32>
      %add3A_1309 = vector.broadcast %broadcast_in_dim3A : vector<1x4096xf32> to vector<8x4096xf32>
      %add3A_1310 = arith.addf %add3A_1309, %slice3A_1308 : vector<8x4096xf32>
      %slice3A_1311 = vector.extract_strided_slice %mul3A_51 {offsets = [192, 0], sizes = [8, 1], strides = [1, 1]} : vector<512x1xf32> to vector<8x1xf32>
      %add3A_1312 = vector.broadcast %slice3A_1311 : vector<8x1xf32> to vector<8x4096xf32>
      %add3A_1313 = arith.addf %add3A_1310, %add3A_1312 : vector<8x4096xf32>
      %lt3A_1314 = arith.cmpf olt, %add3A_1313, %min3A_1301 : vector<8x4096xf32>
      %min3A_1315 = arith.minimumf %min3A_1301, %add3A_1313 : vector<8x4096xf32>
      %add3A_1316 = arith.constant 1.920000e+02 : f32
      %add3A_1317 = vector.broadcast %add3A_1316 : f32 to vector<8x1xf32>
      %add3A_1318 = arith.addf %convert_element_type3A, %add3A_1317 : vector<8x1xf32>
      %broadcast_in_dim3A_1319 = vector.shape_cast %add3A_1318 : vector<8x1xf32> to vector<8x1xf32>
      %broadcast_in_dim3A_1320 = vector.broadcast %broadcast_in_dim3A_1319 : vector<8x1xf32> to vector<8x4096xf32>
      %select_n3A_1321 = arith.select %lt3A_1314, %broadcast_in_dim3A_1320, %select_n3A_1307 : vector<8x4096xi1>, vector<8x4096xf32>
      %slice3A_1322 = vector.extract_strided_slice %dot_general3A_53 {offsets = [200, 0], sizes = [8, 4096], strides = [1, 1]} : vector<512x4096xf32> to vector<8x4096xf32>
      %add3A_1323 = vector.broadcast %broadcast_in_dim3A : vector<1x4096xf32> to vector<8x4096xf32>
      %add3A_1324 = arith.addf %add3A_1323, %slice3A_1322 : vector<8x4096xf32>
      %slice3A_1325 = vector.extract_strided_slice %mul3A_51 {offsets = [200, 0], sizes = [8, 1], strides = [1, 1]} : vector<512x1xf32> to vector<8x1xf32>
      %add3A_1326 = vector.broadcast %slice3A_1325 : vector<8x1xf32> to vector<8x4096xf32>
      %add3A_1327 = arith.addf %add3A_1324, %add3A_1326 : vector<8x4096xf32>
      %lt3A_1328 = arith.cmpf olt, %add3A_1327, %min3A_1315 : vector<8x4096xf32>
      %min3A_1329 = arith.minimumf %min3A_1315, %add3A_1327 : vector<8x4096xf32>
      %add3A_1330 = arith.constant 2.000000e+02 : f32
      %add3A_1331 = vector.broadcast %add3A_1330 : f32 to vector<8x1xf32>
      %add3A_1332 = arith.addf %convert_element_type3A, %add3A_1331 : vector<8x1xf32>
      %broadcast_in_dim3A_1333 = vector.shape_cast %add3A_1332 : vector<8x1xf32> to vector<8x1xf32>
      %broadcast_in_dim3A_1334 = vector.broadcast %broadcast_in_dim3A_1333 : vector<8x1xf32> to vector<8x4096xf32>
      %select_n3A_1335 = arith.select %lt3A_1328, %broadcast_in_dim3A_1334, %select_n3A_1321 : vector<8x4096xi1>, vector<8x4096xf32>
      %slice3A_1336 = vector.extract_strided_slice %dot_general3A_53 {offsets = [208, 0], sizes = [8, 4096], strides = [1, 1]} : vector<512x4096xf32> to vector<8x4096xf32>
      %add3A_1337 = vector.broadcast %broadcast_in_dim3A : vector<1x4096xf32> to vector<8x4096xf32>
      %add3A_1338 = arith.addf %add3A_1337, %slice3A_1336 : vector<8x4096xf32>
      %slice3A_1339 = vector.extract_strided_slice %mul3A_51 {offsets = [208, 0], sizes = [8, 1], strides = [1, 1]} : vector<512x1xf32> to vector<8x1xf32>
      %add3A_1340 = vector.broadcast %slice3A_1339 : vector<8x1xf32> to vector<8x4096xf32>
      %add3A_1341 = arith.addf %add3A_1338, %add3A_1340 : vector<8x4096xf32>
      %lt3A_1342 = arith.cmpf olt, %add3A_1341, %min3A_1329 : vector<8x4096xf32>
      %min3A_1343 = arith.minimumf %min3A_1329, %add3A_1341 : vector<8x4096xf32>
      %add3A_1344 = arith.constant 2.080000e+02 : f32
      %add3A_1345 = vector.broadcast %add3A_1344 : f32 to vector<8x1xf32>
      %add3A_1346 = arith.addf %convert_element_type3A, %add3A_1345 : vector<8x1xf32>
      %broadcast_in_dim3A_1347 = vector.shape_cast %add3A_1346 : vector<8x1xf32> to vector<8x1xf32>
      %broadcast_in_dim3A_1348 = vector.broadcast %broadcast_in_dim3A_1347 : vector<8x1xf32> to vector<8x4096xf32>
      %select_n3A_1349 = arith.select %lt3A_1342, %broadcast_in_dim3A_1348, %select_n3A_1335 : vector<8x4096xi1>, vector<8x4096xf32>
      %slice3A_1350 = vector.extract_strided_slice %dot_general3A_53 {offsets = [216, 0], sizes = [8, 4096], strides = [1, 1]} : vector<512x4096xf32> to vector<8x4096xf32>
      %add3A_1351 = vector.broadcast %broadcast_in_dim3A : vector<1x4096xf32> to vector<8x4096xf32>
      %add3A_1352 = arith.addf %add3A_1351, %slice3A_1350 : vector<8x4096xf32>
      %slice3A_1353 = vector.extract_strided_slice %mul3A_51 {offsets = [216, 0], sizes = [8, 1], strides = [1, 1]} : vector<512x1xf32> to vector<8x1xf32>
      %add3A_1354 = vector.broadcast %slice3A_1353 : vector<8x1xf32> to vector<8x4096xf32>
      %add3A_1355 = arith.addf %add3A_1352, %add3A_1354 : vector<8x4096xf32>
      %lt3A_1356 = arith.cmpf olt, %add3A_1355, %min3A_1343 : vector<8x4096xf32>
      %min3A_1357 = arith.minimumf %min3A_1343, %add3A_1355 : vector<8x4096xf32>
      %add3A_1358 = arith.constant 2.160000e+02 : f32
      %add3A_1359 = vector.broadcast %add3A_1358 : f32 to vector<8x1xf32>
      %add3A_1360 = arith.addf %convert_element_type3A, %add3A_1359 : vector<8x1xf32>
      %broadcast_in_dim3A_1361 = vector.shape_cast %add3A_1360 : vector<8x1xf32> to vector<8x1xf32>
      %broadcast_in_dim3A_1362 = vector.broadcast %broadcast_in_dim3A_1361 : vector<8x1xf32> to vector<8x4096xf32>
      %select_n3A_1363 = arith.select %lt3A_1356, %broadcast_in_dim3A_1362, %select_n3A_1349 : vector<8x4096xi1>, vector<8x4096xf32>
      %slice3A_1364 = vector.extract_strided_slice %dot_general3A_53 {offsets = [224, 0], sizes = [8, 4096], strides = [1, 1]} : vector<512x4096xf32> to vector<8x4096xf32>
      %add3A_1365 = vector.broadcast %broadcast_in_dim3A : vector<1x4096xf32> to vector<8x4096xf32>
      %add3A_1366 = arith.addf %add3A_1365, %slice3A_1364 : vector<8x4096xf32>
      %slice3A_1367 = vector.extract_strided_slice %mul3A_51 {offsets = [224, 0], sizes = [8, 1], strides = [1, 1]} : vector<512x1xf32> to vector<8x1xf32>
      %add3A_1368 = vector.broadcast %slice3A_1367 : vector<8x1xf32> to vector<8x4096xf32>
      %add3A_1369 = arith.addf %add3A_1366, %add3A_1368 : vector<8x4096xf32>
      %lt3A_1370 = arith.cmpf olt, %add3A_1369, %min3A_1357 : vector<8x4096xf32>
      %min3A_1371 = arith.minimumf %min3A_1357, %add3A_1369 : vector<8x4096xf32>
      %add3A_1372 = arith.constant 2.240000e+02 : f32
      %add3A_1373 = vector.broadcast %add3A_1372 : f32 to vector<8x1xf32>
      %add3A_1374 = arith.addf %convert_element_type3A, %add3A_1373 : vector<8x1xf32>
      %broadcast_in_dim3A_1375 = vector.shape_cast %add3A_1374 : vector<8x1xf32> to vector<8x1xf32>
      %broadcast_in_dim3A_1376 = vector.broadcast %broadcast_in_dim3A_1375 : vector<8x1xf32> to vector<8x4096xf32>
      %select_n3A_1377 = arith.select %lt3A_1370, %broadcast_in_dim3A_1376, %select_n3A_1363 : vector<8x4096xi1>, vector<8x4096xf32>
      %slice3A_1378 = vector.extract_strided_slice %dot_general3A_53 {offsets = [232, 0], sizes = [8, 4096], strides = [1, 1]} : vector<512x4096xf32> to vector<8x4096xf32>
      %add3A_1379 = vector.broadcast %broadcast_in_dim3A : vector<1x4096xf32> to vector<8x4096xf32>
      %add3A_1380 = arith.addf %add3A_1379, %slice3A_1378 : vector<8x4096xf32>
      %slice3A_1381 = vector.extract_strided_slice %mul3A_51 {offsets = [232, 0], sizes = [8, 1], strides = [1, 1]} : vector<512x1xf32> to vector<8x1xf32>
      %add3A_1382 = vector.broadcast %slice3A_1381 : vector<8x1xf32> to vector<8x4096xf32>
      %add3A_1383 = arith.addf %add3A_1380, %add3A_1382 : vector<8x4096xf32>
      %lt3A_1384 = arith.cmpf olt, %add3A_1383, %min3A_1371 : vector<8x4096xf32>
      %min3A_1385 = arith.minimumf %min3A_1371, %add3A_1383 : vector<8x4096xf32>
      %add3A_1386 = arith.constant 2.320000e+02 : f32
      %add3A_1387 = vector.broadcast %add3A_1386 : f32 to vector<8x1xf32>
      %add3A_1388 = arith.addf %convert_element_type3A, %add3A_1387 : vector<8x1xf32>
      %broadcast_in_dim3A_1389 = vector.shape_cast %add3A_1388 : vector<8x1xf32> to vector<8x1xf32>
      %broadcast_in_dim3A_1390 = vector.broadcast %broadcast_in_dim3A_1389 : vector<8x1xf32> to vector<8x4096xf32>
      %select_n3A_1391 = arith.select %lt3A_1384, %broadcast_in_dim3A_1390, %select_n3A_1377 : vector<8x4096xi1>, vector<8x4096xf32>
      %slice3A_1392 = vector.extract_strided_slice %dot_general3A_53 {offsets = [240, 0], sizes = [8, 4096], strides = [1, 1]} : vector<512x4096xf32> to vector<8x4096xf32>
      %add3A_1393 = vector.broadcast %broadcast_in_dim3A : vector<1x4096xf32> to vector<8x4096xf32>
      %add3A_1394 = arith.addf %add3A_1393, %slice3A_1392 : vector<8x4096xf32>
      %slice3A_1395 = vector.extract_strided_slice %mul3A_51 {offsets = [240, 0], sizes = [8, 1], strides = [1, 1]} : vector<512x1xf32> to vector<8x1xf32>
      %add3A_1396 = vector.broadcast %slice3A_1395 : vector<8x1xf32> to vector<8x4096xf32>
      %add3A_1397 = arith.addf %add3A_1394, %add3A_1396 : vector<8x4096xf32>
      %lt3A_1398 = arith.cmpf olt, %add3A_1397, %min3A_1385 : vector<8x4096xf32>
      %min3A_1399 = arith.minimumf %min3A_1385, %add3A_1397 : vector<8x4096xf32>
      %add3A_1400 = arith.constant 2.400000e+02 : f32
      %add3A_1401 = vector.broadcast %add3A_1400 : f32 to vector<8x1xf32>
      %add3A_1402 = arith.addf %convert_element_type3A, %add3A_1401 : vector<8x1xf32>
      %broadcast_in_dim3A_1403 = vector.shape_cast %add3A_1402 : vector<8x1xf32> to vector<8x1xf32>
      %broadcast_in_dim3A_1404 = vector.broadcast %broadcast_in_dim3A_1403 : vector<8x1xf32> to vector<8x4096xf32>
      %select_n3A_1405 = arith.select %lt3A_1398, %broadcast_in_dim3A_1404, %select_n3A_1391 : vector<8x4096xi1>, vector<8x4096xf32>
      %slice3A_1406 = vector.extract_strided_slice %dot_general3A_53 {offsets = [248, 0], sizes = [8, 4096], strides = [1, 1]} : vector<512x4096xf32> to vector<8x4096xf32>
      %add3A_1407 = vector.broadcast %broadcast_in_dim3A : vector<1x4096xf32> to vector<8x4096xf32>
      %add3A_1408 = arith.addf %add3A_1407, %slice3A_1406 : vector<8x4096xf32>
      %slice3A_1409 = vector.extract_strided_slice %mul3A_51 {offsets = [248, 0], sizes = [8, 1], strides = [1, 1]} : vector<512x1xf32> to vector<8x1xf32>
      %add3A_1410 = vector.broadcast %slice3A_1409 : vector<8x1xf32> to vector<8x4096xf32>
      %add3A_1411 = arith.addf %add3A_1408, %add3A_1410 : vector<8x4096xf32>
      %lt3A_1412 = arith.cmpf olt, %add3A_1411, %min3A_1399 : vector<8x4096xf32>
      %min3A_1413 = arith.minimumf %min3A_1399, %add3A_1411 : vector<8x4096xf32>
      %add3A_1414 = arith.constant 2.480000e+02 : f32
      %add3A_1415 = vector.broadcast %add3A_1414 : f32 to vector<8x1xf32>
      %add3A_1416 = arith.addf %convert_element_type3A, %add3A_1415 : vector<8x1xf32>
      %broadcast_in_dim3A_1417 = vector.shape_cast %add3A_1416 : vector<8x1xf32> to vector<8x1xf32>
      %broadcast_in_dim3A_1418 = vector.broadcast %broadcast_in_dim3A_1417 : vector<8x1xf32> to vector<8x4096xf32>
      %select_n3A_1419 = arith.select %lt3A_1412, %broadcast_in_dim3A_1418, %select_n3A_1405 : vector<8x4096xi1>, vector<8x4096xf32>
      %slice3A_1420 = vector.extract_strided_slice %dot_general3A_53 {offsets = [256, 0], sizes = [8, 4096], strides = [1, 1]} : vector<512x4096xf32> to vector<8x4096xf32>
      %add3A_1421 = vector.broadcast %broadcast_in_dim3A : vector<1x4096xf32> to vector<8x4096xf32>
      %add3A_1422 = arith.addf %add3A_1421, %slice3A_1420 : vector<8x4096xf32>
      %slice3A_1423 = vector.extract_strided_slice %mul3A_51 {offsets = [256, 0], sizes = [8, 1], strides = [1, 1]} : vector<512x1xf32> to vector<8x1xf32>
      %add3A_1424 = vector.broadcast %slice3A_1423 : vector<8x1xf32> to vector<8x4096xf32>
      %add3A_1425 = arith.addf %add3A_1422, %add3A_1424 : vector<8x4096xf32>
      %lt3A_1426 = arith.cmpf olt, %add3A_1425, %min3A_1413 : vector<8x4096xf32>
      %min3A_1427 = arith.minimumf %min3A_1413, %add3A_1425 : vector<8x4096xf32>
      %add3A_1428 = arith.constant 2.560000e+02 : f32
      %add3A_1429 = vector.broadcast %add3A_1428 : f32 to vector<8x1xf32>
      %add3A_1430 = arith.addf %convert_element_type3A, %add3A_1429 : vector<8x1xf32>
      %broadcast_in_dim3A_1431 = vector.shape_cast %add3A_1430 : vector<8x1xf32> to vector<8x1xf32>
      %broadcast_in_dim3A_1432 = vector.broadcast %broadcast_in_dim3A_1431 : vector<8x1xf32> to vector<8x4096xf32>
      %select_n3A_1433 = arith.select %lt3A_1426, %broadcast_in_dim3A_1432, %select_n3A_1419 : vector<8x4096xi1>, vector<8x4096xf32>
      %slice3A_1434 = vector.extract_strided_slice %dot_general3A_53 {offsets = [264, 0], sizes = [8, 4096], strides = [1, 1]} : vector<512x4096xf32> to vector<8x4096xf32>
      %add3A_1435 = vector.broadcast %broadcast_in_dim3A : vector<1x4096xf32> to vector<8x4096xf32>
      %add3A_1436 = arith.addf %add3A_1435, %slice3A_1434 : vector<8x4096xf32>
      %slice3A_1437 = vector.extract_strided_slice %mul3A_51 {offsets = [264, 0], sizes = [8, 1], strides = [1, 1]} : vector<512x1xf32> to vector<8x1xf32>
      %add3A_1438 = vector.broadcast %slice3A_1437 : vector<8x1xf32> to vector<8x4096xf32>
      %add3A_1439 = arith.addf %add3A_1436, %add3A_1438 : vector<8x4096xf32>
      %lt3A_1440 = arith.cmpf olt, %add3A_1439, %min3A_1427 : vector<8x4096xf32>
      %min3A_1441 = arith.minimumf %min3A_1427, %add3A_1439 : vector<8x4096xf32>
      %add3A_1442 = arith.constant 2.640000e+02 : f32
      %add3A_1443 = vector.broadcast %add3A_1442 : f32 to vector<8x1xf32>
      %add3A_1444 = arith.addf %convert_element_type3A, %add3A_1443 : vector<8x1xf32>
      %broadcast_in_dim3A_1445 = vector.shape_cast %add3A_1444 : vector<8x1xf32> to vector<8x1xf32>
      %broadcast_in_dim3A_1446 = vector.broadcast %broadcast_in_dim3A_1445 : vector<8x1xf32> to vector<8x4096xf32>
      %select_n3A_1447 = arith.select %lt3A_1440, %broadcast_in_dim3A_1446, %select_n3A_1433 : vector<8x4096xi1>, vector<8x4096xf32>
      %slice3A_1448 = vector.extract_strided_slice %dot_general3A_53 {offsets = [272, 0], sizes = [8, 4096], strides = [1, 1]} : vector<512x4096xf32> to vector<8x4096xf32>
      %add3A_1449 = vector.broadcast %broadcast_in_dim3A : vector<1x4096xf32> to vector<8x4096xf32>
      %add3A_1450 = arith.addf %add3A_1449, %slice3A_1448 : vector<8x4096xf32>
      %slice3A_1451 = vector.extract_strided_slice %mul3A_51 {offsets = [272, 0], sizes = [8, 1], strides = [1, 1]} : vector<512x1xf32> to vector<8x1xf32>
      %add3A_1452 = vector.broadcast %slice3A_1451 : vector<8x1xf32> to vector<8x4096xf32>
      %add3A_1453 = arith.addf %add3A_1450, %add3A_1452 : vector<8x4096xf32>
      %lt3A_1454 = arith.cmpf olt, %add3A_1453, %min3A_1441 : vector<8x4096xf32>
      %min3A_1455 = arith.minimumf %min3A_1441, %add3A_1453 : vector<8x4096xf32>
      %add3A_1456 = arith.constant 2.720000e+02 : f32
      %add3A_1457 = vector.broadcast %add3A_1456 : f32 to vector<8x1xf32>
      %add3A_1458 = arith.addf %convert_element_type3A, %add3A_1457 : vector<8x1xf32>
      %broadcast_in_dim3A_1459 = vector.shape_cast %add3A_1458 : vector<8x1xf32> to vector<8x1xf32>
      %broadcast_in_dim3A_1460 = vector.broadcast %broadcast_in_dim3A_1459 : vector<8x1xf32> to vector<8x4096xf32>
      %select_n3A_1461 = arith.select %lt3A_1454, %broadcast_in_dim3A_1460, %select_n3A_1447 : vector<8x4096xi1>, vector<8x4096xf32>
      %slice3A_1462 = vector.extract_strided_slice %dot_general3A_53 {offsets = [280, 0], sizes = [8, 4096], strides = [1, 1]} : vector<512x4096xf32> to vector<8x4096xf32>
      %add3A_1463 = vector.broadcast %broadcast_in_dim3A : vector<1x4096xf32> to vector<8x4096xf32>
      %add3A_1464 = arith.addf %add3A_1463, %slice3A_1462 : vector<8x4096xf32>
      %slice3A_1465 = vector.extract_strided_slice %mul3A_51 {offsets = [280, 0], sizes = [8, 1], strides = [1, 1]} : vector<512x1xf32> to vector<8x1xf32>
      %add3A_1466 = vector.broadcast %slice3A_1465 : vector<8x1xf32> to vector<8x4096xf32>
      %add3A_1467 = arith.addf %add3A_1464, %add3A_1466 : vector<8x4096xf32>
      %lt3A_1468 = arith.cmpf olt, %add3A_1467, %min3A_1455 : vector<8x4096xf32>
      %min3A_1469 = arith.minimumf %min3A_1455, %add3A_1467 : vector<8x4096xf32>
      %add3A_1470 = arith.constant 2.800000e+02 : f32
      %add3A_1471 = vector.broadcast %add3A_1470 : f32 to vector<8x1xf32>
      %add3A_1472 = arith.addf %convert_element_type3A, %add3A_1471 : vector<8x1xf32>
      %broadcast_in_dim3A_1473 = vector.shape_cast %add3A_1472 : vector<8x1xf32> to vector<8x1xf32>
      %broadcast_in_dim3A_1474 = vector.broadcast %broadcast_in_dim3A_1473 : vector<8x1xf32> to vector<8x4096xf32>
      %select_n3A_1475 = arith.select %lt3A_1468, %broadcast_in_dim3A_1474, %select_n3A_1461 : vector<8x4096xi1>, vector<8x4096xf32>
      %slice3A_1476 = vector.extract_strided_slice %dot_general3A_53 {offsets = [288, 0], sizes = [8, 4096], strides = [1, 1]} : vector<512x4096xf32> to vector<8x4096xf32>
      %add3A_1477 = vector.broadcast %broadcast_in_dim3A : vector<1x4096xf32> to vector<8x4096xf32>
      %add3A_1478 = arith.addf %add3A_1477, %slice3A_1476 : vector<8x4096xf32>
      %slice3A_1479 = vector.extract_strided_slice %mul3A_51 {offsets = [288, 0], sizes = [8, 1], strides = [1, 1]} : vector<512x1xf32> to vector<8x1xf32>
      %add3A_1480 = vector.broadcast %slice3A_1479 : vector<8x1xf32> to vector<8x4096xf32>
      %add3A_1481 = arith.addf %add3A_1478, %add3A_1480 : vector<8x4096xf32>
      %lt3A_1482 = arith.cmpf olt, %add3A_1481, %min3A_1469 : vector<8x4096xf32>
      %min3A_1483 = arith.minimumf %min3A_1469, %add3A_1481 : vector<8x4096xf32>
      %add3A_1484 = arith.constant 2.880000e+02 : f32
      %add3A_1485 = vector.broadcast %add3A_1484 : f32 to vector<8x1xf32>
      %add3A_1486 = arith.addf %convert_element_type3A, %add3A_1485 : vector<8x1xf32>
      %broadcast_in_dim3A_1487 = vector.shape_cast %add3A_1486 : vector<8x1xf32> to vector<8x1xf32>
      %broadcast_in_dim3A_1488 = vector.broadcast %broadcast_in_dim3A_1487 : vector<8x1xf32> to vector<8x4096xf32>
      %select_n3A_1489 = arith.select %lt3A_1482, %broadcast_in_dim3A_1488, %select_n3A_1475 : vector<8x4096xi1>, vector<8x4096xf32>
      %slice3A_1490 = vector.extract_strided_slice %dot_general3A_53 {offsets = [296, 0], sizes = [8, 4096], strides = [1, 1]} : vector<512x4096xf32> to vector<8x4096xf32>
      %add3A_1491 = vector.broadcast %broadcast_in_dim3A : vector<1x4096xf32> to vector<8x4096xf32>
      %add3A_1492 = arith.addf %add3A_1491, %slice3A_1490 : vector<8x4096xf32>
      %slice3A_1493 = vector.extract_strided_slice %mul3A_51 {offsets = [296, 0], sizes = [8, 1], strides = [1, 1]} : vector<512x1xf32> to vector<8x1xf32>
      %add3A_1494 = vector.broadcast %slice3A_1493 : vector<8x1xf32> to vector<8x4096xf32>
      %add3A_1495 = arith.addf %add3A_1492, %add3A_1494 : vector<8x4096xf32>
      %lt3A_1496 = arith.cmpf olt, %add3A_1495, %min3A_1483 : vector<8x4096xf32>
      %min3A_1497 = arith.minimumf %min3A_1483, %add3A_1495 : vector<8x4096xf32>
      %add3A_1498 = arith.constant 2.960000e+02 : f32
      %add3A_1499 = vector.broadcast %add3A_1498 : f32 to vector<8x1xf32>
      %add3A_1500 = arith.addf %convert_element_type3A, %add3A_1499 : vector<8x1xf32>
      %broadcast_in_dim3A_1501 = vector.shape_cast %add3A_1500 : vector<8x1xf32> to vector<8x1xf32>
      %broadcast_in_dim3A_1502 = vector.broadcast %broadcast_in_dim3A_1501 : vector<8x1xf32> to vector<8x4096xf32>
      %select_n3A_1503 = arith.select %lt3A_1496, %broadcast_in_dim3A_1502, %select_n3A_1489 : vector<8x4096xi1>, vector<8x4096xf32>
      %slice3A_1504 = vector.extract_strided_slice %dot_general3A_53 {offsets = [304, 0], sizes = [8, 4096], strides = [1, 1]} : vector<512x4096xf32> to vector<8x4096xf32>
      %add3A_1505 = vector.broadcast %broadcast_in_dim3A : vector<1x4096xf32> to vector<8x4096xf32>
      %add3A_1506 = arith.addf %add3A_1505, %slice3A_1504 : vector<8x4096xf32>
      %slice3A_1507 = vector.extract_strided_slice %mul3A_51 {offsets = [304, 0], sizes = [8, 1], strides = [1, 1]} : vector<512x1xf32> to vector<8x1xf32>
      %add3A_1508 = vector.broadcast %slice3A_1507 : vector<8x1xf32> to vector<8x4096xf32>
      %add3A_1509 = arith.addf %add3A_1506, %add3A_1508 : vector<8x4096xf32>
      %lt3A_1510 = arith.cmpf olt, %add3A_1509, %min3A_1497 : vector<8x4096xf32>
      %min3A_1511 = arith.minimumf %min3A_1497, %add3A_1509 : vector<8x4096xf32>
      %add3A_1512 = arith.constant 3.040000e+02 : f32
      %add3A_1513 = vector.broadcast %add3A_1512 : f32 to vector<8x1xf32>
      %add3A_1514 = arith.addf %convert_element_type3A, %add3A_1513 : vector<8x1xf32>
      %broadcast_in_dim3A_1515 = vector.shape_cast %add3A_1514 : vector<8x1xf32> to vector<8x1xf32>
      %broadcast_in_dim3A_1516 = vector.broadcast %broadcast_in_dim3A_1515 : vector<8x1xf32> to vector<8x4096xf32>
      %select_n3A_1517 = arith.select %lt3A_1510, %broadcast_in_dim3A_1516, %select_n3A_1503 : vector<8x4096xi1>, vector<8x4096xf32>
      %slice3A_1518 = vector.extract_strided_slice %dot_general3A_53 {offsets = [312, 0], sizes = [8, 4096], strides = [1, 1]} : vector<512x4096xf32> to vector<8x4096xf32>
      %add3A_1519 = vector.broadcast %broadcast_in_dim3A : vector<1x4096xf32> to vector<8x4096xf32>
      %add3A_1520 = arith.addf %add3A_1519, %slice3A_1518 : vector<8x4096xf32>
      %slice3A_1521 = vector.extract_strided_slice %mul3A_51 {offsets = [312, 0], sizes = [8, 1], strides = [1, 1]} : vector<512x1xf32> to vector<8x1xf32>
      %add3A_1522 = vector.broadcast %slice3A_1521 : vector<8x1xf32> to vector<8x4096xf32>
      %add3A_1523 = arith.addf %add3A_1520, %add3A_1522 : vector<8x4096xf32>
      %lt3A_1524 = arith.cmpf olt, %add3A_1523, %min3A_1511 : vector<8x4096xf32>
      %min3A_1525 = arith.minimumf %min3A_1511, %add3A_1523 : vector<8x4096xf32>
      %add3A_1526 = arith.constant 3.120000e+02 : f32
      %add3A_1527 = vector.broadcast %add3A_1526 : f32 to vector<8x1xf32>
      %add3A_1528 = arith.addf %convert_element_type3A, %add3A_1527 : vector<8x1xf32>
      %broadcast_in_dim3A_1529 = vector.shape_cast %add3A_1528 : vector<8x1xf32> to vector<8x1xf32>
      %broadcast_in_dim3A_1530 = vector.broadcast %broadcast_in_dim3A_1529 : vector<8x1xf32> to vector<8x4096xf32>
      %select_n3A_1531 = arith.select %lt3A_1524, %broadcast_in_dim3A_1530, %select_n3A_1517 : vector<8x4096xi1>, vector<8x4096xf32>
      %slice3A_1532 = vector.extract_strided_slice %dot_general3A_53 {offsets = [320, 0], sizes = [8, 4096], strides = [1, 1]} : vector<512x4096xf32> to vector<8x4096xf32>
      %add3A_1533 = vector.broadcast %broadcast_in_dim3A : vector<1x4096xf32> to vector<8x4096xf32>
      %add3A_1534 = arith.addf %add3A_1533, %slice3A_1532 : vector<8x4096xf32>
      %slice3A_1535 = vector.extract_strided_slice %mul3A_51 {offsets = [320, 0], sizes = [8, 1], strides = [1, 1]} : vector<512x1xf32> to vector<8x1xf32>
      %add3A_1536 = vector.broadcast %slice3A_1535 : vector<8x1xf32> to vector<8x4096xf32>
      %add3A_1537 = arith.addf %add3A_1534, %add3A_1536 : vector<8x4096xf32>
      %lt3A_1538 = arith.cmpf olt, %add3A_1537, %min3A_1525 : vector<8x4096xf32>
      %min3A_1539 = arith.minimumf %min3A_1525, %add3A_1537 : vector<8x4096xf32>
      %add3A_1540 = arith.constant 3.200000e+02 : f32
      %add3A_1541 = vector.broadcast %add3A_1540 : f32 to vector<8x1xf32>
      %add3A_1542 = arith.addf %convert_element_type3A, %add3A_1541 : vector<8x1xf32>
      %broadcast_in_dim3A_1543 = vector.shape_cast %add3A_1542 : vector<8x1xf32> to vector<8x1xf32>
      %broadcast_in_dim3A_1544 = vector.broadcast %broadcast_in_dim3A_1543 : vector<8x1xf32> to vector<8x4096xf32>
      %select_n3A_1545 = arith.select %lt3A_1538, %broadcast_in_dim3A_1544, %select_n3A_1531 : vector<8x4096xi1>, vector<8x4096xf32>
      %slice3A_1546 = vector.extract_strided_slice %dot_general3A_53 {offsets = [328, 0], sizes = [8, 4096], strides = [1, 1]} : vector<512x4096xf32> to vector<8x4096xf32>
      %add3A_1547 = vector.broadcast %broadcast_in_dim3A : vector<1x4096xf32> to vector<8x4096xf32>
      %add3A_1548 = arith.addf %add3A_1547, %slice3A_1546 : vector<8x4096xf32>
      %slice3A_1549 = vector.extract_strided_slice %mul3A_51 {offsets = [328, 0], sizes = [8, 1], strides = [1, 1]} : vector<512x1xf32> to vector<8x1xf32>
      %add3A_1550 = vector.broadcast %slice3A_1549 : vector<8x1xf32> to vector<8x4096xf32>
      %add3A_1551 = arith.addf %add3A_1548, %add3A_1550 : vector<8x4096xf32>
      %lt3A_1552 = arith.cmpf olt, %add3A_1551, %min3A_1539 : vector<8x4096xf32>
      %min3A_1553 = arith.minimumf %min3A_1539, %add3A_1551 : vector<8x4096xf32>
      %add3A_1554 = arith.constant 3.280000e+02 : f32
      %add3A_1555 = vector.broadcast %add3A_1554 : f32 to vector<8x1xf32>
      %add3A_1556 = arith.addf %convert_element_type3A, %add3A_1555 : vector<8x1xf32>
      %broadcast_in_dim3A_1557 = vector.shape_cast %add3A_1556 : vector<8x1xf32> to vector<8x1xf32>
      %broadcast_in_dim3A_1558 = vector.broadcast %broadcast_in_dim3A_1557 : vector<8x1xf32> to vector<8x4096xf32>
      %select_n3A_1559 = arith.select %lt3A_1552, %broadcast_in_dim3A_1558, %select_n3A_1545 : vector<8x4096xi1>, vector<8x4096xf32>
      %slice3A_1560 = vector.extract_strided_slice %dot_general3A_53 {offsets = [336, 0], sizes = [8, 4096], strides = [1, 1]} : vector<512x4096xf32> to vector<8x4096xf32>
      %add3A_1561 = vector.broadcast %broadcast_in_dim3A : vector<1x4096xf32> to vector<8x4096xf32>
      %add3A_1562 = arith.addf %add3A_1561, %slice3A_1560 : vector<8x4096xf32>
      %slice3A_1563 = vector.extract_strided_slice %mul3A_51 {offsets = [336, 0], sizes = [8, 1], strides = [1, 1]} : vector<512x1xf32> to vector<8x1xf32>
      %add3A_1564 = vector.broadcast %slice3A_1563 : vector<8x1xf32> to vector<8x4096xf32>
      %add3A_1565 = arith.addf %add3A_1562, %add3A_1564 : vector<8x4096xf32>
      %lt3A_1566 = arith.cmpf olt, %add3A_1565, %min3A_1553 : vector<8x4096xf32>
      %min3A_1567 = arith.minimumf %min3A_1553, %add3A_1565 : vector<8x4096xf32>
      %add3A_1568 = arith.constant 3.360000e+02 : f32
      %add3A_1569 = vector.broadcast %add3A_1568 : f32 to vector<8x1xf32>
      %add3A_1570 = arith.addf %convert_element_type3A, %add3A_1569 : vector<8x1xf32>
      %broadcast_in_dim3A_1571 = vector.shape_cast %add3A_1570 : vector<8x1xf32> to vector<8x1xf32>
      %broadcast_in_dim3A_1572 = vector.broadcast %broadcast_in_dim3A_1571 : vector<8x1xf32> to vector<8x4096xf32>
      %select_n3A_1573 = arith.select %lt3A_1566, %broadcast_in_dim3A_1572, %select_n3A_1559 : vector<8x4096xi1>, vector<8x4096xf32>
      %slice3A_1574 = vector.extract_strided_slice %dot_general3A_53 {offsets = [344, 0], sizes = [8, 4096], strides = [1, 1]} : vector<512x4096xf32> to vector<8x4096xf32>
      %add3A_1575 = vector.broadcast %broadcast_in_dim3A : vector<1x4096xf32> to vector<8x4096xf32>
      %add3A_1576 = arith.addf %add3A_1575, %slice3A_1574 : vector<8x4096xf32>
      %slice3A_1577 = vector.extract_strided_slice %mul3A_51 {offsets = [344, 0], sizes = [8, 1], strides = [1, 1]} : vector<512x1xf32> to vector<8x1xf32>
      %add3A_1578 = vector.broadcast %slice3A_1577 : vector<8x1xf32> to vector<8x4096xf32>
      %add3A_1579 = arith.addf %add3A_1576, %add3A_1578 : vector<8x4096xf32>
      %lt3A_1580 = arith.cmpf olt, %add3A_1579, %min3A_1567 : vector<8x4096xf32>
      %min3A_1581 = arith.minimumf %min3A_1567, %add3A_1579 : vector<8x4096xf32>
      %add3A_1582 = arith.constant 3.440000e+02 : f32
      %add3A_1583 = vector.broadcast %add3A_1582 : f32 to vector<8x1xf32>
      %add3A_1584 = arith.addf %convert_element_type3A, %add3A_1583 : vector<8x1xf32>
      %broadcast_in_dim3A_1585 = vector.shape_cast %add3A_1584 : vector<8x1xf32> to vector<8x1xf32>
      %broadcast_in_dim3A_1586 = vector.broadcast %broadcast_in_dim3A_1585 : vector<8x1xf32> to vector<8x4096xf32>
      %select_n3A_1587 = arith.select %lt3A_1580, %broadcast_in_dim3A_1586, %select_n3A_1573 : vector<8x4096xi1>, vector<8x4096xf32>
      %slice3A_1588 = vector.extract_strided_slice %dot_general3A_53 {offsets = [352, 0], sizes = [8, 4096], strides = [1, 1]} : vector<512x4096xf32> to vector<8x4096xf32>
      %add3A_1589 = vector.broadcast %broadcast_in_dim3A : vector<1x4096xf32> to vector<8x4096xf32>
      %add3A_1590 = arith.addf %add3A_1589, %slice3A_1588 : vector<8x4096xf32>
      %slice3A_1591 = vector.extract_strided_slice %mul3A_51 {offsets = [352, 0], sizes = [8, 1], strides = [1, 1]} : vector<512x1xf32> to vector<8x1xf32>
      %add3A_1592 = vector.broadcast %slice3A_1591 : vector<8x1xf32> to vector<8x4096xf32>
      %add3A_1593 = arith.addf %add3A_1590, %add3A_1592 : vector<8x4096xf32>
      %lt3A_1594 = arith.cmpf olt, %add3A_1593, %min3A_1581 : vector<8x4096xf32>
      %min3A_1595 = arith.minimumf %min3A_1581, %add3A_1593 : vector<8x4096xf32>
      %add3A_1596 = arith.constant 3.520000e+02 : f32
      %add3A_1597 = vector.broadcast %add3A_1596 : f32 to vector<8x1xf32>
      %add3A_1598 = arith.addf %convert_element_type3A, %add3A_1597 : vector<8x1xf32>
      %broadcast_in_dim3A_1599 = vector.shape_cast %add3A_1598 : vector<8x1xf32> to vector<8x1xf32>
      %broadcast_in_dim3A_1600 = vector.broadcast %broadcast_in_dim3A_1599 : vector<8x1xf32> to vector<8x4096xf32>
      %select_n3A_1601 = arith.select %lt3A_1594, %broadcast_in_dim3A_1600, %select_n3A_1587 : vector<8x4096xi1>, vector<8x4096xf32>
      %slice3A_1602 = vector.extract_strided_slice %dot_general3A_53 {offsets = [360, 0], sizes = [8, 4096], strides = [1, 1]} : vector<512x4096xf32> to vector<8x4096xf32>
      %add3A_1603 = vector.broadcast %broadcast_in_dim3A : vector<1x4096xf32> to vector<8x4096xf32>
      %add3A_1604 = arith.addf %add3A_1603, %slice3A_1602 : vector<8x4096xf32>
      %slice3A_1605 = vector.extract_strided_slice %mul3A_51 {offsets = [360, 0], sizes = [8, 1], strides = [1, 1]} : vector<512x1xf32> to vector<8x1xf32>
      %add3A_1606 = vector.broadcast %slice3A_1605 : vector<8x1xf32> to vector<8x4096xf32>
      %add3A_1607 = arith.addf %add3A_1604, %add3A_1606 : vector<8x4096xf32>
      %lt3A_1608 = arith.cmpf olt, %add3A_1607, %min3A_1595 : vector<8x4096xf32>
      %min3A_1609 = arith.minimumf %min3A_1595, %add3A_1607 : vector<8x4096xf32>
      %add3A_1610 = arith.constant 3.600000e+02 : f32
      %add3A_1611 = vector.broadcast %add3A_1610 : f32 to vector<8x1xf32>
      %add3A_1612 = arith.addf %convert_element_type3A, %add3A_1611 : vector<8x1xf32>
      %broadcast_in_dim3A_1613 = vector.shape_cast %add3A_1612 : vector<8x1xf32> to vector<8x1xf32>
      %broadcast_in_dim3A_1614 = vector.broadcast %broadcast_in_dim3A_1613 : vector<8x1xf32> to vector<8x4096xf32>
      %select_n3A_1615 = arith.select %lt3A_1608, %broadcast_in_dim3A_1614, %select_n3A_1601 : vector<8x4096xi1>, vector<8x4096xf32>
      %slice3A_1616 = vector.extract_strided_slice %dot_general3A_53 {offsets = [368, 0], sizes = [8, 4096], strides = [1, 1]} : vector<512x4096xf32> to vector<8x4096xf32>
      %add3A_1617 = vector.broadcast %broadcast_in_dim3A : vector<1x4096xf32> to vector<8x4096xf32>
      %add3A_1618 = arith.addf %add3A_1617, %slice3A_1616 : vector<8x4096xf32>
      %slice3A_1619 = vector.extract_strided_slice %mul3A_51 {offsets = [368, 0], sizes = [8, 1], strides = [1, 1]} : vector<512x1xf32> to vector<8x1xf32>
      %add3A_1620 = vector.broadcast %slice3A_1619 : vector<8x1xf32> to vector<8x4096xf32>
      %add3A_1621 = arith.addf %add3A_1618, %add3A_1620 : vector<8x4096xf32>
      %lt3A_1622 = arith.cmpf olt, %add3A_1621, %min3A_1609 : vector<8x4096xf32>
      %min3A_1623 = arith.minimumf %min3A_1609, %add3A_1621 : vector<8x4096xf32>
      %add3A_1624 = arith.constant 3.680000e+02 : f32
      %add3A_1625 = vector.broadcast %add3A_1624 : f32 to vector<8x1xf32>
      %add3A_1626 = arith.addf %convert_element_type3A, %add3A_1625 : vector<8x1xf32>
      %broadcast_in_dim3A_1627 = vector.shape_cast %add3A_1626 : vector<8x1xf32> to vector<8x1xf32>
      %broadcast_in_dim3A_1628 = vector.broadcast %broadcast_in_dim3A_1627 : vector<8x1xf32> to vector<8x4096xf32>
      %select_n3A_1629 = arith.select %lt3A_1622, %broadcast_in_dim3A_1628, %select_n3A_1615 : vector<8x4096xi1>, vector<8x4096xf32>
      %slice3A_1630 = vector.extract_strided_slice %dot_general3A_53 {offsets = [376, 0], sizes = [8, 4096], strides = [1, 1]} : vector<512x4096xf32> to vector<8x4096xf32>
      %add3A_1631 = vector.broadcast %broadcast_in_dim3A : vector<1x4096xf32> to vector<8x4096xf32>
      %add3A_1632 = arith.addf %add3A_1631, %slice3A_1630 : vector<8x4096xf32>
      %slice3A_1633 = vector.extract_strided_slice %mul3A_51 {offsets = [376, 0], sizes = [8, 1], strides = [1, 1]} : vector<512x1xf32> to vector<8x1xf32>
      %add3A_1634 = vector.broadcast %slice3A_1633 : vector<8x1xf32> to vector<8x4096xf32>
      %add3A_1635 = arith.addf %add3A_1632, %add3A_1634 : vector<8x4096xf32>
      %lt3A_1636 = arith.cmpf olt, %add3A_1635, %min3A_1623 : vector<8x4096xf32>
      %min3A_1637 = arith.minimumf %min3A_1623, %add3A_1635 : vector<8x4096xf32>
      %add3A_1638 = arith.constant 3.760000e+02 : f32
      %add3A_1639 = vector.broadcast %add3A_1638 : f32 to vector<8x1xf32>
      %add3A_1640 = arith.addf %convert_element_type3A, %add3A_1639 : vector<8x1xf32>
      %broadcast_in_dim3A_1641 = vector.shape_cast %add3A_1640 : vector<8x1xf32> to vector<8x1xf32>
      %broadcast_in_dim3A_1642 = vector.broadcast %broadcast_in_dim3A_1641 : vector<8x1xf32> to vector<8x4096xf32>
      %select_n3A_1643 = arith.select %lt3A_1636, %broadcast_in_dim3A_1642, %select_n3A_1629 : vector<8x4096xi1>, vector<8x4096xf32>
      %slice3A_1644 = vector.extract_strided_slice %dot_general3A_53 {offsets = [384, 0], sizes = [8, 4096], strides = [1, 1]} : vector<512x4096xf32> to vector<8x4096xf32>
      %add3A_1645 = vector.broadcast %broadcast_in_dim3A : vector<1x4096xf32> to vector<8x4096xf32>
      %add3A_1646 = arith.addf %add3A_1645, %slice3A_1644 : vector<8x4096xf32>
      %slice3A_1647 = vector.extract_strided_slice %mul3A_51 {offsets = [384, 0], sizes = [8, 1], strides = [1, 1]} : vector<512x1xf32> to vector<8x1xf32>
      %add3A_1648 = vector.broadcast %slice3A_1647 : vector<8x1xf32> to vector<8x4096xf32>
      %add3A_1649 = arith.addf %add3A_1646, %add3A_1648 : vector<8x4096xf32>
      %lt3A_1650 = arith.cmpf olt, %add3A_1649, %min3A_1637 : vector<8x4096xf32>
      %min3A_1651 = arith.minimumf %min3A_1637, %add3A_1649 : vector<8x4096xf32>
      %add3A_1652 = arith.constant 3.840000e+02 : f32
      %add3A_1653 = vector.broadcast %add3A_1652 : f32 to vector<8x1xf32>
      %add3A_1654 = arith.addf %convert_element_type3A, %add3A_1653 : vector<8x1xf32>
      %broadcast_in_dim3A_1655 = vector.shape_cast %add3A_1654 : vector<8x1xf32> to vector<8x1xf32>
      %broadcast_in_dim3A_1656 = vector.broadcast %broadcast_in_dim3A_1655 : vector<8x1xf32> to vector<8x4096xf32>
      %select_n3A_1657 = arith.select %lt3A_1650, %broadcast_in_dim3A_1656, %select_n3A_1643 : vector<8x4096xi1>, vector<8x4096xf32>
      %slice3A_1658 = vector.extract_strided_slice %dot_general3A_53 {offsets = [392, 0], sizes = [8, 4096], strides = [1, 1]} : vector<512x4096xf32> to vector<8x4096xf32>
      %add3A_1659 = vector.broadcast %broadcast_in_dim3A : vector<1x4096xf32> to vector<8x4096xf32>
      %add3A_1660 = arith.addf %add3A_1659, %slice3A_1658 : vector<8x4096xf32>
      %slice3A_1661 = vector.extract_strided_slice %mul3A_51 {offsets = [392, 0], sizes = [8, 1], strides = [1, 1]} : vector<512x1xf32> to vector<8x1xf32>
      %add3A_1662 = vector.broadcast %slice3A_1661 : vector<8x1xf32> to vector<8x4096xf32>
      %add3A_1663 = arith.addf %add3A_1660, %add3A_1662 : vector<8x4096xf32>
      %lt3A_1664 = arith.cmpf olt, %add3A_1663, %min3A_1651 : vector<8x4096xf32>
      %min3A_1665 = arith.minimumf %min3A_1651, %add3A_1663 : vector<8x4096xf32>
      %add3A_1666 = arith.constant 3.920000e+02 : f32
      %add3A_1667 = vector.broadcast %add3A_1666 : f32 to vector<8x1xf32>
      %add3A_1668 = arith.addf %convert_element_type3A, %add3A_1667 : vector<8x1xf32>
      %broadcast_in_dim3A_1669 = vector.shape_cast %add3A_1668 : vector<8x1xf32> to vector<8x1xf32>
      %broadcast_in_dim3A_1670 = vector.broadcast %broadcast_in_dim3A_1669 : vector<8x1xf32> to vector<8x4096xf32>
      %select_n3A_1671 = arith.select %lt3A_1664, %broadcast_in_dim3A_1670, %select_n3A_1657 : vector<8x4096xi1>, vector<8x4096xf32>
      %slice3A_1672 = vector.extract_strided_slice %dot_general3A_53 {offsets = [400, 0], sizes = [8, 4096], strides = [1, 1]} : vector<512x4096xf32> to vector<8x4096xf32>
      %add3A_1673 = vector.broadcast %broadcast_in_dim3A : vector<1x4096xf32> to vector<8x4096xf32>
      %add3A_1674 = arith.addf %add3A_1673, %slice3A_1672 : vector<8x4096xf32>
      %slice3A_1675 = vector.extract_strided_slice %mul3A_51 {offsets = [400, 0], sizes = [8, 1], strides = [1, 1]} : vector<512x1xf32> to vector<8x1xf32>
      %add3A_1676 = vector.broadcast %slice3A_1675 : vector<8x1xf32> to vector<8x4096xf32>
      %add3A_1677 = arith.addf %add3A_1674, %add3A_1676 : vector<8x4096xf32>
      %lt3A_1678 = arith.cmpf olt, %add3A_1677, %min3A_1665 : vector<8x4096xf32>
      %min3A_1679 = arith.minimumf %min3A_1665, %add3A_1677 : vector<8x4096xf32>
      %add3A_1680 = arith.constant 4.000000e+02 : f32
      %add3A_1681 = vector.broadcast %add3A_1680 : f32 to vector<8x1xf32>
      %add3A_1682 = arith.addf %convert_element_type3A, %add3A_1681 : vector<8x1xf32>
      %broadcast_in_dim3A_1683 = vector.shape_cast %add3A_1682 : vector<8x1xf32> to vector<8x1xf32>
      %broadcast_in_dim3A_1684 = vector.broadcast %broadcast_in_dim3A_1683 : vector<8x1xf32> to vector<8x4096xf32>
      %select_n3A_1685 = arith.select %lt3A_1678, %broadcast_in_dim3A_1684, %select_n3A_1671 : vector<8x4096xi1>, vector<8x4096xf32>
      %slice3A_1686 = vector.extract_strided_slice %dot_general3A_53 {offsets = [408, 0], sizes = [8, 4096], strides = [1, 1]} : vector<512x4096xf32> to vector<8x4096xf32>
      %add3A_1687 = vector.broadcast %broadcast_in_dim3A : vector<1x4096xf32> to vector<8x4096xf32>
      %add3A_1688 = arith.addf %add3A_1687, %slice3A_1686 : vector<8x4096xf32>
      %slice3A_1689 = vector.extract_strided_slice %mul3A_51 {offsets = [408, 0], sizes = [8, 1], strides = [1, 1]} : vector<512x1xf32> to vector<8x1xf32>
      %add3A_1690 = vector.broadcast %slice3A_1689 : vector<8x1xf32> to vector<8x4096xf32>
      %add3A_1691 = arith.addf %add3A_1688, %add3A_1690 : vector<8x4096xf32>
      %lt3A_1692 = arith.cmpf olt, %add3A_1691, %min3A_1679 : vector<8x4096xf32>
      %min3A_1693 = arith.minimumf %min3A_1679, %add3A_1691 : vector<8x4096xf32>
      %add3A_1694 = arith.constant 4.080000e+02 : f32
      %add3A_1695 = vector.broadcast %add3A_1694 : f32 to vector<8x1xf32>
      %add3A_1696 = arith.addf %convert_element_type3A, %add3A_1695 : vector<8x1xf32>
      %broadcast_in_dim3A_1697 = vector.shape_cast %add3A_1696 : vector<8x1xf32> to vector<8x1xf32>
      %broadcast_in_dim3A_1698 = vector.broadcast %broadcast_in_dim3A_1697 : vector<8x1xf32> to vector<8x4096xf32>
      %select_n3A_1699 = arith.select %lt3A_1692, %broadcast_in_dim3A_1698, %select_n3A_1685 : vector<8x4096xi1>, vector<8x4096xf32>
      %slice3A_1700 = vector.extract_strided_slice %dot_general3A_53 {offsets = [416, 0], sizes = [8, 4096], strides = [1, 1]} : vector<512x4096xf32> to vector<8x4096xf32>
      %add3A_1701 = vector.broadcast %broadcast_in_dim3A : vector<1x4096xf32> to vector<8x4096xf32>
      %add3A_1702 = arith.addf %add3A_1701, %slice3A_1700 : vector<8x4096xf32>
      %slice3A_1703 = vector.extract_strided_slice %mul3A_51 {offsets = [416, 0], sizes = [8, 1], strides = [1, 1]} : vector<512x1xf32> to vector<8x1xf32>
      %add3A_1704 = vector.broadcast %slice3A_1703 : vector<8x1xf32> to vector<8x4096xf32>
      %add3A_1705 = arith.addf %add3A_1702, %add3A_1704 : vector<8x4096xf32>
      %lt3A_1706 = arith.cmpf olt, %add3A_1705, %min3A_1693 : vector<8x4096xf32>
      %min3A_1707 = arith.minimumf %min3A_1693, %add3A_1705 : vector<8x4096xf32>
      %add3A_1708 = arith.constant 4.160000e+02 : f32
      %add3A_1709 = vector.broadcast %add3A_1708 : f32 to vector<8x1xf32>
      %add3A_1710 = arith.addf %convert_element_type3A, %add3A_1709 : vector<8x1xf32>
      %broadcast_in_dim3A_1711 = vector.shape_cast %add3A_1710 : vector<8x1xf32> to vector<8x1xf32>
      %broadcast_in_dim3A_1712 = vector.broadcast %broadcast_in_dim3A_1711 : vector<8x1xf32> to vector<8x4096xf32>
      %select_n3A_1713 = arith.select %lt3A_1706, %broadcast_in_dim3A_1712, %select_n3A_1699 : vector<8x4096xi1>, vector<8x4096xf32>
      %slice3A_1714 = vector.extract_strided_slice %dot_general3A_53 {offsets = [424, 0], sizes = [8, 4096], strides = [1, 1]} : vector<512x4096xf32> to vector<8x4096xf32>
      %add3A_1715 = vector.broadcast %broadcast_in_dim3A : vector<1x4096xf32> to vector<8x4096xf32>
      %add3A_1716 = arith.addf %add3A_1715, %slice3A_1714 : vector<8x4096xf32>
      %slice3A_1717 = vector.extract_strided_slice %mul3A_51 {offsets = [424, 0], sizes = [8, 1], strides = [1, 1]} : vector<512x1xf32> to vector<8x1xf32>
      %add3A_1718 = vector.broadcast %slice3A_1717 : vector<8x1xf32> to vector<8x4096xf32>
      %add3A_1719 = arith.addf %add3A_1716, %add3A_1718 : vector<8x4096xf32>
      %lt3A_1720 = arith.cmpf olt, %add3A_1719, %min3A_1707 : vector<8x4096xf32>
      %min3A_1721 = arith.minimumf %min3A_1707, %add3A_1719 : vector<8x4096xf32>
      %add3A_1722 = arith.constant 4.240000e+02 : f32
      %add3A_1723 = vector.broadcast %add3A_1722 : f32 to vector<8x1xf32>
      %add3A_1724 = arith.addf %convert_element_type3A, %add3A_1723 : vector<8x1xf32>
      %broadcast_in_dim3A_1725 = vector.shape_cast %add3A_1724 : vector<8x1xf32> to vector<8x1xf32>
      %broadcast_in_dim3A_1726 = vector.broadcast %broadcast_in_dim3A_1725 : vector<8x1xf32> to vector<8x4096xf32>
      %select_n3A_1727 = arith.select %lt3A_1720, %broadcast_in_dim3A_1726, %select_n3A_1713 : vector<8x4096xi1>, vector<8x4096xf32>
      %slice3A_1728 = vector.extract_strided_slice %dot_general3A_53 {offsets = [432, 0], sizes = [8, 4096], strides = [1, 1]} : vector<512x4096xf32> to vector<8x4096xf32>
      %add3A_1729 = vector.broadcast %broadcast_in_dim3A : vector<1x4096xf32> to vector<8x4096xf32>
      %add3A_1730 = arith.addf %add3A_1729, %slice3A_1728 : vector<8x4096xf32>
      %slice3A_1731 = vector.extract_strided_slice %mul3A_51 {offsets = [432, 0], sizes = [8, 1], strides = [1, 1]} : vector<512x1xf32> to vector<8x1xf32>
      %add3A_1732 = vector.broadcast %slice3A_1731 : vector<8x1xf32> to vector<8x4096xf32>
      %add3A_1733 = arith.addf %add3A_1730, %add3A_1732 : vector<8x4096xf32>
      %lt3A_1734 = arith.cmpf olt, %add3A_1733, %min3A_1721 : vector<8x4096xf32>
      %min3A_1735 = arith.minimumf %min3A_1721, %add3A_1733 : vector<8x4096xf32>
      %add3A_1736 = arith.constant 4.320000e+02 : f32
      %add3A_1737 = vector.broadcast %add3A_1736 : f32 to vector<8x1xf32>
      %add3A_1738 = arith.addf %convert_element_type3A, %add3A_1737 : vector<8x1xf32>
      %broadcast_in_dim3A_1739 = vector.shape_cast %add3A_1738 : vector<8x1xf32> to vector<8x1xf32>
      %broadcast_in_dim3A_1740 = vector.broadcast %broadcast_in_dim3A_1739 : vector<8x1xf32> to vector<8x4096xf32>
      %select_n3A_1741 = arith.select %lt3A_1734, %broadcast_in_dim3A_1740, %select_n3A_1727 : vector<8x4096xi1>, vector<8x4096xf32>
      %slice3A_1742 = vector.extract_strided_slice %dot_general3A_53 {offsets = [440, 0], sizes = [8, 4096], strides = [1, 1]} : vector<512x4096xf32> to vector<8x4096xf32>
      %add3A_1743 = vector.broadcast %broadcast_in_dim3A : vector<1x4096xf32> to vector<8x4096xf32>
      %add3A_1744 = arith.addf %add3A_1743, %slice3A_1742 : vector<8x4096xf32>
      %slice3A_1745 = vector.extract_strided_slice %mul3A_51 {offsets = [440, 0], sizes = [8, 1], strides = [1, 1]} : vector<512x1xf32> to vector<8x1xf32>
      %add3A_1746 = vector.broadcast %slice3A_1745 : vector<8x1xf32> to vector<8x4096xf32>
      %add3A_1747 = arith.addf %add3A_1744, %add3A_1746 : vector<8x4096xf32>
      %lt3A_1748 = arith.cmpf olt, %add3A_1747, %min3A_1735 : vector<8x4096xf32>
      %min3A_1749 = arith.minimumf %min3A_1735, %add3A_1747 : vector<8x4096xf32>
      %add3A_1750 = arith.constant 4.400000e+02 : f32
      %add3A_1751 = vector.broadcast %add3A_1750 : f32 to vector<8x1xf32>
      %add3A_1752 = arith.addf %convert_element_type3A, %add3A_1751 : vector<8x1xf32>
      %broadcast_in_dim3A_1753 = vector.shape_cast %add3A_1752 : vector<8x1xf32> to vector<8x1xf32>
      %broadcast_in_dim3A_1754 = vector.broadcast %broadcast_in_dim3A_1753 : vector<8x1xf32> to vector<8x4096xf32>
      %select_n3A_1755 = arith.select %lt3A_1748, %broadcast_in_dim3A_1754, %select_n3A_1741 : vector<8x4096xi1>, vector<8x4096xf32>
      %slice3A_1756 = vector.extract_strided_slice %dot_general3A_53 {offsets = [448, 0], sizes = [8, 4096], strides = [1, 1]} : vector<512x4096xf32> to vector<8x4096xf32>
      %add3A_1757 = vector.broadcast %broadcast_in_dim3A : vector<1x4096xf32> to vector<8x4096xf32>
      %add3A_1758 = arith.addf %add3A_1757, %slice3A_1756 : vector<8x4096xf32>
      %slice3A_1759 = vector.extract_strided_slice %mul3A_51 {offsets = [448, 0], sizes = [8, 1], strides = [1, 1]} : vector<512x1xf32> to vector<8x1xf32>
      %add3A_1760 = vector.broadcast %slice3A_1759 : vector<8x1xf32> to vector<8x4096xf32>
      %add3A_1761 = arith.addf %add3A_1758, %add3A_1760 : vector<8x4096xf32>
      %lt3A_1762 = arith.cmpf olt, %add3A_1761, %min3A_1749 : vector<8x4096xf32>
      %min3A_1763 = arith.minimumf %min3A_1749, %add3A_1761 : vector<8x4096xf32>
      %add3A_1764 = arith.constant 4.480000e+02 : f32
      %add3A_1765 = vector.broadcast %add3A_1764 : f32 to vector<8x1xf32>
      %add3A_1766 = arith.addf %convert_element_type3A, %add3A_1765 : vector<8x1xf32>
      %broadcast_in_dim3A_1767 = vector.shape_cast %add3A_1766 : vector<8x1xf32> to vector<8x1xf32>
      %broadcast_in_dim3A_1768 = vector.broadcast %broadcast_in_dim3A_1767 : vector<8x1xf32> to vector<8x4096xf32>
      %select_n3A_1769 = arith.select %lt3A_1762, %broadcast_in_dim3A_1768, %select_n3A_1755 : vector<8x4096xi1>, vector<8x4096xf32>
      %slice3A_1770 = vector.extract_strided_slice %dot_general3A_53 {offsets = [456, 0], sizes = [8, 4096], strides = [1, 1]} : vector<512x4096xf32> to vector<8x4096xf32>
      %add3A_1771 = vector.broadcast %broadcast_in_dim3A : vector<1x4096xf32> to vector<8x4096xf32>
      %add3A_1772 = arith.addf %add3A_1771, %slice3A_1770 : vector<8x4096xf32>
      %slice3A_1773 = vector.extract_strided_slice %mul3A_51 {offsets = [456, 0], sizes = [8, 1], strides = [1, 1]} : vector<512x1xf32> to vector<8x1xf32>
      %add3A_1774 = vector.broadcast %slice3A_1773 : vector<8x1xf32> to vector<8x4096xf32>
      %add3A_1775 = arith.addf %add3A_1772, %add3A_1774 : vector<8x4096xf32>
      %lt3A_1776 = arith.cmpf olt, %add3A_1775, %min3A_1763 : vector<8x4096xf32>
      %min3A_1777 = arith.minimumf %min3A_1763, %add3A_1775 : vector<8x4096xf32>
      %add3A_1778 = arith.constant 4.560000e+02 : f32
      %add3A_1779 = vector.broadcast %add3A_1778 : f32 to vector<8x1xf32>
      %add3A_1780 = arith.addf %convert_element_type3A, %add3A_1779 : vector<8x1xf32>
      %broadcast_in_dim3A_1781 = vector.shape_cast %add3A_1780 : vector<8x1xf32> to vector<8x1xf32>
      %broadcast_in_dim3A_1782 = vector.broadcast %broadcast_in_dim3A_1781 : vector<8x1xf32> to vector<8x4096xf32>
      %select_n3A_1783 = arith.select %lt3A_1776, %broadcast_in_dim3A_1782, %select_n3A_1769 : vector<8x4096xi1>, vector<8x4096xf32>
      %slice3A_1784 = vector.extract_strided_slice %dot_general3A_53 {offsets = [464, 0], sizes = [8, 4096], strides = [1, 1]} : vector<512x4096xf32> to vector<8x4096xf32>
      %add3A_1785 = vector.broadcast %broadcast_in_dim3A : vector<1x4096xf32> to vector<8x4096xf32>
      %add3A_1786 = arith.addf %add3A_1785, %slice3A_1784 : vector<8x4096xf32>
      %slice3A_1787 = vector.extract_strided_slice %mul3A_51 {offsets = [464, 0], sizes = [8, 1], strides = [1, 1]} : vector<512x1xf32> to vector<8x1xf32>
      %add3A_1788 = vector.broadcast %slice3A_1787 : vector<8x1xf32> to vector<8x4096xf32>
      %add3A_1789 = arith.addf %add3A_1786, %add3A_1788 : vector<8x4096xf32>
      %lt3A_1790 = arith.cmpf olt, %add3A_1789, %min3A_1777 : vector<8x4096xf32>
      %min3A_1791 = arith.minimumf %min3A_1777, %add3A_1789 : vector<8x4096xf32>
      %add3A_1792 = arith.constant 4.640000e+02 : f32
      %add3A_1793 = vector.broadcast %add3A_1792 : f32 to vector<8x1xf32>
      %add3A_1794 = arith.addf %convert_element_type3A, %add3A_1793 : vector<8x1xf32>
      %broadcast_in_dim3A_1795 = vector.shape_cast %add3A_1794 : vector<8x1xf32> to vector<8x1xf32>
      %broadcast_in_dim3A_1796 = vector.broadcast %broadcast_in_dim3A_1795 : vector<8x1xf32> to vector<8x4096xf32>
      %select_n3A_1797 = arith.select %lt3A_1790, %broadcast_in_dim3A_1796, %select_n3A_1783 : vector<8x4096xi1>, vector<8x4096xf32>
      %slice3A_1798 = vector.extract_strided_slice %dot_general3A_53 {offsets = [472, 0], sizes = [8, 4096], strides = [1, 1]} : vector<512x4096xf32> to vector<8x4096xf32>
      %add3A_1799 = vector.broadcast %broadcast_in_dim3A : vector<1x4096xf32> to vector<8x4096xf32>
      %add3A_1800 = arith.addf %add3A_1799, %slice3A_1798 : vector<8x4096xf32>
      %slice3A_1801 = vector.extract_strided_slice %mul3A_51 {offsets = [472, 0], sizes = [8, 1], strides = [1, 1]} : vector<512x1xf32> to vector<8x1xf32>
      %add3A_1802 = vector.broadcast %slice3A_1801 : vector<8x1xf32> to vector<8x4096xf32>
      %add3A_1803 = arith.addf %add3A_1800, %add3A_1802 : vector<8x4096xf32>
      %lt3A_1804 = arith.cmpf olt, %add3A_1803, %min3A_1791 : vector<8x4096xf32>
      %min3A_1805 = arith.minimumf %min3A_1791, %add3A_1803 : vector<8x4096xf32>
      %add3A_1806 = arith.constant 4.720000e+02 : f32
      %add3A_1807 = vector.broadcast %add3A_1806 : f32 to vector<8x1xf32>
      %add3A_1808 = arith.addf %convert_element_type3A, %add3A_1807 : vector<8x1xf32>
      %broadcast_in_dim3A_1809 = vector.shape_cast %add3A_1808 : vector<8x1xf32> to vector<8x1xf32>
      %broadcast_in_dim3A_1810 = vector.broadcast %broadcast_in_dim3A_1809 : vector<8x1xf32> to vector<8x4096xf32>
      %select_n3A_1811 = arith.select %lt3A_1804, %broadcast_in_dim3A_1810, %select_n3A_1797 : vector<8x4096xi1>, vector<8x4096xf32>
      %slice3A_1812 = vector.extract_strided_slice %dot_general3A_53 {offsets = [480, 0], sizes = [8, 4096], strides = [1, 1]} : vector<512x4096xf32> to vector<8x4096xf32>
      %add3A_1813 = vector.broadcast %broadcast_in_dim3A : vector<1x4096xf32> to vector<8x4096xf32>
      %add3A_1814 = arith.addf %add3A_1813, %slice3A_1812 : vector<8x4096xf32>
      %slice3A_1815 = vector.extract_strided_slice %mul3A_51 {offsets = [480, 0], sizes = [8, 1], strides = [1, 1]} : vector<512x1xf32> to vector<8x1xf32>
      %add3A_1816 = vector.broadcast %slice3A_1815 : vector<8x1xf32> to vector<8x4096xf32>
      %add3A_1817 = arith.addf %add3A_1814, %add3A_1816 : vector<8x4096xf32>
      %lt3A_1818 = arith.cmpf olt, %add3A_1817, %min3A_1805 : vector<8x4096xf32>
      %min3A_1819 = arith.minimumf %min3A_1805, %add3A_1817 : vector<8x4096xf32>
      %add3A_1820 = arith.constant 4.800000e+02 : f32
      %add3A_1821 = vector.broadcast %add3A_1820 : f32 to vector<8x1xf32>
      %add3A_1822 = arith.addf %convert_element_type3A, %add3A_1821 : vector<8x1xf32>
      %broadcast_in_dim3A_1823 = vector.shape_cast %add3A_1822 : vector<8x1xf32> to vector<8x1xf32>
      %broadcast_in_dim3A_1824 = vector.broadcast %broadcast_in_dim3A_1823 : vector<8x1xf32> to vector<8x4096xf32>
      %select_n3A_1825 = arith.select %lt3A_1818, %broadcast_in_dim3A_1824, %select_n3A_1811 : vector<8x4096xi1>, vector<8x4096xf32>
      %slice3A_1826 = vector.extract_strided_slice %dot_general3A_53 {offsets = [488, 0], sizes = [8, 4096], strides = [1, 1]} : vector<512x4096xf32> to vector<8x4096xf32>
      %add3A_1827 = vector.broadcast %broadcast_in_dim3A : vector<1x4096xf32> to vector<8x4096xf32>
      %add3A_1828 = arith.addf %add3A_1827, %slice3A_1826 : vector<8x4096xf32>
      %slice3A_1829 = vector.extract_strided_slice %mul3A_51 {offsets = [488, 0], sizes = [8, 1], strides = [1, 1]} : vector<512x1xf32> to vector<8x1xf32>
      %add3A_1830 = vector.broadcast %slice3A_1829 : vector<8x1xf32> to vector<8x4096xf32>
      %add3A_1831 = arith.addf %add3A_1828, %add3A_1830 : vector<8x4096xf32>
      %lt3A_1832 = arith.cmpf olt, %add3A_1831, %min3A_1819 : vector<8x4096xf32>
      %min3A_1833 = arith.minimumf %min3A_1819, %add3A_1831 : vector<8x4096xf32>
      %add3A_1834 = arith.constant 4.880000e+02 : f32
      %add3A_1835 = vector.broadcast %add3A_1834 : f32 to vector<8x1xf32>
      %add3A_1836 = arith.addf %convert_element_type3A, %add3A_1835 : vector<8x1xf32>
      %broadcast_in_dim3A_1837 = vector.shape_cast %add3A_1836 : vector<8x1xf32> to vector<8x1xf32>
      %broadcast_in_dim3A_1838 = vector.broadcast %broadcast_in_dim3A_1837 : vector<8x1xf32> to vector<8x4096xf32>
      %select_n3A_1839 = arith.select %lt3A_1832, %broadcast_in_dim3A_1838, %select_n3A_1825 : vector<8x4096xi1>, vector<8x4096xf32>
      %slice3A_1840 = vector.extract_strided_slice %dot_general3A_53 {offsets = [496, 0], sizes = [8, 4096], strides = [1, 1]} : vector<512x4096xf32> to vector<8x4096xf32>
      %add3A_1841 = vector.broadcast %broadcast_in_dim3A : vector<1x4096xf32> to vector<8x4096xf32>
      %add3A_1842 = arith.addf %add3A_1841, %slice3A_1840 : vector<8x4096xf32>
      %slice3A_1843 = vector.extract_strided_slice %mul3A_51 {offsets = [496, 0], sizes = [8, 1], strides = [1, 1]} : vector<512x1xf32> to vector<8x1xf32>
      %add3A_1844 = vector.broadcast %slice3A_1843 : vector<8x1xf32> to vector<8x4096xf32>
      %add3A_1845 = arith.addf %add3A_1842, %add3A_1844 : vector<8x4096xf32>
      %lt3A_1846 = arith.cmpf olt, %add3A_1845, %min3A_1833 : vector<8x4096xf32>
      %min3A_1847 = arith.minimumf %min3A_1833, %add3A_1845 : vector<8x4096xf32>
      %add3A_1848 = arith.constant 4.960000e+02 : f32
      %add3A_1849 = vector.broadcast %add3A_1848 : f32 to vector<8x1xf32>
      %add3A_1850 = arith.addf %convert_element_type3A, %add3A_1849 : vector<8x1xf32>
      %broadcast_in_dim3A_1851 = vector.shape_cast %add3A_1850 : vector<8x1xf32> to vector<8x1xf32>
      %broadcast_in_dim3A_1852 = vector.broadcast %broadcast_in_dim3A_1851 : vector<8x1xf32> to vector<8x4096xf32>
      %select_n3A_1853 = arith.select %lt3A_1846, %broadcast_in_dim3A_1852, %select_n3A_1839 : vector<8x4096xi1>, vector<8x4096xf32>
      %slice3A_1854 = vector.extract_strided_slice %dot_general3A_53 {offsets = [504, 0], sizes = [8, 4096], strides = [1, 1]} : vector<512x4096xf32> to vector<8x4096xf32>
      %add3A_1855 = vector.broadcast %broadcast_in_dim3A : vector<1x4096xf32> to vector<8x4096xf32>
      %add3A_1856 = arith.addf %add3A_1855, %slice3A_1854 : vector<8x4096xf32>
      %slice3A_1857 = vector.extract_strided_slice %mul3A_51 {offsets = [504, 0], sizes = [8, 1], strides = [1, 1]} : vector<512x1xf32> to vector<8x1xf32>
      %add3A_1858 = vector.broadcast %slice3A_1857 : vector<8x1xf32> to vector<8x4096xf32>
      %add3A_1859 = arith.addf %add3A_1856, %add3A_1858 : vector<8x4096xf32>
      %lt3A_1860 = arith.cmpf olt, %add3A_1859, %min3A_1847 : vector<8x4096xf32>
      %min3A_1861 = arith.minimumf %min3A_1847, %add3A_1859 : vector<8x4096xf32>
      %add3A_1862 = arith.constant 5.040000e+02 : f32
      %add3A_1863 = vector.broadcast %add3A_1862 : f32 to vector<8x1xf32>
      %add3A_1864 = arith.addf %convert_element_type3A, %add3A_1863 : vector<8x1xf32>
      %broadcast_in_dim3A_1865 = vector.shape_cast %add3A_1864 : vector<8x1xf32> to vector<8x1xf32>
      %broadcast_in_dim3A_1866 = vector.broadcast %broadcast_in_dim3A_1865 : vector<8x1xf32> to vector<8x4096xf32>
      %select_n3A_1867 = arith.select %lt3A_1860, %broadcast_in_dim3A_1866, %select_n3A_1853 : vector<8x4096xi1>, vector<8x4096xf32>
      %slice3A_1868 = vector.extract_strided_slice %min3A_1861 {offsets = [0, 0], sizes = [4, 4096], strides = [1, 1]} : vector<8x4096xf32> to vector<4x4096xf32>
      %slice3A_1869 = vector.extract_strided_slice %min3A_1861 {offsets = [4, 0], sizes = [4, 4096], strides = [1, 1]} : vector<8x4096xf32> to vector<4x4096xf32>
      %slice3A_1870 = vector.extract_strided_slice %select_n3A_1867 {offsets = [0, 0], sizes = [4, 4096], strides = [1, 1]} : vector<8x4096xf32> to vector<4x4096xf32>
      %slice3A_1871 = vector.extract_strided_slice %select_n3A_1867 {offsets = [4, 0], sizes = [4, 4096], strides = [1, 1]} : vector<8x4096xf32> to vector<4x4096xf32>
      %lt3A_1872 = arith.cmpf olt, %slice3A_1869, %slice3A_1868 : vector<4x4096xf32>
      %eq3A_1873 = arith.cmpf oeq, %slice3A_1869, %slice3A_1868 : vector<4x4096xf32>
      %lt3A_1874 = arith.cmpf olt, %slice3A_1871, %slice3A_1870 : vector<4x4096xf32>
      %and3A_1875 = arith.andi %eq3A_1873, %lt3A_1874 : vector<4x4096xi1>
      %or3A_1876 = arith.ori %lt3A_1872, %and3A_1875 : vector<4x4096xi1>
      %select_n3A_1877 = arith.select %or3A_1876, %slice3A_1869, %slice3A_1868 : vector<4x4096xi1>, vector<4x4096xf32>
      %select_n3A_1878 = arith.select %or3A_1876, %slice3A_1871, %slice3A_1870 : vector<4x4096xi1>, vector<4x4096xf32>
      %slice3A_1879 = vector.extract_strided_slice %select_n3A_1877 {offsets = [0, 0], sizes = [2, 4096], strides = [1, 1]} : vector<4x4096xf32> to vector<2x4096xf32>
      %slice3A_1880 = vector.extract_strided_slice %select_n3A_1877 {offsets = [2, 0], sizes = [2, 4096], strides = [1, 1]} : vector<4x4096xf32> to vector<2x4096xf32>
      %slice3A_1881 = vector.extract_strided_slice %select_n3A_1878 {offsets = [0, 0], sizes = [2, 4096], strides = [1, 1]} : vector<4x4096xf32> to vector<2x4096xf32>
      %slice3A_1882 = vector.extract_strided_slice %select_n3A_1878 {offsets = [2, 0], sizes = [2, 4096], strides = [1, 1]} : vector<4x4096xf32> to vector<2x4096xf32>
      %lt3A_1883 = arith.cmpf olt, %slice3A_1880, %slice3A_1879 : vector<2x4096xf32>
      %eq3A_1884 = arith.cmpf oeq, %slice3A_1880, %slice3A_1879 : vector<2x4096xf32>
      %lt3A_1885 = arith.cmpf olt, %slice3A_1882, %slice3A_1881 : vector<2x4096xf32>
      %and3A_1886 = arith.andi %eq3A_1884, %lt3A_1885 : vector<2x4096xi1>
      %or3A_1887 = arith.ori %lt3A_1883, %and3A_1886 : vector<2x4096xi1>
      %select_n3A_1888 = arith.select %or3A_1887, %slice3A_1880, %slice3A_1879 : vector<2x4096xi1>, vector<2x4096xf32>
      %select_n3A_1889 = arith.select %or3A_1887, %slice3A_1882, %slice3A_1881 : vector<2x4096xi1>, vector<2x4096xf32>
      %slice3A_1890 = vector.extract_strided_slice %select_n3A_1888 {offsets = [0, 0], sizes = [1, 4096], strides = [1, 1]} : vector<2x4096xf32> to vector<1x4096xf32>
      %slice3A_1891 = vector.extract_strided_slice %select_n3A_1888 {offsets = [1, 0], sizes = [1, 4096], strides = [1, 1]} : vector<2x4096xf32> to vector<1x4096xf32>
      %slice3A_1892 = vector.extract_strided_slice %select_n3A_1889 {offsets = [0, 0], sizes = [1, 4096], strides = [1, 1]} : vector<2x4096xf32> to vector<1x4096xf32>
      %slice3A_1893 = vector.extract_strided_slice %select_n3A_1889 {offsets = [1, 0], sizes = [1, 4096], strides = [1, 1]} : vector<2x4096xf32> to vector<1x4096xf32>
      %lt3A_1894 = arith.cmpf olt, %slice3A_1891, %slice3A_1890 : vector<1x4096xf32>
      %eq3A_1895 = arith.cmpf oeq, %slice3A_1891, %slice3A_1890 : vector<1x4096xf32>
      %lt3A_1896 = arith.cmpf olt, %slice3A_1893, %slice3A_1892 : vector<1x4096xf32>
      %and3A_1897 = arith.andi %eq3A_1895, %lt3A_1896 : vector<1x4096xi1>
      %or3A_1898 = arith.ori %lt3A_1894, %and3A_1897 : vector<1x4096xi1>
      %select_n3A_1899 = arith.select %or3A_1898, %slice3A_1891, %slice3A_1890 : vector<1x4096xi1>, vector<1x4096xf32>
      %select_n3A_1900 = arith.select %or3A_1898, %slice3A_1893, %slice3A_1892 : vector<1x4096xi1>, vector<1x4096xf32>
      %mul3A_1901 = arith.constant 512 : i32
      %mul3A_1902 = arith.muli %add3A_20, %mul3A_1901 : i32
      %convert_element_type3A_1903 = arith.sitofp %mul3A_1902 : i32 to f32
      %add3A_1904 = vector.broadcast %convert_element_type3A_1903 : f32 to vector<1x4096xf32>
      %add3A_1905 = arith.addf %select_n3A_1900, %add3A_1904 : vector<1x4096xf32>
      %lt3A_1906 = arith.cmpf olt, %select_n3A_1899, %select_n3A_976 : vector<1x4096xf32>
      %select_n3A_1907 = arith.select %lt3A_1906, %select_n3A_1899, %select_n3A_976 : vector<1x4096xi1>, vector<1x4096xf32>
      %select_n3A_1908 = arith.select %lt3A_1906, %add3A_1905, %select_n3A_977 : vector<1x4096xi1>, vector<1x4096xf32>
      scf.yield %select_n3A_1907, %select_n3A_1908 : vector<1x4096xf32>, vector<1x4096xf32>
    }
    %scan3A_11 = arith.constant 8 : i32
    %convert_element_type3A_12 = arith.fptosi %scan3A_10#1 : vector<1x4096xf32> to vector<1x4096xi32>
    %swap3A = arith.constant 0 : index
    %swap3A_13 = arith.constant 0 : index
    %swap3A_14 = vector.load %arg2[%swap3A, %swap3A_13] : memref<1x4096xi32, #tpu.memory_space<vmem>>, vector<1x4096xi32>
    tpu.vector_store %arg2[%swap3A, %swap3A_13], %convert_element_type3A_12 {strides = array<i32>} : memref<1x4096xi32, #tpu.memory_space<vmem>>, vector<1x4096xi32>,
    return
  }
}

module attributes {stable_mosaic.version = 14 : i64} {
  func.func @_dec_body(%arg0: memref<64x2048xf32, #tpu.memory_space<vmem>>, %arg1: memref<64x2048xf32, #tpu.memory_space<vmem>>, %arg2: memref<2048x2048xf32, #tpu.memory_space<vmem>>, %arg3: memref<1x2048xf32, #tpu.memory_space<vmem>>, %arg4: memref<2048x768xf32, #tpu.memory_space<vmem>>, %arg5: memref<1x768xf32, #tpu.memory_space<vmem>>, %arg6: memref<64x768xf32, #tpu.memory_space<vmem>>, %arg7: memref<1x1xf32, #tpu.memory_space<vmem>>) attributes {dimension_semantics = [], scalar_prefetch = 0 : i64, scratch_operands = 0 : i64, tpu.core_type = #tpu.core_type<tc>} {
    %get3A = arith.constant 0 : index
    %get3A_0 = arith.constant 0 : index
    %get3A_1 = vector.load %arg0[%get3A, %get3A_0] : memref<64x2048xf32, #tpu.memory_space<vmem>>, vector<64x2048xf32>
    %get3A_2 = arith.constant 0 : index
    %get3A_3 = arith.constant 0 : index
    %get3A_4 = vector.load %arg1[%get3A_2, %get3A_3] : memref<64x2048xf32, #tpu.memory_space<vmem>>, vector<64x2048xf32>
    %sub3A = arith.subf %get3A_1, %get3A_4 : vector<64x2048xf32>
    %mul3A = arith.mulf %sub3A, %sub3A : vector<64x2048xf32>
    %reduce_sum3A = vector.shape_cast %mul3A : vector<64x2048xf32> to vector<1x64x2048xf32>
    %reduce_sum3A_5 = arith.constant dense<0.000000e+00> : vector<1xf32>
    %reduce_sum3A_6 = vector.multi_reduction <add>, %reduce_sum3A, %reduce_sum3A_5 [1, 2] : vector<1x64x2048xf32> to vector<1xf32>
    %reduce_sum3A_7 = vector.shape_cast %reduce_sum3A_6 : vector<1xf32> to vector<1x1x1xf32>
    %reduce_sum3A_8 = vector.extract %reduce_sum3A_7[0, 0, 0] : f32 from vector<1x1x1xf32>
    %div3A = arith.constant 1.310720e+05 : f32
    %div3A_9 = arith.divf %reduce_sum3A_8, %div3A : f32
    %mul3A_10 = arith.constant 2.500000e-01 : f32
    %mul3A_11 = arith.mulf %mul3A_10, %div3A_9 : f32
    %add3A = arith.addf %div3A_9, %mul3A_11 : f32
    %reshape3A = vector.broadcast %add3A : f32 to vector<1x1xf32>
    %swap3A = arith.constant 0 : index
    %swap3A_12 = arith.constant 0 : index
    %swap3A_13 = vector.load %arg7[%swap3A, %swap3A_12] : memref<1x1xf32, #tpu.memory_space<vmem>>, vector<1x1xf32>
    tpu.vector_store %arg7[%swap3A, %swap3A_12], %reshape3A {strides = array<i32>} : memref<1x1xf32, #tpu.memory_space<vmem>>, vector<1x1xf32>,
    %sub3A_14 = arith.subf %get3A_4, %get3A_1 : vector<64x2048xf32>
    %add3A_15 = arith.addf %get3A_1, %sub3A_14 : vector<64x2048xf32>
    %get3A_16 = arith.constant 0 : index
    %get3A_17 = arith.constant 0 : index
    %get3A_18 = vector.load %arg2[%get3A_16, %get3A_17] : memref<2048x2048xf32, #tpu.memory_space<vmem>>, vector<2048x2048xf32>
    %dot_general3A = arith.constant dense<0.000000e+00> : vector<64x2048xf32>
    %dot_general3A_19 = tpu.matmul %add3A_15, %get3A_18, %dot_general3A {dimension_numbers = #tpu.dot_dimension_numbers<[1], [0], [0], [1], [0, 0, 1, 1], [], []>, transpose_lhs_hint = false} : vector<64x2048xf32>, vector<2048x2048xf32>, vector<64x2048xf32> -> vector<64x2048xf32>
    %get3A_20 = arith.constant 0 : index
    %get3A_21 = arith.constant 0 : index
    %get3A_22 = vector.load %arg3[%get3A_20, %get3A_21] : memref<1x2048xf32, #tpu.memory_space<vmem>>, vector<1x2048xf32>
    %add3A_23 = vector.broadcast %get3A_22 : vector<1x2048xf32> to vector<64x2048xf32>
    %add3A_24 = arith.addf %dot_general3A_19, %add3A_23 : vector<64x2048xf32>
    %max3A = arith.constant 0.000000e+00 : f32
    %max3A_25 = vector.broadcast %max3A : f32 to vector<64x2048xf32>
    %max3A_26 = arith.maximumf %add3A_24, %max3A_25 : vector<64x2048xf32>
    %get3A_27 = arith.constant 0 : index
    %get3A_28 = arith.constant 0 : index
    %get3A_29 = vector.load %arg4[%get3A_27, %get3A_28] : memref<2048x768xf32, #tpu.memory_space<vmem>>, vector<2048x768xf32>
    %dot_general3A_30 = arith.constant dense<0.000000e+00> : vector<64x768xf32>
    %dot_general3A_31 = tpu.matmul %max3A_26, %get3A_29, %dot_general3A_30 {dimension_numbers = #tpu.dot_dimension_numbers<[1], [0], [0], [1], [0, 0, 1, 1], [], []>, transpose_lhs_hint = false} : vector<64x2048xf32>, vector<2048x768xf32>, vector<64x768xf32> -> vector<64x768xf32>
    %get3A_32 = arith.constant 0 : index
    %get3A_33 = arith.constant 0 : index
    %get3A_34 = vector.load %arg5[%get3A_32, %get3A_33] : memref<1x768xf32, #tpu.memory_space<vmem>>, vector<1x768xf32>
    %add3A_35 = vector.broadcast %get3A_34 : vector<1x768xf32> to vector<64x768xf32>
    %add3A_36 = arith.addf %dot_general3A_31, %add3A_35 : vector<64x768xf32>
    %swap3A_37 = arith.constant 0 : index
    %swap3A_38 = arith.constant 0 : index
    %swap3A_39 = vector.load %arg6[%swap3A_37, %swap3A_38] : memref<64x768xf32, #tpu.memory_space<vmem>>, vector<64x768xf32>
    tpu.vector_store %arg6[%swap3A_37, %swap3A_38], %add3A_36 {strides = array<i32>} : memref<64x768xf32, #tpu.memory_space<vmem>>, vector<64x768xf32>,
    return
  }
}

</mosaic_0001>

<sc_bundles>
// kernel: kernel.6.cloned.1.call-start
scs
__scs_entry_jumppad:
0x0: {  	(pc) =	sbr.rel $0x88, $3  }
0x1: {  	(tag) =	ssettag $0x0;
	lr =	simm.s32 $0x1  }
0x2: {  	[smem:$0x3F96] =	sst lr;
	_ =	strace $0xD0000000  }
0x3: {  	_ = 	snop  }
0x4: {  	_ = 	snop  }
0x5: {  	_ = 	snop  }
0x6: {  	_ = 	snop  }
0x7: {  	_ = 	snop  }
__scs_overlays_trampoline_lowered:
0x8: {  	[smem:$0x3FA5] =	sst s0  }
0x9: {  	[smem:$0x3FA6] =	sst s1  }
0xa: {  	[smem:$0x3FA7] =	sst s2  }
0xb: {  	[smem:$0x3FA8] =	sst s3  }
0xc: {  	[smem:$0x3FA9] =	sst s4  }
0xd: {  	[smem:$0x3FAA] =	sst s5  }
0xe: {  	[smem:$0x3FAB] =	sst s6  }
0xf: {  	[smem:$0x3FAC] =	sst s7  }
0x10: {  	[smem:$0x3FAD] =	sst s8  }
0x11: {  	[smem:$0x3FAE] =	sst s9;
	s0 =	simm.s32 @!p0 $0x0  }
0x12: {  	s1 =	sld [smem:$0x3F94];
	s0 =	simm.s32 @p0 $0x1  }
0x13: {  	[smem:$0x3FAF] =	sst s0;
	s0 =	simm.s32 @!p1 $0x0  }
0x14: {  	s2 =	sld [smem:$0x3F93];
	s0 =	simm.s32 @p1 $0x1  }
0x15: {  	[smem:$0x3FB0] =	sst s0;
	s0 =	simm.s32 @!p2 $0x0  }
0x16: {  	s3 =	sld [smem:$0x3FDB];
	s0 =	simm.s32 @p2 $0x1  }
0x17: {  	s4 =	simm.s32 $0x1BF5;
	[smem:$0x3FB2] =	sst s0  }
0x18: {  	s0 =	sld [smem:$0x3F95];
	_ =	swait.ge [sflag:s4], $0x0  }
0x19: {  	s7 =	sld [smem:$0x3F96]  }
0x1a: {  	s8 =	sadd.s32 $0xFFFFE003, lr  }
0x1b: {  	s9 =	sadd.s32 $0xFFFFFEF7, lr;
	s5 =	simm.s32 $0xFFFFFFFF;
	p2 =	slt.u32 s8, $0xFFFFF086  }
0x1c: {  	p1 =	slt.u32 s9, $0xF7A;
	s5 =	simm.s32 @!p2 $0x0  }
0x1d: {  	s5 =	simm.s32 @p1 $0x1;
	p0 =	seq.s32 s7, s2  }
0x1e: {  	s7 =	smul.u32 @!p0 $0xF7A, s2;
	p2 =	seq.s32 @!p0 s5, $0x0  }
0x1f: {  	s9 =	smul.u32 $0xF7A, s1;
	s8 =	simm.s32 @!p0 $0x1BF5;
	p2 =	por !p2, p0  }
0x20: {  	[sflag:s8] =	ssyncset.s32 @!p0 $0xFFFFF086;
	s6 =	sadd.s32 @!p0 s3, s7;
	s7 =	simm.s32 @!p0 $0x108  }
0x21: {  	s3 =	sadd.s32 s3, s9;
	s6 =	sadd.s32 @!p0 $0x88, s6;
	s7 =	simm.s32 @p2 $0x1082  }
0x22: {  	[simem:s7], [sflag:s8] =	dma.local @!p0 [hbm:s6], $0xF7A  }
0x23: {  	s9 =	sor.u32 $0xD0000000, s2;
	s6 =	simm.s32 $0x108;
	_ =	swait.ge @!p0 [sflag:s8], $0x0  }
0x24: {  	s3 =	sadd.s32 $0x88, s3;
	s6 =	simm.s32 @!p1 $0x1082;
	[sflag:s4] =	ssyncset.s32 $0xFFFFF086  }
0x25: {  	[simem:s6], [sflag:s4] =	dma.local [hbm:s3], $0xF7A  }
0x26: {  	[smem:$0x3F96] =	sst s1;
	(tag) =	ssettag s2;
	_ =	strace s9  }
0x27: {  	s1 =	sld [smem:$0x3FA6]  }
0x28: {  	s2 =	sld [smem:$0x3FA7]  }
0x29: {  	s4 =	sld [smem:$0x3FA9]  }
0x2a: {  	p0 =	seq.s32 s5, $0x0;
	s5 =	sld [smem:$0x3FAA]  }
0x2b: {  	s6 =	sld [smem:$0x3FAB]  }
0x2c: {  	s7 =	sld [smem:$0x3FAC]  }
0x2d: {  	s3 =	simm.s32 $0x108;
	s8 =	sld [smem:$0x3FAD]  }
0x2e: {  	s3 =	simm.s32 @!p0 $0x1082;
	s9 =	sld [smem:$0x3FAE]  }
0x2f: {  	lr =	sadd.s32 s0, s3;
	s0 =	sld [smem:$0x3FA5]  }
0x30: {  	s3 =	sld [smem:$0x3FA8]  }
0x31: {  	[smem:$0x3FB1] =	sst s10  }
0x32: {  	s10 =	sld [smem:$0x3FAF];
	_ =	sdelay $0x3  }
0x33: {  	p0 =	seq.s32 s10, $0x1;
	s10 =	sld [smem:$0x3FB1];
	_ =	sdelay $0x3  }
0x34: {  	[smem:$0x3FB1] =	sst s10  }
0x35: {  	s10 =	sld [smem:$0x3FB0];
	_ =	sdelay $0x3  }
0x36: {  	p1 =	seq.s32 s10, $0x1;
	s10 =	sld [smem:$0x3FB1];
	_ =	sdelay $0x3  }
0x37: {  	[smem:$0x3FB1] =	sst s10  }
0x38: {  	s10 =	sld [smem:$0x3FB2]  }
0x39: {  	_ = 	snop;
	(pc) =	sbr.ind lr, $3  }
0x3a: {  	_ = 	snop  }
0x3b: {  	_ = 	snop  }
0x3c: {  	p2 =	seq.s32 s10, $0x1;
	s10 =	sld [smem:$0x3FB1]  }
0x3d: {  	_ =	shalt  }
0x3e: {  	_ =	shalt  }
0x3f: {  	_ =	shalt  }
0x40: {  	_ =	shalt  }
0x41: {  	_ =	shalt  }
0x42: {  	_ =	shalt  }
0x43: {  	_ =	shalt  }
0x44: {  	_ =	shalt  }
0x45: {  	_ =	shalt  }
0x46: {  	_ =	shalt  }
0x47: {  	_ =	shalt  }
0x48: {  	_ =	shalt  }
0x49: {  	_ =	shalt  }
0x4a: {  	_ =	shalt  }
0x4b: {  	_ =	shalt  }
0x4c: {  	_ =	shalt  }
0x4d: {  	_ =	shalt  }
0x4e: {  	_ =	shalt  }
0x4f: {  	_ =	shalt  }
0x50: {  	_ =	shalt  }
0x51: {  	_ =	shalt  }
0x52: {  	_ =	shalt  }
0x53: {  	_ =	shalt  }
0x54: {  	_ =	shalt  }
0x55: {  	_ =	shalt  }
0x56: {  	_ =	shalt  }
0x57: {  	_ =	shalt  }
0x58: {  	_ =	shalt  }
0x59: {  	_ =	shalt  }
0x5a: {  	_ =	shalt  }
0x5b: {  	_ =	shalt  }
0x5c: {  	_ =	shalt  }
0x5d: {  	_ =	shalt  }
0x5e: {  	_ =	shalt  }
0x5f: {  	_ =	shalt  }
0x60: {  	_ =	shalt  }
0x61: {  	_ =	shalt  }
0x62: {  	_ =	shalt  }
0x63: {  	_ =	shalt  }
0x64: {  	_ =	shalt  }
0x65: {  	_ =	shalt  }
0x66: {  	_ =	shalt  }
0x67: {  	_ =	shalt  }
0x68: {  	_ =	shalt  }
0x69: {  	_ =	shalt  }
0x6a: {  	_ =	shalt  }
0x6b: {  	_ =	shalt  }
0x6c: {  	_ =	shalt  }
0x6d: {  	_ =	shalt  }
0x6e: {  	_ =	shalt  }
0x6f: {  	_ =	shalt  }
0x70: {  	_ =	shalt  }
0x71: {  	_ =	shalt  }
0x72: {  	_ =	shalt  }
0x73: {  	_ =	shalt  }
0x74: {  	_ =	shalt  }
0x75: {  	_ =	shalt  }
0x76: {  	_ =	shalt  }
0x77: {  	_ =	shalt  }
0x78: {  	_ =	shalt  }
0x79: {  	_ =	shalt  }
0x7a: {  	_ =	shalt  }
0x7b: {  	_ =	shalt  }
0x7c: {  	_ =	shalt  }
0x7d: {  	_ =	shalt  }
0x7e: {  	_ =	shalt  }
0x7f: {  	_ =	shalt  }
0x80: {  	_ =	shalt  }
0x81: {  	_ =	shalt  }
0x82: {  	_ =	shalt  }
0x83: {  	_ =	shalt  }
0x84: {  	_ =	shalt  }
0x85: {  	_ =	shalt  }
0x86: {  	_ =	shalt  }
0x87: {  	_ =	shalt  }
.Lfunc_end0:
.L_simem_size_0:
called_computation_lowered:
.L_overlay_start_0:
0x88: {  	s2 =	sld [smem:$0x3FD9]  }
0x89: {  	s3 =	sld [smem:$0x3FFE];
	_ =	sdelay $0x1  }
0x8a: {  	s1 =	srdreg.scid  }
0x8b: {  	s0 =	sand.u32 $0x1, s1  }
0x8c: {  	s14 =	sshll.u32 s0, $0xA;
	s2 =	sadd.s32 s3, s2  }
0x8d: {  	s2 =	sadd.s32 s2, s14  }
0x8e: {  	[smem:$0x3FBD] =	sst s2  }
0x8f: {  	_ = 	snop  }
0x90: {  	s2 =	sld [smem:$0x3FD0];
	_ =	sdelay $0x2  }
0x91: {  	s15 =	simm.s32 $0xA;
	s4 =	simm.s32 $0x10  }
0x92: {  	[smem:s4], [sflag:s15] =	dma.local [hbm:s2], $0x1  }
0x93: {  	_ =	swait.eq [sflag:s15], $0x1  }
0x94: {  	[sflag:s15] =	ssyncset.done $0x0  }
0x95: {  	[sflag:s15] =	ssyncadd.s32 $0xFFFFFFFF  }
0x96: {  	s16 =	sld [smem:$0x10];
	(tm) =	ssettm $0x1  }
0x97: {  	s17 =	sld [smem:$0x3FFB];
	_ =	sdelay $0x3  }
0x98: {  	_ =	strace s17  }
0x99: {  	s3 =	sld [smem:$0x3FFC];
	_ =	sdelay $0x3  }
0x9a: {  	_ =	strace s3  }
0x9b: {  	s3 =	sld [smem:$0x3FFD];
	_ =	sdelay $0x3  }
0x9c: {  	_ =	strace s3  }
0x9d: {  	_ =	strace $0x8FFFFFFF  }
0x9e: {  	s18 =	sld [smem:$0x3FDB];
	_ =	sdelay $0x1  }
0x9f: {  	s19 =	simm.s32 $_scs_section_size  }
0xa0: {  	s5 =	simm.s32 $_size__tile_overlayer_lowered;
	s6 =	simm.s32 $_tile_overlayer_lowered  }
0xa1: {  	s22 =	simm.s32 $0x1BFF;
	s21 =	sshll.u32 s6, $0x1;
	s3 =	sadd.s32 s19, s18  }
0xa2: {  	s7 =	simm.s32 $0x0;
	s20 =	sshll.u32 s5, $0x1;
	s5 =	sadd.s32 s21, s3  }
0xa3: {  	[timem:s7], [sflag:s22] =	dma.local [hbm:s5], s20  }
0xa4: {  	_ =	swait.ge [sflag:s22], s20  }
0xa5: {  	s4 =	ssub.s32 $0x0, s20;
	[sflag:s22] =	ssyncset.done $0x0  }
0xa6: {  	[sflag:s22] =	ssyncadd.s32 s4;
	_ =	sdelay $0x1  }
0xa7: {  	s23 =	simm.s32 $0x1B8B  }
0xa8: {  	_ =	swait.ge [sflag:s23], $0x1  }
0xa9: {  	[sflag:s23] =	ssyncset.done $0x0  }
0xaa: {  	s25 =	simm.s32 $0x1B8E;
	s24 =	sld [smem:$0x3FFE];
	[sflag:s23] =	ssyncadd.s32 $0xFFFFFFFF  }
0xab: {  	s26 =	simm.s32 $execute0_lowered;
	[smem:$0x3FD2] =	sst s25  }
0xac: {  	s5 =	sshll.u32 s26, $0x1;
	_ =	strace $0x80000046;
	[dreg:$0x1] =	wrdreg $0xFFFFFFFF  }
0xad: {  	s28 =	simm.s32 $_size_execute0_lowered;
	s3 =	sadd.s32 s3, s5;
	[dreg:$0x0] =	wrdreg $0x0  }
0xae: {  	s5 =	sshll.u32 s28, $0x1;
	[dreg:$0x2] =	wrdreg s3  }
0xaf: {  	[dreg:$0x3] =	wrdreg s5  }
0xb0: {  	[dreg:$0x4] =	wrdreg $0xC0  }
0xb1: {  	_ =	task [dreg:s7], $0x5FFFF  }
0xb2: {  	[dreg:$0x1] =	wrdreg $0xFFFFFFFF  }
0xb3: {  	[dreg:$0x0] =	wrdreg $0x60  }
0xb4: {  	[dreg:$0x2] =	wrdreg s24  }
0xb5: {  	[dreg:$0x3] =	wrdreg s16  }
0xb6: {  	[dreg:$0x4] =	wrdreg $0x9  }
0xb7: {  	_ =	task.clear_ibuf [dreg:s7], $0x5FFFF;
	_ =	strace $0x90000046  }
0xb8: {  	s29 =	simm.s32 $0x9;
	_ =	strace $0x8000004D  }
0xb9: {  	_ =	swait.ge [sflag:s29], $0x1  }
0xba: {  	[sflag:s29] =	ssyncadd.s32 $0xFFFFFFFF  }
0xbb: {  	_ =	strace $0x9000004D  }
0xbc: {  	_ =	sfence  }
0xbd: {  	s30 =	sld [smem:$0x0];
	_ =	sdelay $0x2  }
0xbe: {  	s31 =	sshll.u32 s1, $0xD;
	s1 =	sshrl.u32 s1, $0x2  }
0xbf: {  	s3 =	sand.u32 $0x4000, s31;
	s1 =	sadd.s32 s1, s30  }
0xc0: {  	s0 =	sor.u32 s3, s0;
	s1 =	sshll.u32 s1, $0x11  }
0xc1: {  	s0 =	sor.u32 s1, s0  }
0xc2: {  	s0 =	sadd.s32 $0x8F2B, s0  }
0xc3: {  	[sflag:s0] =	ssyncadd.remote.s32 $0x1  }
0xc4: {  	_ =	sfence.sel $0xFFFF  }
0xc5: {  	[dreg:$0x0] =	wrdreg $0xFFFFFFFF;
	(pc) =	sbr.abs _section_cstart, $3  }
0xc6: {  	[dreg:$0x1] =	wrdreg $0xFFFFFFFF  }
0xc7: {  	_ =	task.clear_ibuf [dreg:s7], $0x2FFFF;
	_ =	strace $0x9FFFFFFF  }
0xc8: {  	(tm) =	ssettm $0x7FFFFFFF  }
0xc9: {  	_ =	shalt  }
tec
execute0_lowered:
.L_overlay_start_1:
0x0: {  	(tag) =	ssettag $0x1  }
0x1: {  	s9 =	rddreg [dreg:$0x0];
	s2 =	srdreg.scid  }
0x2: {  	s3 =	rddreg [dreg:$0x1];
	s1 =	stileid.u32;
	s10 =	sand.u32 $0x1, s2  }
0x3: {  	s2 =	simm.s32 $0x0;
	s5 =	sshll.u32 s1, $0x7;
	s4 =	sshll.u32 s10, $0xB  }
0x4: {  	[smem:$0x7FF] =	sst s2;
	s11 =	sor.u32 s5, s4  }
0x5: {  	s0 =	rddreg [dreg:$0x2];
	_ =	strace $0x80000047;
	s4 =	sshrl.u32 s11, $0x3  }
0x6: {  	_ =	strace $0x80000048;
	s3 =	sadd.s32 s3, s4  }
0x7: {  	[tilespmem:s2], [sflag:$0x1] =	stream.linear.gather [hbm4b:s3+s2], $0x80, $0x200038;
	[tilespmem:$0x8100] =	vst v63  }
0x8: {  	_ =	strace $0x90000048  }
0x9: {  	s4 =	simm.s32 $0x1;
	_ =	strace $0x80000049  }
0xa: {  	_ =	swait.ge [sflag:s4], $0x80  }
0xb: {  	[sflag:s4] =	ssyncset.done $0x0  }
0xc: {  	[sflag:s4] =	ssyncadd.s32 $0xFFFFFF80  }
0xd: {  	s6 =	simm.s32 $0x80;
	s7 =	simm.s32 $0x100;
	_ =	strace $0x90000049  }
0xe: {  	s8 =	simm.s32 $0x5;
	s5 =	sadd.s32 $0x1C00, s9;
	_ =	strace $0x8000004A  }
0xf: {  	[tilespmem:s7], [sflag:$0x5] =	stream.indirect.gather [hbm4b:s5+s6], $0x80, s2, s6, $0x2000b8;
	[tilespmem:$0x8100] =	vst v63  }
0x10: {  	s10 =	ssub.s32 $0x2, s10;
	_ =	swait.ge [sflag:s8], $0x4000  }
0x11: {  	s31 =	sshrl.u32 s10, $0x1;
	s11 =	sshll.u32 s11, $0x4;
	[sflag:s8] =	ssyncset.done $0x0  }
0x12: {  	s9 =	sadd.s32 s11, s9;
	s11 =	ssub.s32 s10, s31;
	[sflag:s8] =	ssyncadd.s32 $0xFFFFC000  }
0x13: {  	s11 =	smax.u32 s11, $0x1;
	_ =	strace $0x9000004A  }
0x14: {  	s9 =	sadd.s32 $0x21C00, s9;
	p0 =	sne.s32 s11, $0x1;
	_ =	strace $0x8000004B  }
0x15: {  	[hbm4b:s9+s2] =	stream.linear.scatter [tilespmem:s7], [sflag:$0x3], $0x4000, $0x200038;
	[tilespmem:$0x8100] =	vst v63  }
.Ltmp0:
0x16: {  	_ =	strace $0x9000004B;
	(pc) =	sbr.rel @!p0 .LBB2_2-.Ltmp0, $4  }
0x17: {  	s10 =	simm.s32 $0x3;
	_ =	strace $0x8000004C  }
0x18: {  	_ =	swait.ge [sflag:s10], $0x4000  }
0x19: {  	[sflag:s10] =	ssyncset.done $0x0  }
0x1a: {  	s11 =	sadd.s32 $0xFFFFFFFF, s11;
	[sflag:s10] =	ssyncadd.s32 $0xFFFFC000  }
.LBB2_1:
0x1b: {  	p0 =	sne.s32 s11, $0x1;
	s11 =	sadd.s32 $0xFFFFFFFF, s11;
	_ =	strace $0x9000004C  }
0x1c: {  	_ =	strace $0x80000048  }
0x1d: {  	[tilespmem:s2], [sflag:$0x1] =	stream.linear.gather [hbm4b:s3+s2], $0x80, $0x200038;
	[tilespmem:$0x8100] =	vst v63  }
0x1e: {  	_ =	strace $0x90000048  }
0x1f: {  	_ =	strace $0x80000049  }
0x20: {  	_ =	swait.ge [sflag:s4], $0x80  }
0x21: {  	[sflag:s4] =	ssyncset.done $0x0  }
0x22: {  	[sflag:s4] =	ssyncadd.s32 $0xFFFFFF80  }
0x23: {  	_ =	strace $0x90000049  }
0x24: {  	_ =	strace $0x8000004A  }
0x25: {  	[tilespmem:s7], [sflag:$0x5] =	stream.indirect.gather [hbm4b:s5+s6], $0x80, s2, s6, $0x2000b8;
	[tilespmem:$0x8100] =	vst v63  }
0x26: {  	_ =	swait.ge [sflag:s8], $0x4000  }
0x27: {  	[sflag:s8] =	ssyncset.done $0x0  }
0x28: {  	[sflag:s8] =	ssyncadd.s32 $0xFFFFC000  }
0x29: {  	_ =	strace $0x9000004A  }
0x2a: {  	_ =	strace $0x8000004B  }
0x2b: {  	[hbm4b:s9+s2] =	stream.linear.scatter [tilespmem:s7], [sflag:$0x3], $0x4000, $0x200038;
	[tilespmem:$0x8100] =	vst v63  }
.Ltmp1:
0x2c: {  	_ =	strace $0x9000004B;
	(pc) =	sbr.rel @p0 .LBB2_1-.Ltmp1, $4  }
0x2d: {  	_ =	strace $0x8000004C  }
0x2e: {  	_ =	swait.ge [sflag:s10], $0x4000  }
0x2f: {  	[sflag:s10] =	ssyncset.done $0x0  }
0x30: {  	[sflag:s10] =	ssyncadd.s32 $0xFFFFC000  }
.LBB2_2:
0x31: {  	_ =	strace $0x9000004C  }
0x32: {  	_ =	sfence.sel $0x180000  }
0x33: {  	[bflag:$0x0] =	sbarrier.arrive $0xFFFF  }
0x34: {  	p0 =	sne.s32 s1, $0x0;
	_ =	strace $0x90000047  }
0x35: {  	s0 =	sadd.s32 @!p0 $0x100000, s0;
	[bflag:$0x2] =	sbarrier.arrive $0xFFFF  }
0x36: {  	[sflag:s0] =	ssyncadd.tile.s32 @!p0 $0x1;
	_ =	shalt  }
.Lfunc_end2:
_tile_overlayer_lowered:
.L_overlay_start_2:
0x37: {  	(tag) =	ssettag $0x2  }
0x38: {  	s0 =	rddreg [dreg:$0x0];
	s2 =	stileid.u32  }
0x39: {  	s1 =	rddreg [dreg:$0x1];
	p0 =	sne.s32 s2, $0x0  }
0x3a: {  	s3 =	rddreg [dreg:$0x2];
	[bflag:$0x3] =	sbarrier.arrive $0xFFFF;
	s2 =	simm.s32 @!p0 $0x1C01  }
0x3b: {  	[timem:s3], [sflag:s2] =	dma.local @!p0 [hbm:s0], s1  }
0x3c: {  	s0 =	simm.s32 @!p0 $0x1  }
0x3d: {  	_ =	swait.ge @!p0 [sflag:s0], s1  }
0x3e: {  	s1 =	ssub.s32 @!p0 $0x0, s1;
	[sflag:s0] =	ssyncset.done @!p0 $0x0  }
0x3f: {  	[sflag:s0] =	ssyncadd.s32 @!p0 s1  }
0x40: {  	[bflag:$0x3] =	sbarrier.arrive $0xFFFF  }
0x41: {  	_ =	shalt  }

</sc_bundles>
